<compile_context>
chip_gen: v7x
topology: tpu7x:2x2x1
jax: 0.10.2.dev20260603
libtpu: 0.0.44.dev20260713+nightly
codegen_flags: <defaults>
</compile_context>

<pallas_src>
import functools

import jax
import jax.numpy as jnp
from jax import lax
from jax.experimental import pallas as pl
from jax.experimental.pallas import tpu as pltpu
from jax.experimental.pallas import tpu_sc as plsc

N = 10000
E = 160000
H = 256
NCLS = 64
BN_EPS = 1e-3

_BM = 5000



def _gelu(t):
    return 0.5 * t * (1.0 + lax.erf(t * 0.7071067811865476))


def _row_spec(bm, w):
    return pl.BlockSpec((bm, w), lambda i: (i, 0))


def _full_spec(shape):
    return pl.BlockSpec(shape, lambda i: tuple(0 for _ in shape))


def _stk_spec():
    return pl.BlockSpec((2, _BM, 128), lambda i: (0, i, 0))


def _upd_body(x_ref, ga_ref, gb_ref, ax_ref, cx_ref, aa_ref, ca_ref, ab_ref,
              cb_ref, wx_ref, wa_ref, wb_ref, b_ref, o_ref):
    xn = x_ref[...] * ax_ref[...] + cx_ref[...]
    ha = ga_ref[...] * aa_ref[...] + ca_ref[...]
    hb = gb_ref[...] * ab_ref[...] + cb_ref[...]
    t = (
        jnp.dot(xn, wx_ref[...], preferred_element_type=jnp.float32)
        + jnp.dot(ha, wa_ref[...], preferred_element_type=jnp.float32)
        + jnp.dot(hb, wb_ref[...], preferred_element_type=jnp.float32)
        + b_ref[...]
    )
    t = _gelu(t)
    t = t * lax.rsqrt(jnp.maximum(jnp.sum(t * t, axis=-1, keepdims=True), 1e-12))
    o_ref[...] = t + x_ref[...]


def _upd_tc(x, agg_a, agg_b, ax, cx, aa, ca, ab, cb, wx, wa, wb, b):
    m = x.shape[0]
    return pl.pallas_call(
        _upd_body,
        grid=(m // _BM,),
        in_specs=[
            _row_spec(_BM, H),
            _row_spec(_BM, 128),
            _row_spec(_BM, 128),
            _full_spec((1, H)),
            _full_spec((1, H)),
            _full_spec((1, 128)),
            _full_spec((1, 128)),
            _full_spec((1, 128)),
            _full_spec((1, 128)),
            _full_spec((H, H)),
            _full_spec((128, H)),
            _full_spec((128, H)),
            _full_spec((1, H)),
        ],
        out_specs=_row_spec(_BM, H),
        out_shape=jax.ShapeDtypeStruct((m, H), jnp.float32),
    )(x, agg_a, agg_b, ax, cx, aa, ca, ab, cb, wx, wa, wb, b)


def _pre_prep_body(x_ref, a_ref, c_ref, w_ref, b_ref, a2_ref, c2_ref, w2_ref,
                   b2_ref, ox_ref, oy_ref):
    xn = x_ref[...] * a_ref[...] + c_ref[...]
    x0 = _gelu(
        jnp.dot(xn, w_ref[...], preferred_element_type=jnp.float32) + b_ref[...]
    )
    ox_ref[...] = x0
    t = _gelu(
        jnp.dot(x0 * a2_ref[...] + c2_ref[...], w2_ref[...],
                preferred_element_type=jnp.float32) + b2_ref[...]
    )
    oy_ref[0, ...] = t[:, :128]
    oy_ref[1, ...] = t[:, 128:]


def _pre_prep_tc(x, a, c, w, b, a2, c2, w2, b2):
    m, k = x.shape
    return pl.pallas_call(
        _pre_prep_body,
        grid=(m // _BM,),
        in_specs=[
            _row_spec(_BM, k),
            _full_spec((1, k)),
            _full_spec((1, k)),
            _full_spec((k, H)),
            _full_spec((1, H)),
            _full_spec((1, H)),
            _full_spec((1, H)),
            _full_spec((H, H)),
            _full_spec((1, H)),
        ],
        out_specs=[_row_spec(_BM, H), _stk_spec()],
        out_shape=[
            jax.ShapeDtypeStruct((m, H), jnp.float32),
            jax.ShapeDtypeStruct((2, m, 128), jnp.float32),
        ],
    )(x, a, c, w, b, a2, c2, w2, b2)


def _upd_prep_body(x_ref, ga_ref, gb_ref, ax_ref, cx_ref, aa_ref, ca_ref,
                   ab_ref, cb_ref, wx_ref, wa_ref, wb_ref, b_ref,
                   a2_ref, c2_ref, w2_ref, b2_ref, ox_ref, oy_ref):
    xn = x_ref[...] * ax_ref[...] + cx_ref[...]
    ha = ga_ref[...] * aa_ref[...] + ca_ref[...]
    hb = gb_ref[...] * ab_ref[...] + cb_ref[...]
    t = (
        jnp.dot(xn, wx_ref[...], preferred_element_type=jnp.float32)
        + jnp.dot(ha, wa_ref[...], preferred_element_type=jnp.float32)
        + jnp.dot(hb, wb_ref[...], preferred_element_type=jnp.float32)
        + b_ref[...]
    )
    t = _gelu(t)
    t = t * lax.rsqrt(jnp.maximum(jnp.sum(t * t, axis=-1, keepdims=True), 1e-12))
    xnew = t + x_ref[...]
    ox_ref[...] = xnew
    y = _gelu(
        jnp.dot(xnew * a2_ref[...] + c2_ref[...], w2_ref[...],
                preferred_element_type=jnp.float32) + b2_ref[...]
    )
    oy_ref[0, ...] = y[:, :128]
    oy_ref[1, ...] = y[:, 128:]


def _upd_prep_tc(x, agg_a, agg_b, ax, cx, aa, ca, ab, cb, wx, wa, wb, b,
                 a2, c2, w2, b2):
    m = x.shape[0]
    return pl.pallas_call(
        _upd_prep_body,
        grid=(m // _BM,),
        in_specs=[
            _row_spec(_BM, H),
            _row_spec(_BM, 128),
            _row_spec(_BM, 128),
            _full_spec((1, H)),
            _full_spec((1, H)),
            _full_spec((1, 128)),
            _full_spec((1, 128)),
            _full_spec((1, 128)),
            _full_spec((1, 128)),
            _full_spec((H, H)),
            _full_spec((128, H)),
            _full_spec((128, H)),
            _full_spec((1, H)),
            _full_spec((1, H)),
            _full_spec((1, H)),
            _full_spec((H, H)),
            _full_spec((1, H)),
        ],
        out_specs=[_row_spec(_BM, H), _stk_spec()],
        out_shape=[
            jax.ShapeDtypeStruct((m, H), jnp.float32),
            jax.ShapeDtypeStruct((2, m, 128), jnp.float32),
        ],
    )(x, agg_a, agg_b, ax, cx, aa, ca, ab, cb, wx, wa, wb, b, a2, c2, w2, b2)


def _post_logits_body(e_ref, a_ref, c_ref, w_ref, b_ref, wl_ref, bl_ref, o_ref):
    xn = e_ref[...] * a_ref[...] + c_ref[...]
    t = _gelu(
        jnp.dot(xn, w_ref[...], preferred_element_type=jnp.float32) + b_ref[...]
    )
    o_ref[...] = (
        jnp.dot(t, wl_ref[...], preferred_element_type=jnp.float32) + bl_ref[...]
    )


def _post_logits_tc(emb, a, c, w, b, wl, bl):
    m = emb.shape[0]
    bm = 1024
    return pl.pallas_call(
        _post_logits_body,
        grid=(m // bm,),
        in_specs=[
            _row_spec(bm, H),
            _full_spec((1, H)),
            _full_spec((1, H)),
            _full_spec((H, H)),
            _full_spec((1, H)),
            _full_spec((H, NCLS)),
            _full_spec((1, NCLS)),
        ],
        out_specs=_row_spec(bm, NCLS),
        out_shape=jax.ShapeDtypeStruct((m, NCLS), jnp.float32),
    )(emb, a, c, w, b, wl, bl)



_INFO = plsc.get_sparse_core_info()
_NC, _NS, _L = _INFO.num_cores, _INFO.num_subcores, _INFO.num_lanes
_NW = _NC * _NS
_CH = 128
_CPS = 80
_EPAD = _NS * _CPS * _CH
_RPT = 624
_RTAIL = N - _RPT * _NS
_AGARB = 64


def _sc_agg(ystk, dstoff, src2d, zeros):
    mesh = plsc.VectorSubcoreMesh(core_axis_name="c", subcore_axis_name="s")

    @functools.partial(
        pl.kernel,
        out_type=jax.ShapeDtypeStruct((2 * N, 128), jnp.float32),
        mesh=mesh,
        scratch_types=[
            pltpu.VMEM((_CH,), jnp.int32),
            pltpu.VMEM((_CH,), jnp.int32),
            pltpu.VMEM((_CH,), jnp.int32),
            pltpu.VMEM((_CH,), jnp.int32),
            pltpu.VMEM((_CH, 128), jnp.float32),
            pltpu.VMEM((_CH, 128), jnp.float32),
            pltpu.VMEM_SHARED((N + _AGARB, 128), jnp.float32),
            pltpu.SemaphoreType.DMA,
            pltpu.SemaphoreType.DMA,
        ],
    )
    def k(y_hbm, dst_hbm, src_hbm, z_hbm, out_hbm,
          dst0, dst1, src0, src1, rows0, rows1, acc, sem0, sem1):
        c = lax.axis_index("c")
        s = lax.axis_index("s")
        pltpu.sync_copy(z_hbm.at[pl.ds(s * _RPT, _RPT)], acc.at[pl.ds(s * _RPT, _RPT)])

        @pl.when(s == _NS - 1)
        def _():
            tb = _RPT * _NS
            pltpu.sync_copy(z_hbm.at[pl.ds(tb, _RTAIL)], acc.at[pl.ds(tb, _RTAIL)])

        plsc.subcore_barrier()

        def loadidx(i, dref, sref):
            pltpu.sync_copy(dst_hbm.at[pl.ds(c * _EPAD + i * _CH, _CH)], dref)
            pltpu.sync_copy(src_hbm.at[pl.ds(i * _CH, _CH)], sref)

        def gather(dref, buf, sem):
            pltpu.async_copy(y_hbm.at[dref], buf, sem)

        def drain(dref, buf, sem):
            pltpu.make_async_copy(y_hbm.at[dref], buf, sem).wait()

        cbase = s * _CPS
        npair = _CPS // 2
        loadidx(cbase, dst0, src0)
        gather(dst0, rows0, sem0)

        def pair(p, carry):
            i0 = cbase + 2 * p
            i1 = i0 + 1
            loadidx(i1, dst1, src1)
            gather(dst1, rows1, sem1)
            drain(dst0, rows0, sem0)
            pltpu.sync_copy(rows0, acc.at[src0], add=True)

            @pl.when(p < npair - 1)
            def _():
                loadidx(i0 + 2, dst0, src0)
                gather(dst0, rows0, sem0)

            drain(dst1, rows1, sem1)
            pltpu.sync_copy(rows1, acc.at[src1], add=True)
            return carry

        lax.fori_loop(0, npair, pair, 0)
        plsc.subcore_barrier()
        pltpu.sync_copy(
            acc.at[pl.ds(s * _RPT, _RPT)],
            out_hbm.at[pl.ds(c * N + s * _RPT, _RPT)],
        )

        @pl.when(s == _NS - 1)
        def _():
            tb = _RPT * _NS
            pltpu.sync_copy(acc.at[pl.ds(tb, _RTAIL)], out_hbm.at[pl.ds(c * N + tb, _RTAIL)])

    return k(ystk, dstoff, src2d, zeros)


def _sc_gather(table, idx):
    b = idx.shape[0]
    d = table.shape[1]
    bpw = b // _NW
    mesh = plsc.VectorSubcoreMesh(core_axis_name="c", subcore_axis_name="s")

    @functools.partial(
        pl.kernel,
        out_type=jax.ShapeDtypeStruct((b, d), jnp.float32),
        mesh=mesh,
        scratch_types=[
            pltpu.VMEM((bpw,), jnp.int32),
            pltpu.VMEM((bpw, d), jnp.float32),
            pltpu.SemaphoreType.DMA,
        ],
    )
    def k(tab_hbm, idx_hbm, out_hbm, idx_v, rows_v, sem):
        wid = lax.axis_index("s") * _NC + lax.axis_index("c")
        base = wid * bpw
        pltpu.sync_copy(idx_hbm.at[pl.ds(base, bpw)], idx_v)
        pltpu.async_copy(tab_hbm.at[idx_v], rows_v, sem).wait()
        pltpu.sync_copy(rows_v, out_hbm.at[pl.ds(base, bpw)])

    return k(table, idx)




def _bn_fold(p, scale=None):
    a = p["gamma"] * lax.rsqrt(p["var"] + BN_EPS)
    c = p["beta"] - p["mean"] * a
    if scale is not None:
        a = a * scale
    return a.reshape(1, -1), c.reshape(1, -1)


def kernel(node_features, edges, edge_weights, node_indices, params):
    src = edges[0]
    dst = edges[1]
    scale = edge_weights[0] / jnp.sum(edge_weights)
    zeros = jnp.zeros((N, 128), jnp.float32)
    npad = _EPAD - E
    pad_i = jnp.arange(npad, dtype=jnp.int32)
    dstp = jnp.concatenate([dst, pad_i % N])
    srcp = jnp.concatenate([src, N + (pad_i % _AGARB)])
    dstoff = jnp.concatenate([dstp, dstp + N])
    src2d = srcp

    pre_a, pre_c = _bn_fold(params["preprocess"])
    p1a, p1c = _bn_fold(params["prep1"])
    x, ystk = _pre_prep_tc(
        node_features, pre_a, pre_c, params["preprocess"]["W"],
        params["preprocess"]["b"].reshape(1, -1),
        p1a, p1c, params["prep1"]["W"], params["prep1"]["b"].reshape(1, -1))

    for li in (1, 2, 3):
        upd = params[f"upd{li}"]
        aggstk = _sc_agg(ystk.reshape(2 * N, 128), dstoff, src2d, zeros)
        agg_a = aggstk[:N]
        agg_b = aggstk[N:]
        ua = upd["gamma"] * lax.rsqrt(upd["var"] + BN_EPS)
        uc = upd["beta"] - upd["mean"] * ua
        ax, cx = ua[:H].reshape(1, -1), uc[:H].reshape(1, -1)
        aa = (ua[H:H + 128] * scale).reshape(1, -1)
        ca = uc[H:H + 128].reshape(1, -1)
        ab = (ua[H + 128:] * scale).reshape(1, -1)
        cb = uc[H + 128:].reshape(1, -1)
        wx = upd["W"][:H]
        wa = upd["W"][H:H + 128]
        wb = upd["W"][H + 128:]
        ub = upd["b"].reshape(1, -1)
        if li < 3:
            nprep = params[f"prep{li + 1}"]
            na, nc = _bn_fold(nprep)
            x, ystk = _upd_prep_tc(
                x, agg_a, agg_b, ax, cx, aa, ca, ab, cb, wx, wa, wb, ub,
                na, nc, nprep["W"], nprep["b"].reshape(1, -1))
        else:
            x = _upd_tc(x, agg_a, agg_b, ax, cx, aa, ca, ab, cb, wx, wa, wb, ub)

    emb = _sc_gather(x, node_indices)
    post_a, post_c = _bn_fold(params["postprocess"])
    return _post_logits_tc(emb, post_a, post_c, params["postprocess"]["W"],
                           params["postprocess"]["b"].reshape(1, -1),
                           params["logits_W"], params["logits_b"].reshape(1, -1))

# --- scband reference (transcript-rebuilt; emitter-appended) ---
"""Pipeline reference for scband-gnnnode-classifier-5935644803687 (READ-ONLY COPY).

The authoritative reference and input builder live on the scoring server;
editing this copy changes nothing except your own understanding.
"""

import jax, jax.numpy as jnp
import numpy as np

N_NODES = 10000
N_EDGES = 160000
D_FEAT = 256
HIDDEN = 256
NUM_CLASSES = 64
BATCH = 2048
BN_EPS = 1e-3


def _ffn_params(key, din, dout):
    s = 1.0 / np.sqrt(din)
    return {
        "gamma": jnp.ones((din,), jnp.float32),
        "beta": jnp.zeros((din,), jnp.float32),
        "mean": jnp.zeros((din,), jnp.float32),
        "var": jnp.ones((din,), jnp.float32),
        "W": jax.random.uniform(key, (din, dout), jnp.float32, -s, s),
        "b": jnp.zeros((dout,), jnp.float32),
    }


def _ffn(x, p):
    # BatchNorm (inference mode, moving stats) -> Dropout (inactive) -> Dense(gelu)
    xn = (x - p["mean"]) / jnp.sqrt(p["var"] + BN_EPS) * p["gamma"] + p["beta"]
    return jax.nn.gelu(xn @ p["W"] + p["b"], approximate=False)


def _l2n(x):
    # tf.nn.l2_normalize
    return x * jax.lax.rsqrt(jnp.maximum(jnp.sum(x * x, axis=-1, keepdims=True), 1e-12))


def _conv(x, src, dst, ew, prep, upd):
    neigh = jnp.take(x, dst, axis=0)
    msg = _ffn(neigh, prep) * ew[:, None]
    agg = jax.ops.segment_sum(msg, src, num_segments=N_NODES)  # aggregation_type='sum'
    h = jnp.concatenate([x, agg], axis=1)  # combination_type='concat'
    return _l2n(_ffn(h, upd))  # normalize=True


def _forward(node_features, edge_weights, params, edges, node_indices):
    ew = edge_weights / jnp.sum(edge_weights)
    src, dst = edges[0], edges[1]
    x = _ffn(node_features, params["preprocess"])
    x = _conv(x, src, dst, ew, params["prep1"], params["upd1"]) + x
    x = _conv(x, src, dst, ew, params["prep2"], params["upd2"]) + x
    x = _conv(x, src, dst, ew, params["prep3"], params["upd3"]) + x
    x = _ffn(x, params["postprocess"])
    emb = jnp.take(x, node_indices, axis=0)
    return emb @ params["logits_W"] + params["logits_b"]


def setup_inputs(seed: int = 0) -> dict:
    key = jax.random.key(seed)
    ks = jax.random.split(key, 12)
    node_features = jax.random.normal(ks[0], (N_NODES, D_FEAT), jnp.float32)
    edges = jax.random.randint(ks[1], (2, N_EDGES), 0, N_NODES, dtype=jnp.int32)
    edge_weights = jnp.ones((N_EDGES,), jnp.float32)
    node_indices = jax.random.randint(ks[2], (BATCH,), 0, N_NODES, dtype=jnp.int32)
    sl = 1.0 / np.sqrt(HIDDEN)
    params = {
        "preprocess": _ffn_params(ks[3], D_FEAT, HIDDEN),
        "prep1": _ffn_params(ks[4], HIDDEN, HIDDEN),
        "upd1": _ffn_params(ks[5], 2 * HIDDEN, HIDDEN),
        "prep2": _ffn_params(ks[6], HIDDEN, HIDDEN),
        "upd2": _ffn_params(ks[7], 2 * HIDDEN, HIDDEN),
        "prep3": _ffn_params(ks[8], HIDDEN, HIDDEN),
        "upd3": _ffn_params(ks[9], 2 * HIDDEN, HIDDEN),
        "postprocess": _ffn_params(ks[10], HIDDEN, HIDDEN),
        "logits_W": jax.random.uniform(ks[11], (HIDDEN, NUM_CLASSES), jnp.float32, -sl, sl),
        "logits_b": jnp.zeros((NUM_CLASSES,), jnp.float32),
    }
    return {"node_features": node_features, "edges": edges, "edge_weights": edge_weights, "node_indices": node_indices, "params": params}


def reference(node_features, edges, edge_weights, node_indices, params):
    return _forward(node_features, edge_weights, params, edges, node_indices)

if __name__ == "__main__":
    import jax
    _d = setup_inputs()
    print(jax.jit(kernel)(*tuple(_d.values())))

</pallas_src>

<mosaic_0001>
#map = affine_map<(d0, d1) -> (0, 0)>
#map1 = affine_map<(d0, d1) -> (0)>
module attributes {stable_mosaic.version = 14 : i64} {
  func.func @k(%arg0: i32, %arg1: i32, %arg2: memref<20000x128xf32, #tpu.memory_space<hbm>>, %arg3: memref<327680xi32, #tpu.memory_space<hbm>>, %arg4: memref<163840xi32, #tpu.memory_space<hbm>>, %arg5: memref<10000x128xf32, #tpu.memory_space<hbm>>, %arg6: memref<20000x128xf32, #tpu.memory_space<hbm>>, %arg7: memref<128xi32, #tpu.memory_space<vmem>>, %arg8: memref<128xi32, #tpu.memory_space<vmem>>, %arg9: memref<128xi32, #tpu.memory_space<vmem>>, %arg10: memref<128xi32, #tpu.memory_space<vmem>>, %arg11: memref<128x128xf32, #tpu.memory_space<vmem>>, %arg12: memref<128x128xf32, #tpu.memory_space<vmem>>, %arg13: memref<10064x128xf32, #tpu.memory_space<vmem_shared>>, %arg14: memref<!tpu.dma_semaphore, #tpu.memory_space<semaphore_mem>>, %arg15: memref<!tpu.dma_semaphore, #tpu.memory_space<semaphore_mem>>) attributes {dimension_semantics = [#tpu.dimension_semantics<core_parallel>, #tpu.dimension_semantics<subcore_parallel>], iteration_bounds = array<i64: 2, 16>, scalar_prefetch = 0 : i64, scratch_operands = 9 : i64, tpu.core_type = #tpu.core_type<sc_vector_subcore>, window_params = [{transform_indices = #map}, {transform_indices = #map1}, {transform_indices = #map1}, {transform_indices = #map}, {transform_indices = #map}]} {
    %mul3A = arith.constant 624 : i32
    %mul3A_0 = arith.muli %arg1, %mul3A : i32
    %mul3A_1 = arith.constant 624 : i32
    %mul3A_2 = arith.muli %arg1, %mul3A_1 : i32
    "tpu.region"() ({
      %run_scoped3A = tpu.sem_alloc : memref<!tpu.dma_semaphore, #tpu.memory_space<semaphore_mem>>
      %dma_start3A_33 = arith.constant 0 : i32
      %dma_start3A_34 = tpu.memref_slice %arg13[%mul3A_2, %dma_start3A_33] : memref<10064x128xf32, #tpu.memory_space<vmem_shared>> -> memref<624x128xf32, #tpu.memory_space<vmem_shared>>
      %dma_start3A_35 = arith.constant 0 : i32
      %dma_start3A_36 = tpu.memref_slice %arg5[%mul3A_0, %dma_start3A_35] : memref<10000x128xf32, #tpu.memory_space<hbm>> -> memref<624x128xf32, #tpu.memory_space<hbm>>
      tpu.enqueue_dma source(%dma_start3A_36 : memref<624x128xf32, #tpu.memory_space<hbm>>) target(%dma_start3A_34 : memref<624x128xf32, #tpu.memory_space<vmem_shared>>) target_semaphore(%run_scoped3A : memref<!tpu.dma_semaphore, #tpu.memory_space<semaphore_mem>>)
      %dma_wait3A = arith.constant 0 : i32
      %dma_wait3A_37 = tpu.memref_slice %arg13[%mul3A_2, %dma_wait3A] : memref<10064x128xf32, #tpu.memory_space<vmem_shared>> -> memref<624x128xf32, #tpu.memory_space<vmem_shared>>
      %dma_wait3A_38 = arith.constant 0 : i32
      %dma_wait3A_39 = tpu.memref_slice %arg5[%mul3A_0, %dma_wait3A_38] : memref<10000x128xf32, #tpu.memory_space<hbm>> -> memref<624x128xf32, #tpu.memory_space<hbm>>
      tpu.wait_dma2 semaphore(%run_scoped3A : memref<!tpu.dma_semaphore, #tpu.memory_space<semaphore_mem>>) src(%dma_wait3A_39 : memref<624x128xf32, #tpu.memory_space<hbm>>) dst(%dma_wait3A_37 : memref<624x128xf32, #tpu.memory_space<vmem_shared>>)
      tpu.yield
    }) : () -> ()
    %eq3A = arith.constant 15 : i32
    %eq3A_3 = arith.cmpi eq, %arg1, %eq3A : i32
    %convert_element_type3A = arith.extui %eq3A_3 : i1 to i32
    %cond3A = arith.constant 0 : i32
    %cond3A_4 = arith.cmpi ne, %convert_element_type3A, %cond3A : i32
    scf.if %cond3A_4 {
      "tpu.region"() ({
        %run_scoped3A = tpu.sem_alloc : memref<!tpu.dma_semaphore, #tpu.memory_space<semaphore_mem>>
        %dma_start3A_33 = arith.constant 9984 : i32
        %dma_start3A_34 = arith.constant 0 : i32
        %dma_start3A_35 = tpu.memref_slice %arg13[%dma_start3A_33, %dma_start3A_34] : memref<10064x128xf32, #tpu.memory_space<vmem_shared>> -> memref<16x128xf32, #tpu.memory_space<vmem_shared>>
        %dma_start3A_36 = arith.constant 9984 : i32
        %dma_start3A_37 = arith.constant 0 : i32
        %dma_start3A_38 = tpu.memref_slice %arg5[%dma_start3A_36, %dma_start3A_37] : memref<10000x128xf32, #tpu.memory_space<hbm>> -> memref<16x128xf32, #tpu.memory_space<hbm>>
        tpu.enqueue_dma source(%dma_start3A_38 : memref<16x128xf32, #tpu.memory_space<hbm>>) target(%dma_start3A_35 : memref<16x128xf32, #tpu.memory_space<vmem_shared>>) target_semaphore(%run_scoped3A : memref<!tpu.dma_semaphore, #tpu.memory_space<semaphore_mem>>)
        %dma_wait3A = arith.constant 9984 : i32
        %dma_wait3A_39 = arith.constant 0 : i32
        %dma_wait3A_40 = tpu.memref_slice %arg13[%dma_wait3A, %dma_wait3A_39] : memref<10064x128xf32, #tpu.memory_space<vmem_shared>> -> memref<16x128xf32, #tpu.memory_space<vmem_shared>>
        %dma_wait3A_41 = arith.constant 9984 : i32
        %dma_wait3A_42 = arith.constant 0 : i32
        %dma_wait3A_43 = tpu.memref_slice %arg5[%dma_wait3A_41, %dma_wait3A_42] : memref<10000x128xf32, #tpu.memory_space<hbm>> -> memref<16x128xf32, #tpu.memory_space<hbm>>
        tpu.wait_dma2 semaphore(%run_scoped3A : memref<!tpu.dma_semaphore, #tpu.memory_space<semaphore_mem>>) src(%dma_wait3A_43 : memref<16x128xf32, #tpu.memory_space<hbm>>) dst(%dma_wait3A_40 : memref<16x128xf32, #tpu.memory_space<vmem_shared>>)
        tpu.yield
      }) : () -> ()
    } else {
    }
    %barrier3A = arith.constant 0 : index
    tpu.barrier barrier_id(%barrier3A)
    %mul3A_5 = arith.constant 80 : i32
    %mul3A_6 = arith.muli %arg1, %mul3A_5 : i32
    %mul3A_7 = arith.constant 163840 : i32
    %mul3A_8 = arith.muli %arg0, %mul3A_7 : i32
    %mul3A_9 = arith.constant 128 : i32
    %mul3A_10 = arith.muli %mul3A_6, %mul3A_9 : i32
    %add3A = arith.addi %mul3A_8, %mul3A_10 : i32
    "tpu.region"() ({
      %run_scoped3A = tpu.sem_alloc : memref<!tpu.dma_semaphore, #tpu.memory_space<semaphore_mem>>
      %dma_start3A_33 = tpu.memref_slice %arg3[%add3A] : memref<327680xi32, #tpu.memory_space<hbm>> -> memref<128xi32, #tpu.memory_space<hbm>>
      %dma_start3A_34 = tpu.memref_slice %arg3[%add3A] : memref<327680xi32, #tpu.memory_space<hbm>> -> memref<128xi32, #tpu.memory_space<hbm>>
      tpu.enqueue_dma source(%dma_start3A_34 : memref<128xi32, #tpu.memory_space<hbm>>) target(%arg7 : memref<128xi32, #tpu.memory_space<vmem>>) target_semaphore(%run_scoped3A : memref<!tpu.dma_semaphore, #tpu.memory_space<semaphore_mem>>)
      %dma_wait3A = tpu.memref_slice %arg3[%add3A] : memref<327680xi32, #tpu.memory_space<hbm>> -> memref<128xi32, #tpu.memory_space<hbm>>
      %dma_wait3A_35 = tpu.memref_slice %arg3[%add3A] : memref<327680xi32, #tpu.memory_space<hbm>> -> memref<128xi32, #tpu.memory_space<hbm>>
      tpu.wait_dma2 semaphore(%run_scoped3A : memref<!tpu.dma_semaphore, #tpu.memory_space<semaphore_mem>>) src(%dma_wait3A_35 : memref<128xi32, #tpu.memory_space<hbm>>) dst(%arg7 : memref<128xi32, #tpu.memory_space<vmem>>)
      tpu.yield
    }) : () -> ()
    %mul3A_11 = arith.constant 128 : i32
    %mul3A_12 = arith.muli %mul3A_6, %mul3A_11 : i32
    "tpu.region"() ({
      %run_scoped3A = tpu.sem_alloc : memref<!tpu.dma_semaphore, #tpu.memory_space<semaphore_mem>>
      %dma_start3A_33 = tpu.memref_slice %arg4[%mul3A_12] : memref<163840xi32, #tpu.memory_space<hbm>> -> memref<128xi32, #tpu.memory_space<hbm>>
      %dma_start3A_34 = tpu.memref_slice %arg4[%mul3A_12] : memref<163840xi32, #tpu.memory_space<hbm>> -> memref<128xi32, #tpu.memory_space<hbm>>
      tpu.enqueue_dma source(%dma_start3A_34 : memref<128xi32, #tpu.memory_space<hbm>>) target(%arg9 : memref<128xi32, #tpu.memory_space<vmem>>) target_semaphore(%run_scoped3A : memref<!tpu.dma_semaphore, #tpu.memory_space<semaphore_mem>>)
      %dma_wait3A = tpu.memref_slice %arg4[%mul3A_12] : memref<163840xi32, #tpu.memory_space<hbm>> -> memref<128xi32, #tpu.memory_space<hbm>>
      %dma_wait3A_35 = tpu.memref_slice %arg4[%mul3A_12] : memref<163840xi32, #tpu.memory_space<hbm>> -> memref<128xi32, #tpu.memory_space<hbm>>
      tpu.wait_dma2 semaphore(%run_scoped3A : memref<!tpu.dma_semaphore, #tpu.memory_space<semaphore_mem>>) src(%dma_wait3A_35 : memref<128xi32, #tpu.memory_space<hbm>>) dst(%arg9 : memref<128xi32, #tpu.memory_space<vmem>>)
      tpu.yield
    }) : () -> ()
    %dma_start3A = arith.constant 0 : i32
    %dma_start3A_13 = arith.constant 0 : i32
    %dma_start3A_14 = tpu.memref_slice %arg2[%dma_start3A, %dma_start3A_13] : memref<20000x128xf32, #tpu.memory_space<hbm>> -> memref<20000x128xf32, #tpu.memory_space<hbm>>
    tpu.enqueue_indirect_dma source(%dma_start3A_14 : memref<20000x128xf32, #tpu.memory_space<hbm>>) target(%arg11 : memref<128x128xf32, #tpu.memory_space<vmem>>) offsets(%arg7 : memref<128xi32, #tpu.memory_space<vmem>>) semaphore(%arg14 : memref<!tpu.dma_semaphore, #tpu.memory_space<semaphore_mem>>)
    %scan3A = arith.constant 0 : i32
    %scan3A_15 = arith.constant 0 : i32
    %scan3A_16 = arith.constant 40 : i32
    %scan3A_17 = arith.addi %scan3A_15, %scan3A_16 : i32
    %scan3A_18 = arith.constant 1 : i32
    scf.for %scan3A_33 = %scan3A_15 to %scan3A_17 step %scan3A_18  : i32 {
      %mul3A_34 = arith.constant 2 : i32
      %mul3A_35 = arith.muli %mul3A_34, %scan3A_33 : i32
      %add3A_36 = arith.addi %mul3A_6, %mul3A_35 : i32
      %add3A_37 = arith.constant 1 : i32
      %add3A_38 = arith.addi %add3A_36, %add3A_37 : i32
      %mul3A_39 = arith.constant 163840 : i32
      %mul3A_40 = arith.muli %arg0, %mul3A_39 : i32
      %mul3A_41 = arith.constant 128 : i32
      %mul3A_42 = arith.muli %add3A_38, %mul3A_41 : i32
      %add3A_43 = arith.addi %mul3A_40, %mul3A_42 : i32
      "tpu.region"() ({
        %run_scoped3A = tpu.sem_alloc : memref<!tpu.dma_semaphore, #tpu.memory_space<semaphore_mem>>
        %dma_start3A_58 = tpu.memref_slice %arg3[%add3A_43] : memref<327680xi32, #tpu.memory_space<hbm>> -> memref<128xi32, #tpu.memory_space<hbm>>
        %dma_start3A_59 = tpu.memref_slice %arg3[%add3A_43] : memref<327680xi32, #tpu.memory_space<hbm>> -> memref<128xi32, #tpu.memory_space<hbm>>
        tpu.enqueue_dma source(%dma_start3A_59 : memref<128xi32, #tpu.memory_space<hbm>>) target(%arg8 : memref<128xi32, #tpu.memory_space<vmem>>) target_semaphore(%run_scoped3A : memref<!tpu.dma_semaphore, #tpu.memory_space<semaphore_mem>>)
        %dma_wait3A_60 = tpu.memref_slice %arg3[%add3A_43] : memref<327680xi32, #tpu.memory_space<hbm>> -> memref<128xi32, #tpu.memory_space<hbm>>
        %dma_wait3A_61 = tpu.memref_slice %arg3[%add3A_43] : memref<327680xi32, #tpu.memory_space<hbm>> -> memref<128xi32, #tpu.memory_space<hbm>>
        tpu.wait_dma2 semaphore(%run_scoped3A : memref<!tpu.dma_semaphore, #tpu.memory_space<semaphore_mem>>) src(%dma_wait3A_61 : memref<128xi32, #tpu.memory_space<hbm>>) dst(%arg8 : memref<128xi32, #tpu.memory_space<vmem>>)
        tpu.yield
      }) : () -> ()
      %mul3A_44 = arith.constant 128 : i32
      %mul3A_45 = arith.muli %add3A_38, %mul3A_44 : i32
      "tpu.region"() ({
        %run_scoped3A = tpu.sem_alloc : memref<!tpu.dma_semaphore, #tpu.memory_space<semaphore_mem>>
        %dma_start3A_58 = tpu.memref_slice %arg4[%mul3A_45] : memref<163840xi32, #tpu.memory_space<hbm>> -> memref<128xi32, #tpu.memory_space<hbm>>
        %dma_start3A_59 = tpu.memref_slice %arg4[%mul3A_45] : memref<163840xi32, #tpu.memory_space<hbm>> -> memref<128xi32, #tpu.memory_space<hbm>>
        tpu.enqueue_dma source(%dma_start3A_59 : memref<128xi32, #tpu.memory_space<hbm>>) target(%arg10 : memref<128xi32, #tpu.memory_space<vmem>>) target_semaphore(%run_scoped3A : memref<!tpu.dma_semaphore, #tpu.memory_space<semaphore_mem>>)
        %dma_wait3A_60 = tpu.memref_slice %arg4[%mul3A_45] : memref<163840xi32, #tpu.memory_space<hbm>> -> memref<128xi32, #tpu.memory_space<hbm>>
        %dma_wait3A_61 = tpu.memref_slice %arg4[%mul3A_45] : memref<163840xi32, #tpu.memory_space<hbm>> -> memref<128xi32, #tpu.memory_space<hbm>>
        tpu.wait_dma2 semaphore(%run_scoped3A : memref<!tpu.dma_semaphore, #tpu.memory_space<semaphore_mem>>) src(%dma_wait3A_61 : memref<128xi32, #tpu.memory_space<hbm>>) dst(%arg10 : memref<128xi32, #tpu.memory_space<vmem>>)
        tpu.yield
      }) : () -> ()
      %dma_start3A_46 = arith.constant 0 : i32
      %dma_start3A_47 = arith.constant 0 : i32
      %dma_start3A_48 = tpu.memref_slice %arg2[%dma_start3A_46, %dma_start3A_47] : memref<20000x128xf32, #tpu.memory_space<hbm>> -> memref<20000x128xf32, #tpu.memory_space<hbm>>
      tpu.enqueue_indirect_dma source(%dma_start3A_48 : memref<20000x128xf32, #tpu.memory_space<hbm>>) target(%arg12 : memref<128x128xf32, #tpu.memory_space<vmem>>) offsets(%arg8 : memref<128xi32, #tpu.memory_space<vmem>>) semaphore(%arg15 : memref<!tpu.dma_semaphore, #tpu.memory_space<semaphore_mem>>)
      %dma_wait3A = arith.constant 0 : i32
      %dma_wait3A_49 = arith.constant 0 : i32
      %dma_wait3A_50 = tpu.memref_slice %arg2[%dma_wait3A, %dma_wait3A_49] : memref<20000x128xf32, #tpu.memory_space<hbm>> -> memref<20000x128xf32, #tpu.memory_space<hbm>>
      tpu.wait_indirect_dma semaphore(%arg14 : memref<!tpu.dma_semaphore, #tpu.memory_space<semaphore_mem>>) src(%dma_wait3A_50 : memref<20000x128xf32, #tpu.memory_space<hbm>>) dst(%arg11 : memref<128x128xf32, #tpu.memory_space<vmem>>)
      "tpu.region"() ({
        %run_scoped3A = tpu.sem_alloc : memref<!tpu.dma_semaphore, #tpu.memory_space<semaphore_mem>>
        %dma_start3A_58 = arith.constant 0 : i32
        %dma_start3A_59 = arith.constant 0 : i32
        %dma_start3A_60 = tpu.memref_slice %arg13[%dma_start3A_58, %dma_start3A_59] : memref<10064x128xf32, #tpu.memory_space<vmem_shared>> -> memref<10064x128xf32, #tpu.memory_space<vmem_shared>>
        tpu.enqueue_indirect_dma source(%arg11 : memref<128x128xf32, #tpu.memory_space<vmem>>) target(%dma_start3A_60 : memref<10064x128xf32, #tpu.memory_space<vmem_shared>>) offsets(%arg9 : memref<128xi32, #tpu.memory_space<vmem>>) semaphore(%run_scoped3A : memref<!tpu.dma_semaphore, #tpu.memory_space<semaphore_mem>>) {add = true}
        %dma_wait3A_61 = arith.constant 0 : i32
        %dma_wait3A_62 = arith.constant 0 : i32
        %dma_wait3A_63 = tpu.memref_slice %arg13[%dma_wait3A_61, %dma_wait3A_62] : memref<10064x128xf32, #tpu.memory_space<vmem_shared>> -> memref<10064x128xf32, #tpu.memory_space<vmem_shared>>
        tpu.wait_indirect_dma semaphore(%run_scoped3A : memref<!tpu.dma_semaphore, #tpu.memory_space<semaphore_mem>>) src(%arg11 : memref<128x128xf32, #tpu.memory_space<vmem>>) dst(%dma_wait3A_63 : memref<10064x128xf32, #tpu.memory_space<vmem_shared>>)
        tpu.yield
      }) : () -> ()
      %lt3A = arith.constant 39 : i32
      %lt3A_51 = arith.cmpi slt, %scan3A_33, %lt3A : i32
      %convert_element_type3A_52 = arith.extui %lt3A_51 : i1 to i32
      %cond3A_53 = arith.constant 0 : i32
      %cond3A_54 = arith.cmpi ne, %convert_element_type3A_52, %cond3A_53 : i32
      scf.if %cond3A_54 {
        %add3A_58 = arith.constant 2 : i32
        %add3A_59 = arith.addi %add3A_36, %add3A_58 : i32
        %mul3A_60 = arith.constant 163840 : i32
        %mul3A_61 = arith.muli %arg0, %mul3A_60 : i32
        %mul3A_62 = arith.constant 128 : i32
        %mul3A_63 = arith.muli %add3A_59, %mul3A_62 : i32
        %add3A_64 = arith.addi %mul3A_61, %mul3A_63 : i32
        "tpu.region"() ({
          %run_scoped3A = tpu.sem_alloc : memref<!tpu.dma_semaphore, #tpu.memory_space<semaphore_mem>>
          %dma_start3A_70 = tpu.memref_slice %arg3[%add3A_64] : memref<327680xi32, #tpu.memory_space<hbm>> -> memref<128xi32, #tpu.memory_space<hbm>>
          %dma_start3A_71 = tpu.memref_slice %arg3[%add3A_64] : memref<327680xi32, #tpu.memory_space<hbm>> -> memref<128xi32, #tpu.memory_space<hbm>>
          tpu.enqueue_dma source(%dma_start3A_71 : memref<128xi32, #tpu.memory_space<hbm>>) target(%arg7 : memref<128xi32, #tpu.memory_space<vmem>>) target_semaphore(%run_scoped3A : memref<!tpu.dma_semaphore, #tpu.memory_space<semaphore_mem>>)
          %dma_wait3A_72 = tpu.memref_slice %arg3[%add3A_64] : memref<327680xi32, #tpu.memory_space<hbm>> -> memref<128xi32, #tpu.memory_space<hbm>>
          %dma_wait3A_73 = tpu.memref_slice %arg3[%add3A_64] : memref<327680xi32, #tpu.memory_space<hbm>> -> memref<128xi32, #tpu.memory_space<hbm>>
          tpu.wait_dma2 semaphore(%run_scoped3A : memref<!tpu.dma_semaphore, #tpu.memory_space<semaphore_mem>>) src(%dma_wait3A_73 : memref<128xi32, #tpu.memory_space<hbm>>) dst(%arg7 : memref<128xi32, #tpu.memory_space<vmem>>)
          tpu.yield
        }) : () -> ()
        %mul3A_65 = arith.constant 128 : i32
        %mul3A_66 = arith.muli %add3A_59, %mul3A_65 : i32
        "tpu.region"() ({
          %run_scoped3A = tpu.sem_alloc : memref<!tpu.dma_semaphore, #tpu.memory_space<semaphore_mem>>
          %dma_start3A_70 = tpu.memref_slice %arg4[%mul3A_66] : memref<163840xi32, #tpu.memory_space<hbm>> -> memref<128xi32, #tpu.memory_space<hbm>>
          %dma_start3A_71 = tpu.memref_slice %arg4[%mul3A_66] : memref<163840xi32, #tpu.memory_space<hbm>> -> memref<128xi32, #tpu.memory_space<hbm>>
          tpu.enqueue_dma source(%dma_start3A_71 : memref<128xi32, #tpu.memory_space<hbm>>) target(%arg9 : memref<128xi32, #tpu.memory_space<vmem>>) target_semaphore(%run_scoped3A : memref<!tpu.dma_semaphore, #tpu.memory_space<semaphore_mem>>)
          %dma_wait3A_72 = tpu.memref_slice %arg4[%mul3A_66] : memref<163840xi32, #tpu.memory_space<hbm>> -> memref<128xi32, #tpu.memory_space<hbm>>
          %dma_wait3A_73 = tpu.memref_slice %arg4[%mul3A_66] : memref<163840xi32, #tpu.memory_space<hbm>> -> memref<128xi32, #tpu.memory_space<hbm>>
          tpu.wait_dma2 semaphore(%run_scoped3A : memref<!tpu.dma_semaphore, #tpu.memory_space<semaphore_mem>>) src(%dma_wait3A_73 : memref<128xi32, #tpu.memory_space<hbm>>) dst(%arg9 : memref<128xi32, #tpu.memory_space<vmem>>)
          tpu.yield
        }) : () -> ()
        %dma_start3A_67 = arith.constant 0 : i32
        %dma_start3A_68 = arith.constant 0 : i32
        %dma_start3A_69 = tpu.memref_slice %arg2[%dma_start3A_67, %dma_start3A_68] : memref<20000x128xf32, #tpu.memory_space<hbm>> -> memref<20000x128xf32, #tpu.memory_space<hbm>>
        tpu.enqueue_indirect_dma source(%dma_start3A_69 : memref<20000x128xf32, #tpu.memory_space<hbm>>) target(%arg11 : memref<128x128xf32, #tpu.memory_space<vmem>>) offsets(%arg7 : memref<128xi32, #tpu.memory_space<vmem>>) semaphore(%arg14 : memref<!tpu.dma_semaphore, #tpu.memory_space<semaphore_mem>>)
      } else {
      }
      %dma_wait3A_55 = arith.constant 0 : i32
      %dma_wait3A_56 = arith.constant 0 : i32
      %dma_wait3A_57 = tpu.memref_slice %arg2[%dma_wait3A_55, %dma_wait3A_56] : memref<20000x128xf32, #tpu.memory_space<hbm>> -> memref<20000x128xf32, #tpu.memory_space<hbm>>
      tpu.wait_indirect_dma semaphore(%arg15 : memref<!tpu.dma_semaphore, #tpu.memory_space<semaphore_mem>>) src(%dma_wait3A_57 : memref<20000x128xf32, #tpu.memory_space<hbm>>) dst(%arg12 : memref<128x128xf32, #tpu.memory_space<vmem>>)
      "tpu.region"() ({
        %run_scoped3A = tpu.sem_alloc : memref<!tpu.dma_semaphore, #tpu.memory_space<semaphore_mem>>
        %dma_start3A_58 = arith.constant 0 : i32
        %dma_start3A_59 = arith.constant 0 : i32
        %dma_start3A_60 = tpu.memref_slice %arg13[%dma_start3A_58, %dma_start3A_59] : memref<10064x128xf32, #tpu.memory_space<vmem_shared>> -> memref<10064x128xf32, #tpu.memory_space<vmem_shared>>
        tpu.enqueue_indirect_dma source(%arg12 : memref<128x128xf32, #tpu.memory_space<vmem>>) target(%dma_start3A_60 : memref<10064x128xf32, #tpu.memory_space<vmem_shared>>) offsets(%arg10 : memref<128xi32, #tpu.memory_space<vmem>>) semaphore(%run_scoped3A : memref<!tpu.dma_semaphore, #tpu.memory_space<semaphore_mem>>) {add = true}
        %dma_wait3A_61 = arith.constant 0 : i32
        %dma_wait3A_62 = arith.constant 0 : i32
        %dma_wait3A_63 = tpu.memref_slice %arg13[%dma_wait3A_61, %dma_wait3A_62] : memref<10064x128xf32, #tpu.memory_space<vmem_shared>> -> memref<10064x128xf32, #tpu.memory_space<vmem_shared>>
        tpu.wait_indirect_dma semaphore(%run_scoped3A : memref<!tpu.dma_semaphore, #tpu.memory_space<semaphore_mem>>) src(%arg12 : memref<128x128xf32, #tpu.memory_space<vmem>>) dst(%dma_wait3A_63 : memref<10064x128xf32, #tpu.memory_space<vmem_shared>>)
        tpu.yield
      }) : () -> ()
    }
    %scan3A_19 = arith.constant 40 : i32
    %barrier3A_20 = arith.constant 0 : index
    tpu.barrier barrier_id(%barrier3A_20)
    %mul3A_21 = arith.constant 624 : i32
    %mul3A_22 = arith.muli %arg1, %mul3A_21 : i32
    %mul3A_23 = arith.constant 10000 : i32
    %mul3A_24 = arith.muli %arg0, %mul3A_23 : i32
    %mul3A_25 = arith.constant 624 : i32
    %mul3A_26 = arith.muli %arg1, %mul3A_25 : i32
    %add3A_27 = arith.addi %mul3A_24, %mul3A_26 : i32
    "tpu.region"() ({
      %run_scoped3A = tpu.sem_alloc : memref<!tpu.dma_semaphore, #tpu.memory_space<semaphore_mem>>
      %dma_start3A_33 = arith.constant 0 : i32
      %dma_start3A_34 = tpu.memref_slice %arg6[%add3A_27, %dma_start3A_33] : memref<20000x128xf32, #tpu.memory_space<hbm>> -> memref<624x128xf32, #tpu.memory_space<hbm>>
      %dma_start3A_35 = arith.constant 0 : i32
      %dma_start3A_36 = tpu.memref_slice %arg13[%mul3A_22, %dma_start3A_35] : memref<10064x128xf32, #tpu.memory_space<vmem_shared>> -> memref<624x128xf32, #tpu.memory_space<vmem_shared>>
      tpu.enqueue_dma source(%dma_start3A_36 : memref<624x128xf32, #tpu.memory_space<vmem_shared>>) target(%dma_start3A_34 : memref<624x128xf32, #tpu.memory_space<hbm>>) target_semaphore(%run_scoped3A : memref<!tpu.dma_semaphore, #tpu.memory_space<semaphore_mem>>)
      %dma_wait3A = arith.constant 0 : i32
      %dma_wait3A_37 = tpu.memref_slice %arg6[%add3A_27, %dma_wait3A] : memref<20000x128xf32, #tpu.memory_space<hbm>> -> memref<624x128xf32, #tpu.memory_space<hbm>>
      %dma_wait3A_38 = arith.constant 0 : i32
      %dma_wait3A_39 = tpu.memref_slice %arg13[%mul3A_22, %dma_wait3A_38] : memref<10064x128xf32, #tpu.memory_space<vmem_shared>> -> memref<624x128xf32, #tpu.memory_space<vmem_shared>>
      tpu.wait_dma2 semaphore(%run_scoped3A : memref<!tpu.dma_semaphore, #tpu.memory_space<semaphore_mem>>) src(%dma_wait3A_39 : memref<624x128xf32, #tpu.memory_space<vmem_shared>>) dst(%dma_wait3A_37 : memref<624x128xf32, #tpu.memory_space<hbm>>)
      tpu.yield
    }) : () -> ()
    %eq3A_28 = arith.constant 15 : i32
    %eq3A_29 = arith.cmpi eq, %arg1, %eq3A_28 : i32
    %convert_element_type3A_30 = arith.extui %eq3A_29 : i1 to i32
    %cond3A_31 = arith.constant 0 : i32
    %cond3A_32 = arith.cmpi ne, %convert_element_type3A_30, %cond3A_31 : i32
    scf.if %cond3A_32 {
      %mul3A_33 = arith.constant 10000 : i32
      %mul3A_34 = arith.muli %arg0, %mul3A_33 : i32
      %add3A_35 = arith.constant 9984 : i32
      %add3A_36 = arith.addi %mul3A_34, %add3A_35 : i32
      "tpu.region"() ({
        %run_scoped3A = tpu.sem_alloc : memref<!tpu.dma_semaphore, #tpu.memory_space<semaphore_mem>>
        %dma_start3A_37 = arith.constant 0 : i32
        %dma_start3A_38 = tpu.memref_slice %arg6[%add3A_36, %dma_start3A_37] : memref<20000x128xf32, #tpu.memory_space<hbm>> -> memref<16x128xf32, #tpu.memory_space<hbm>>
        %dma_start3A_39 = arith.constant 9984 : i32
        %dma_start3A_40 = arith.constant 0 : i32
        %dma_start3A_41 = tpu.memref_slice %arg13[%dma_start3A_39, %dma_start3A_40] : memref<10064x128xf32, #tpu.memory_space<vmem_shared>> -> memref<16x128xf32, #tpu.memory_space<vmem_shared>>
        tpu.enqueue_dma source(%dma_start3A_41 : memref<16x128xf32, #tpu.memory_space<vmem_shared>>) target(%dma_start3A_38 : memref<16x128xf32, #tpu.memory_space<hbm>>) target_semaphore(%run_scoped3A : memref<!tpu.dma_semaphore, #tpu.memory_space<semaphore_mem>>)
        %dma_wait3A = arith.constant 0 : i32
        %dma_wait3A_42 = tpu.memref_slice %arg6[%add3A_36, %dma_wait3A] : memref<20000x128xf32, #tpu.memory_space<hbm>> -> memref<16x128xf32, #tpu.memory_space<hbm>>
        %dma_wait3A_43 = arith.constant 9984 : i32
        %dma_wait3A_44 = arith.constant 0 : i32
        %dma_wait3A_45 = tpu.memref_slice %arg13[%dma_wait3A_43, %dma_wait3A_44] : memref<10064x128xf32, #tpu.memory_space<vmem_shared>> -> memref<16x128xf32, #tpu.memory_space<vmem_shared>>
        tpu.wait_dma2 semaphore(%run_scoped3A : memref<!tpu.dma_semaphore, #tpu.memory_space<semaphore_mem>>) src(%dma_wait3A_45 : memref<16x128xf32, #tpu.memory_space<vmem_shared>>) dst(%dma_wait3A_42 : memref<16x128xf32, #tpu.memory_space<hbm>>)
        tpu.yield
      }) : () -> ()
    } else {
    }
    return
  }
}

#map = affine_map<(d0, d1) -> (0, 0)>
#map1 = affine_map<(d0, d1) -> (0)>
module attributes {stable_mosaic.version = 14 : i64} {
  func.func @k(%arg0: i32, %arg1: i32, %arg2: memref<10000x256xf32, #tpu.memory_space<hbm>>, %arg3: memref<2048xi32, #tpu.memory_space<hbm>>, %arg4: memref<2048x256xf32, #tpu.memory_space<hbm>>, %arg5: memref<64xi32, #tpu.memory_space<vmem>>, %arg6: memref<64x256xf32, #tpu.memory_space<vmem>>, %arg7: memref<!tpu.dma_semaphore, #tpu.memory_space<semaphore_mem>>) attributes {dimension_semantics = [#tpu.dimension_semantics<core_parallel>, #tpu.dimension_semantics<subcore_parallel>], iteration_bounds = array<i64: 2, 16>, scalar_prefetch = 0 : i64, scratch_operands = 3 : i64, tpu.core_type = #tpu.core_type<sc_vector_subcore>, window_params = [{transform_indices = #map}, {transform_indices = #map1}, {transform_indices = #map}]} {
    %mul3A = arith.constant 2 : i32
    %mul3A_0 = arith.muli %arg1, %mul3A : i32
    %add3A = arith.addi %mul3A_0, %arg0 : i32
    %mul3A_1 = arith.constant 64 : i32
    %mul3A_2 = arith.muli %add3A, %mul3A_1 : i32
    "tpu.region"() ({
      %run_scoped3A = tpu.sem_alloc : memref<!tpu.dma_semaphore, #tpu.memory_space<semaphore_mem>>
      %dma_start3A_7 = tpu.memref_slice %arg3[%mul3A_2] : memref<2048xi32, #tpu.memory_space<hbm>> -> memref<64xi32, #tpu.memory_space<hbm>>
      %dma_start3A_8 = tpu.memref_slice %arg3[%mul3A_2] : memref<2048xi32, #tpu.memory_space<hbm>> -> memref<64xi32, #tpu.memory_space<hbm>>
      tpu.enqueue_dma source(%dma_start3A_8 : memref<64xi32, #tpu.memory_space<hbm>>) target(%arg5 : memref<64xi32, #tpu.memory_space<vmem>>) target_semaphore(%run_scoped3A : memref<!tpu.dma_semaphore, #tpu.memory_space<semaphore_mem>>)
      %dma_wait3A_9 = tpu.memref_slice %arg3[%mul3A_2] : memref<2048xi32, #tpu.memory_space<hbm>> -> memref<64xi32, #tpu.memory_space<hbm>>
      %dma_wait3A_10 = tpu.memref_slice %arg3[%mul3A_2] : memref<2048xi32, #tpu.memory_space<hbm>> -> memref<64xi32, #tpu.memory_space<hbm>>
      tpu.wait_dma2 semaphore(%run_scoped3A : memref<!tpu.dma_semaphore, #tpu.memory_space<semaphore_mem>>) src(%dma_wait3A_10 : memref<64xi32, #tpu.memory_space<hbm>>) dst(%arg5 : memref<64xi32, #tpu.memory_space<vmem>>)
      tpu.yield
    }) : () -> ()
    %dma_start3A = arith.constant 0 : i32
    %dma_start3A_3 = arith.constant 0 : i32
    %dma_start3A_4 = tpu.memref_slice %arg2[%dma_start3A, %dma_start3A_3] : memref<10000x256xf32, #tpu.memory_space<hbm>> -> memref<10000x256xf32, #tpu.memory_space<hbm>>
    tpu.enqueue_indirect_dma source(%dma_start3A_4 : memref<10000x256xf32, #tpu.memory_space<hbm>>) target(%arg6 : memref<64x256xf32, #tpu.memory_space<vmem>>) offsets(%arg5 : memref<64xi32, #tpu.memory_space<vmem>>) semaphore(%arg7 : memref<!tpu.dma_semaphore, #tpu.memory_space<semaphore_mem>>)
    %dma_wait3A = arith.constant 0 : i32
    %dma_wait3A_5 = arith.constant 0 : i32
    %dma_wait3A_6 = tpu.memref_slice %arg2[%dma_wait3A, %dma_wait3A_5] : memref<10000x256xf32, #tpu.memory_space<hbm>> -> memref<10000x256xf32, #tpu.memory_space<hbm>>
    tpu.wait_indirect_dma semaphore(%arg7 : memref<!tpu.dma_semaphore, #tpu.memory_space<semaphore_mem>>) src(%dma_wait3A_6 : memref<10000x256xf32, #tpu.memory_space<hbm>>) dst(%arg6 : memref<64x256xf32, #tpu.memory_space<vmem>>)
    "tpu.region"() ({
      %run_scoped3A = tpu.sem_alloc : memref<!tpu.dma_semaphore, #tpu.memory_space<semaphore_mem>>
      %dma_start3A_7 = arith.constant 0 : i32
      %dma_start3A_8 = tpu.memref_slice %arg4[%mul3A_2, %dma_start3A_7] : memref<2048x256xf32, #tpu.memory_space<hbm>> -> memref<64x256xf32, #tpu.memory_space<hbm>>
      %dma_start3A_9 = arith.constant 0 : i32
      %dma_start3A_10 = tpu.memref_slice %arg4[%mul3A_2, %dma_start3A_9] : memref<2048x256xf32, #tpu.memory_space<hbm>> -> memref<64x256xf32, #tpu.memory_space<hbm>>
      tpu.enqueue_dma source(%arg6 : memref<64x256xf32, #tpu.memory_space<vmem>>) target(%dma_start3A_10 : memref<64x256xf32, #tpu.memory_space<hbm>>) target_semaphore(%run_scoped3A : memref<!tpu.dma_semaphore, #tpu.memory_space<semaphore_mem>>)
      %dma_wait3A_11 = arith.constant 0 : i32
      %dma_wait3A_12 = tpu.memref_slice %arg4[%mul3A_2, %dma_wait3A_11] : memref<2048x256xf32, #tpu.memory_space<hbm>> -> memref<64x256xf32, #tpu.memory_space<hbm>>
      %dma_wait3A_13 = arith.constant 0 : i32
      %dma_wait3A_14 = tpu.memref_slice %arg4[%mul3A_2, %dma_wait3A_13] : memref<2048x256xf32, #tpu.memory_space<hbm>> -> memref<64x256xf32, #tpu.memory_space<hbm>>
      tpu.wait_dma2 semaphore(%run_scoped3A : memref<!tpu.dma_semaphore, #tpu.memory_space<semaphore_mem>>) src(%arg6 : memref<64x256xf32, #tpu.memory_space<vmem>>) dst(%dma_wait3A_14 : memref<64x256xf32, #tpu.memory_space<hbm>>)
      tpu.yield
    }) : () -> ()
    return
  }
}

#map = affine_map<(d0, d1) -> (0, 0)>
#map1 = affine_map<(d0, d1) -> (0)>
module attributes {stable_mosaic.version = 14 : i64} {
  func.func @k(%arg0: i32, %arg1: i32, %arg2: memref<20000x128xf32, #tpu.memory_space<hbm>>, %arg3: memref<327680xi32, #tpu.memory_space<hbm>>, %arg4: memref<163840xi32, #tpu.memory_space<hbm>>, %arg5: memref<10000x128xf32, #tpu.memory_space<hbm>>, %arg6: memref<20000x128xf32, #tpu.memory_space<hbm>>, %arg7: memref<128xi32, #tpu.memory_space<vmem>>, %arg8: memref<128xi32, #tpu.memory_space<vmem>>, %arg9: memref<128xi32, #tpu.memory_space<vmem>>, %arg10: memref<128xi32, #tpu.memory_space<vmem>>, %arg11: memref<128x128xf32, #tpu.memory_space<vmem>>, %arg12: memref<128x128xf32, #tpu.memory_space<vmem>>, %arg13: memref<10064x128xf32, #tpu.memory_space<vmem_shared>>, %arg14: memref<!tpu.dma_semaphore, #tpu.memory_space<semaphore_mem>>, %arg15: memref<!tpu.dma_semaphore, #tpu.memory_space<semaphore_mem>>) attributes {dimension_semantics = [#tpu.dimension_semantics<core_parallel>, #tpu.dimension_semantics<subcore_parallel>], iteration_bounds = array<i64: 2, 16>, scalar_prefetch = 0 : i64, scratch_operands = 9 : i64, tpu.core_type = #tpu.core_type<sc_vector_subcore>, window_params = [{transform_indices = #map}, {transform_indices = #map1}, {transform_indices = #map1}, {transform_indices = #map}, {transform_indices = #map}]} {
    %mul3A = arith.constant 624 : i32
    %mul3A_0 = arith.muli %arg1, %mul3A : i32
    %mul3A_1 = arith.constant 624 : i32
    %mul3A_2 = arith.muli %arg1, %mul3A_1 : i32
    "tpu.region"() ({
      %run_scoped3A = tpu.sem_alloc : memref<!tpu.dma_semaphore, #tpu.memory_space<semaphore_mem>>
      %dma_start3A_33 = arith.constant 0 : i32
      %dma_start3A_34 = tpu.memref_slice %arg13[%mul3A_2, %dma_start3A_33] : memref<10064x128xf32, #tpu.memory_space<vmem_shared>> -> memref<624x128xf32, #tpu.memory_space<vmem_shared>>
      %dma_start3A_35 = arith.constant 0 : i32
      %dma_start3A_36 = tpu.memref_slice %arg5[%mul3A_0, %dma_start3A_35] : memref<10000x128xf32, #tpu.memory_space<hbm>> -> memref<624x128xf32, #tpu.memory_space<hbm>>
      tpu.enqueue_dma source(%dma_start3A_36 : memref<624x128xf32, #tpu.memory_space<hbm>>) target(%dma_start3A_34 : memref<624x128xf32, #tpu.memory_space<vmem_shared>>) target_semaphore(%run_scoped3A : memref<!tpu.dma_semaphore, #tpu.memory_space<semaphore_mem>>)
      %dma_wait3A = arith.constant 0 : i32
      %dma_wait3A_37 = tpu.memref_slice %arg13[%mul3A_2, %dma_wait3A] : memref<10064x128xf32, #tpu.memory_space<vmem_shared>> -> memref<624x128xf32, #tpu.memory_space<vmem_shared>>
      %dma_wait3A_38 = arith.constant 0 : i32
      %dma_wait3A_39 = tpu.memref_slice %arg5[%mul3A_0, %dma_wait3A_38] : memref<10000x128xf32, #tpu.memory_space<hbm>> -> memref<624x128xf32, #tpu.memory_space<hbm>>
      tpu.wait_dma2 semaphore(%run_scoped3A : memref<!tpu.dma_semaphore, #tpu.memory_space<semaphore_mem>>) src(%dma_wait3A_39 : memref<624x128xf32, #tpu.memory_space<hbm>>) dst(%dma_wait3A_37 : memref<624x128xf32, #tpu.memory_space<vmem_shared>>)
      tpu.yield
    }) : () -> ()
    %eq3A = arith.constant 15 : i32
    %eq3A_3 = arith.cmpi eq, %arg1, %eq3A : i32
    %convert_element_type3A = arith.extui %eq3A_3 : i1 to i32
    %cond3A = arith.constant 0 : i32
    %cond3A_4 = arith.cmpi ne, %convert_element_type3A, %cond3A : i32
    scf.if %cond3A_4 {
      "tpu.region"() ({
        %run_scoped3A = tpu.sem_alloc : memref<!tpu.dma_semaphore, #tpu.memory_space<semaphore_mem>>
        %dma_start3A_33 = arith.constant 9984 : i32
        %dma_start3A_34 = arith.constant 0 : i32
        %dma_start3A_35 = tpu.memref_slice %arg13[%dma_start3A_33, %dma_start3A_34] : memref<10064x128xf32, #tpu.memory_space<vmem_shared>> -> memref<16x128xf32, #tpu.memory_space<vmem_shared>>
        %dma_start3A_36 = arith.constant 9984 : i32
        %dma_start3A_37 = arith.constant 0 : i32
        %dma_start3A_38 = tpu.memref_slice %arg5[%dma_start3A_36, %dma_start3A_37] : memref<10000x128xf32, #tpu.memory_space<hbm>> -> memref<16x128xf32, #tpu.memory_space<hbm>>
        tpu.enqueue_dma source(%dma_start3A_38 : memref<16x128xf32, #tpu.memory_space<hbm>>) target(%dma_start3A_35 : memref<16x128xf32, #tpu.memory_space<vmem_shared>>) target_semaphore(%run_scoped3A : memref<!tpu.dma_semaphore, #tpu.memory_space<semaphore_mem>>)
        %dma_wait3A = arith.constant 9984 : i32
        %dma_wait3A_39 = arith.constant 0 : i32
        %dma_wait3A_40 = tpu.memref_slice %arg13[%dma_wait3A, %dma_wait3A_39] : memref<10064x128xf32, #tpu.memory_space<vmem_shared>> -> memref<16x128xf32, #tpu.memory_space<vmem_shared>>
        %dma_wait3A_41 = arith.constant 9984 : i32
        %dma_wait3A_42 = arith.constant 0 : i32
        %dma_wait3A_43 = tpu.memref_slice %arg5[%dma_wait3A_41, %dma_wait3A_42] : memref<10000x128xf32, #tpu.memory_space<hbm>> -> memref<16x128xf32, #tpu.memory_space<hbm>>
        tpu.wait_dma2 semaphore(%run_scoped3A : memref<!tpu.dma_semaphore, #tpu.memory_space<semaphore_mem>>) src(%dma_wait3A_43 : memref<16x128xf32, #tpu.memory_space<hbm>>) dst(%dma_wait3A_40 : memref<16x128xf32, #tpu.memory_space<vmem_shared>>)
        tpu.yield
      }) : () -> ()
    } else {
    }
    %barrier3A = arith.constant 0 : index
    tpu.barrier barrier_id(%barrier3A)
    %mul3A_5 = arith.constant 80 : i32
    %mul3A_6 = arith.muli %arg1, %mul3A_5 : i32
    %mul3A_7 = arith.constant 163840 : i32
    %mul3A_8 = arith.muli %arg0, %mul3A_7 : i32
    %mul3A_9 = arith.constant 128 : i32
    %mul3A_10 = arith.muli %mul3A_6, %mul3A_9 : i32
    %add3A = arith.addi %mul3A_8, %mul3A_10 : i32
    "tpu.region"() ({
      %run_scoped3A = tpu.sem_alloc : memref<!tpu.dma_semaphore, #tpu.memory_space<semaphore_mem>>
      %dma_start3A_33 = tpu.memref_slice %arg3[%add3A] : memref<327680xi32, #tpu.memory_space<hbm>> -> memref<128xi32, #tpu.memory_space<hbm>>
      %dma_start3A_34 = tpu.memref_slice %arg3[%add3A] : memref<327680xi32, #tpu.memory_space<hbm>> -> memref<128xi32, #tpu.memory_space<hbm>>
      tpu.enqueue_dma source(%dma_start3A_34 : memref<128xi32, #tpu.memory_space<hbm>>) target(%arg7 : memref<128xi32, #tpu.memory_space<vmem>>) target_semaphore(%run_scoped3A : memref<!tpu.dma_semaphore, #tpu.memory_space<semaphore_mem>>)
      %dma_wait3A = tpu.memref_slice %arg3[%add3A] : memref<327680xi32, #tpu.memory_space<hbm>> -> memref<128xi32, #tpu.memory_space<hbm>>
      %dma_wait3A_35 = tpu.memref_slice %arg3[%add3A] : memref<327680xi32, #tpu.memory_space<hbm>> -> memref<128xi32, #tpu.memory_space<hbm>>
      tpu.wait_dma2 semaphore(%run_scoped3A : memref<!tpu.dma_semaphore, #tpu.memory_space<semaphore_mem>>) src(%dma_wait3A_35 : memref<128xi32, #tpu.memory_space<hbm>>) dst(%arg7 : memref<128xi32, #tpu.memory_space<vmem>>)
      tpu.yield
    }) : () -> ()
    %mul3A_11 = arith.constant 128 : i32
    %mul3A_12 = arith.muli %mul3A_6, %mul3A_11 : i32
    "tpu.region"() ({
      %run_scoped3A = tpu.sem_alloc : memref<!tpu.dma_semaphore, #tpu.memory_space<semaphore_mem>>
      %dma_start3A_33 = tpu.memref_slice %arg4[%mul3A_12] : memref<163840xi32, #tpu.memory_space<hbm>> -> memref<128xi32, #tpu.memory_space<hbm>>
      %dma_start3A_34 = tpu.memref_slice %arg4[%mul3A_12] : memref<163840xi32, #tpu.memory_space<hbm>> -> memref<128xi32, #tpu.memory_space<hbm>>
      tpu.enqueue_dma source(%dma_start3A_34 : memref<128xi32, #tpu.memory_space<hbm>>) target(%arg9 : memref<128xi32, #tpu.memory_space<vmem>>) target_semaphore(%run_scoped3A : memref<!tpu.dma_semaphore, #tpu.memory_space<semaphore_mem>>)
      %dma_wait3A = tpu.memref_slice %arg4[%mul3A_12] : memref<163840xi32, #tpu.memory_space<hbm>> -> memref<128xi32, #tpu.memory_space<hbm>>
      %dma_wait3A_35 = tpu.memref_slice %arg4[%mul3A_12] : memref<163840xi32, #tpu.memory_space<hbm>> -> memref<128xi32, #tpu.memory_space<hbm>>
      tpu.wait_dma2 semaphore(%run_scoped3A : memref<!tpu.dma_semaphore, #tpu.memory_space<semaphore_mem>>) src(%dma_wait3A_35 : memref<128xi32, #tpu.memory_space<hbm>>) dst(%arg9 : memref<128xi32, #tpu.memory_space<vmem>>)
      tpu.yield
    }) : () -> ()
    %dma_start3A = arith.constant 0 : i32
    %dma_start3A_13 = arith.constant 0 : i32
    %dma_start3A_14 = tpu.memref_slice %arg2[%dma_start3A, %dma_start3A_13] : memref<20000x128xf32, #tpu.memory_space<hbm>> -> memref<20000x128xf32, #tpu.memory_space<hbm>>
    tpu.enqueue_indirect_dma source(%dma_start3A_14 : memref<20000x128xf32, #tpu.memory_space<hbm>>) target(%arg11 : memref<128x128xf32, #tpu.memory_space<vmem>>) offsets(%arg7 : memref<128xi32, #tpu.memory_space<vmem>>) semaphore(%arg14 : memref<!tpu.dma_semaphore, #tpu.memory_space<semaphore_mem>>)
    %scan3A = arith.constant 0 : i32
    %scan3A_15 = arith.constant 0 : i32
    %scan3A_16 = arith.constant 40 : i32
    %scan3A_17 = arith.addi %scan3A_15, %scan3A_16 : i32
    %scan3A_18 = arith.constant 1 : i32
    scf.for %scan3A_33 = %scan3A_15 to %scan3A_17 step %scan3A_18  : i32 {
      %mul3A_34 = arith.constant 2 : i32
      %mul3A_35 = arith.muli %mul3A_34, %scan3A_33 : i32
      %add3A_36 = arith.addi %mul3A_6, %mul3A_35 : i32
      %add3A_37 = arith.constant 1 : i32
      %add3A_38 = arith.addi %add3A_36, %add3A_37 : i32
      %mul3A_39 = arith.constant 163840 : i32
      %mul3A_40 = arith.muli %arg0, %mul3A_39 : i32
      %mul3A_41 = arith.constant 128 : i32
      %mul3A_42 = arith.muli %add3A_38, %mul3A_41 : i32
      %add3A_43 = arith.addi %mul3A_40, %mul3A_42 : i32
      "tpu.region"() ({
        %run_scoped3A = tpu.sem_alloc : memref<!tpu.dma_semaphore, #tpu.memory_space<semaphore_mem>>
        %dma_start3A_58 = tpu.memref_slice %arg3[%add3A_43] : memref<327680xi32, #tpu.memory_space<hbm>> -> memref<128xi32, #tpu.memory_space<hbm>>
        %dma_start3A_59 = tpu.memref_slice %arg3[%add3A_43] : memref<327680xi32, #tpu.memory_space<hbm>> -> memref<128xi32, #tpu.memory_space<hbm>>
        tpu.enqueue_dma source(%dma_start3A_59 : memref<128xi32, #tpu.memory_space<hbm>>) target(%arg8 : memref<128xi32, #tpu.memory_space<vmem>>) target_semaphore(%run_scoped3A : memref<!tpu.dma_semaphore, #tpu.memory_space<semaphore_mem>>)
        %dma_wait3A_60 = tpu.memref_slice %arg3[%add3A_43] : memref<327680xi32, #tpu.memory_space<hbm>> -> memref<128xi32, #tpu.memory_space<hbm>>
        %dma_wait3A_61 = tpu.memref_slice %arg3[%add3A_43] : memref<327680xi32, #tpu.memory_space<hbm>> -> memref<128xi32, #tpu.memory_space<hbm>>
        tpu.wait_dma2 semaphore(%run_scoped3A : memref<!tpu.dma_semaphore, #tpu.memory_space<semaphore_mem>>) src(%dma_wait3A_61 : memref<128xi32, #tpu.memory_space<hbm>>) dst(%arg8 : memref<128xi32, #tpu.memory_space<vmem>>)
        tpu.yield
      }) : () -> ()
      %mul3A_44 = arith.constant 128 : i32
      %mul3A_45 = arith.muli %add3A_38, %mul3A_44 : i32
      "tpu.region"() ({
        %run_scoped3A = tpu.sem_alloc : memref<!tpu.dma_semaphore, #tpu.memory_space<semaphore_mem>>
        %dma_start3A_58 = tpu.memref_slice %arg4[%mul3A_45] : memref<163840xi32, #tpu.memory_space<hbm>> -> memref<128xi32, #tpu.memory_space<hbm>>
        %dma_start3A_59 = tpu.memref_slice %arg4[%mul3A_45] : memref<163840xi32, #tpu.memory_space<hbm>> -> memref<128xi32, #tpu.memory_space<hbm>>
        tpu.enqueue_dma source(%dma_start3A_59 : memref<128xi32, #tpu.memory_space<hbm>>) target(%arg10 : memref<128xi32, #tpu.memory_space<vmem>>) target_semaphore(%run_scoped3A : memref<!tpu.dma_semaphore, #tpu.memory_space<semaphore_mem>>)
        %dma_wait3A_60 = tpu.memref_slice %arg4[%mul3A_45] : memref<163840xi32, #tpu.memory_space<hbm>> -> memref<128xi32, #tpu.memory_space<hbm>>
        %dma_wait3A_61 = tpu.memref_slice %arg4[%mul3A_45] : memref<163840xi32, #tpu.memory_space<hbm>> -> memref<128xi32, #tpu.memory_space<hbm>>
        tpu.wait_dma2 semaphore(%run_scoped3A : memref<!tpu.dma_semaphore, #tpu.memory_space<semaphore_mem>>) src(%dma_wait3A_61 : memref<128xi32, #tpu.memory_space<hbm>>) dst(%arg10 : memref<128xi32, #tpu.memory_space<vmem>>)
        tpu.yield
      }) : () -> ()
      %dma_start3A_46 = arith.constant 0 : i32
      %dma_start3A_47 = arith.constant 0 : i32
      %dma_start3A_48 = tpu.memref_slice %arg2[%dma_start3A_46, %dma_start3A_47] : memref<20000x128xf32, #tpu.memory_space<hbm>> -> memref<20000x128xf32, #tpu.memory_space<hbm>>
      tpu.enqueue_indirect_dma source(%dma_start3A_48 : memref<20000x128xf32, #tpu.memory_space<hbm>>) target(%arg12 : memref<128x128xf32, #tpu.memory_space<vmem>>) offsets(%arg8 : memref<128xi32, #tpu.memory_space<vmem>>) semaphore(%arg15 : memref<!tpu.dma_semaphore, #tpu.memory_space<semaphore_mem>>)
      %dma_wait3A = arith.constant 0 : i32
      %dma_wait3A_49 = arith.constant 0 : i32
      %dma_wait3A_50 = tpu.memref_slice %arg2[%dma_wait3A, %dma_wait3A_49] : memref<20000x128xf32, #tpu.memory_space<hbm>> -> memref<20000x128xf32, #tpu.memory_space<hbm>>
      tpu.wait_indirect_dma semaphore(%arg14 : memref<!tpu.dma_semaphore, #tpu.memory_space<semaphore_mem>>) src(%dma_wait3A_50 : memref<20000x128xf32, #tpu.memory_space<hbm>>) dst(%arg11 : memref<128x128xf32, #tpu.memory_space<vmem>>)
      "tpu.region"() ({
        %run_scoped3A = tpu.sem_alloc : memref<!tpu.dma_semaphore, #tpu.memory_space<semaphore_mem>>
        %dma_start3A_58 = arith.constant 0 : i32
        %dma_start3A_59 = arith.constant 0 : i32
        %dma_start3A_60 = tpu.memref_slice %arg13[%dma_start3A_58, %dma_start3A_59] : memref<10064x128xf32, #tpu.memory_space<vmem_shared>> -> memref<10064x128xf32, #tpu.memory_space<vmem_shared>>
        tpu.enqueue_indirect_dma source(%arg11 : memref<128x128xf32, #tpu.memory_space<vmem>>) target(%dma_start3A_60 : memref<10064x128xf32, #tpu.memory_space<vmem_shared>>) offsets(%arg9 : memref<128xi32, #tpu.memory_space<vmem>>) semaphore(%run_scoped3A : memref<!tpu.dma_semaphore, #tpu.memory_space<semaphore_mem>>) {add = true}
        %dma_wait3A_61 = arith.constant 0 : i32
        %dma_wait3A_62 = arith.constant 0 : i32
        %dma_wait3A_63 = tpu.memref_slice %arg13[%dma_wait3A_61, %dma_wait3A_62] : memref<10064x128xf32, #tpu.memory_space<vmem_shared>> -> memref<10064x128xf32, #tpu.memory_space<vmem_shared>>
        tpu.wait_indirect_dma semaphore(%run_scoped3A : memref<!tpu.dma_semaphore, #tpu.memory_space<semaphore_mem>>) src(%arg11 : memref<128x128xf32, #tpu.memory_space<vmem>>) dst(%dma_wait3A_63 : memref<10064x128xf32, #tpu.memory_space<vmem_shared>>)
        tpu.yield
      }) : () -> ()
      %lt3A = arith.constant 39 : i32
      %lt3A_51 = arith.cmpi slt, %scan3A_33, %lt3A : i32
      %convert_element_type3A_52 = arith.extui %lt3A_51 : i1 to i32
      %cond3A_53 = arith.constant 0 : i32
      %cond3A_54 = arith.cmpi ne, %convert_element_type3A_52, %cond3A_53 : i32
      scf.if %cond3A_54 {
        %add3A_58 = arith.constant 2 : i32
        %add3A_59 = arith.addi %add3A_36, %add3A_58 : i32
        %mul3A_60 = arith.constant 163840 : i32
        %mul3A_61 = arith.muli %arg0, %mul3A_60 : i32
        %mul3A_62 = arith.constant 128 : i32
        %mul3A_63 = arith.muli %add3A_59, %mul3A_62 : i32
        %add3A_64 = arith.addi %mul3A_61, %mul3A_63 : i32
        "tpu.region"() ({
          %run_scoped3A = tpu.sem_alloc : memref<!tpu.dma_semaphore, #tpu.memory_space<semaphore_mem>>
          %dma_start3A_70 = tpu.memref_slice %arg3[%add3A_64] : memref<327680xi32, #tpu.memory_space<hbm>> -> memref<128xi32, #tpu.memory_space<hbm>>
          %dma_start3A_71 = tpu.memref_slice %arg3[%add3A_64] : memref<327680xi32, #tpu.memory_space<hbm>> -> memref<128xi32, #tpu.memory_space<hbm>>
          tpu.enqueue_dma source(%dma_start3A_71 : memref<128xi32, #tpu.memory_space<hbm>>) target(%arg7 : memref<128xi32, #tpu.memory_space<vmem>>) target_semaphore(%run_scoped3A : memref<!tpu.dma_semaphore, #tpu.memory_space<semaphore_mem>>)
          %dma_wait3A_72 = tpu.memref_slice %arg3[%add3A_64] : memref<327680xi32, #tpu.memory_space<hbm>> -> memref<128xi32, #tpu.memory_space<hbm>>
          %dma_wait3A_73 = tpu.memref_slice %arg3[%add3A_64] : memref<327680xi32, #tpu.memory_space<hbm>> -> memref<128xi32, #tpu.memory_space<hbm>>
          tpu.wait_dma2 semaphore(%run_scoped3A : memref<!tpu.dma_semaphore, #tpu.memory_space<semaphore_mem>>) src(%dma_wait3A_73 : memref<128xi32, #tpu.memory_space<hbm>>) dst(%arg7 : memref<128xi32, #tpu.memory_space<vmem>>)
          tpu.yield
        }) : () -> ()
        %mul3A_65 = arith.constant 128 : i32
        %mul3A_66 = arith.muli %add3A_59, %mul3A_65 : i32
        "tpu.region"() ({
          %run_scoped3A = tpu.sem_alloc : memref<!tpu.dma_semaphore, #tpu.memory_space<semaphore_mem>>
          %dma_start3A_70 = tpu.memref_slice %arg4[%mul3A_66] : memref<163840xi32, #tpu.memory_space<hbm>> -> memref<128xi32, #tpu.memory_space<hbm>>
          %dma_start3A_71 = tpu.memref_slice %arg4[%mul3A_66] : memref<163840xi32, #tpu.memory_space<hbm>> -> memref<128xi32, #tpu.memory_space<hbm>>
          tpu.enqueue_dma source(%dma_start3A_71 : memref<128xi32, #tpu.memory_space<hbm>>) target(%arg9 : memref<128xi32, #tpu.memory_space<vmem>>) target_semaphore(%run_scoped3A : memref<!tpu.dma_semaphore, #tpu.memory_space<semaphore_mem>>)
          %dma_wait3A_72 = tpu.memref_slice %arg4[%mul3A_66] : memref<163840xi32, #tpu.memory_space<hbm>> -> memref<128xi32, #tpu.memory_space<hbm>>
          %dma_wait3A_73 = tpu.memref_slice %arg4[%mul3A_66] : memref<163840xi32, #tpu.memory_space<hbm>> -> memref<128xi32, #tpu.memory_space<hbm>>
          tpu.wait_dma2 semaphore(%run_scoped3A : memref<!tpu.dma_semaphore, #tpu.memory_space<semaphore_mem>>) src(%dma_wait3A_73 : memref<128xi32, #tpu.memory_space<hbm>>) dst(%arg9 : memref<128xi32, #tpu.memory_space<vmem>>)
          tpu.yield
        }) : () -> ()
        %dma_start3A_67 = arith.constant 0 : i32
        %dma_start3A_68 = arith.constant 0 : i32
        %dma_start3A_69 = tpu.memref_slice %arg2[%dma_start3A_67, %dma_start3A_68] : memref<20000x128xf32, #tpu.memory_space<hbm>> -> memref<20000x128xf32, #tpu.memory_space<hbm>>
        tpu.enqueue_indirect_dma source(%dma_start3A_69 : memref<20000x128xf32, #tpu.memory_space<hbm>>) target(%arg11 : memref<128x128xf32, #tpu.memory_space<vmem>>) offsets(%arg7 : memref<128xi32, #tpu.memory_space<vmem>>) semaphore(%arg14 : memref<!tpu.dma_semaphore, #tpu.memory_space<semaphore_mem>>)
      } else {
      }
      %dma_wait3A_55 = arith.constant 0 : i32
      %dma_wait3A_56 = arith.constant 0 : i32
      %dma_wait3A_57 = tpu.memref_slice %arg2[%dma_wait3A_55, %dma_wait3A_56] : memref<20000x128xf32, #tpu.memory_space<hbm>> -> memref<20000x128xf32, #tpu.memory_space<hbm>>
      tpu.wait_indirect_dma semaphore(%arg15 : memref<!tpu.dma_semaphore, #tpu.memory_space<semaphore_mem>>) src(%dma_wait3A_57 : memref<20000x128xf32, #tpu.memory_space<hbm>>) dst(%arg12 : memref<128x128xf32, #tpu.memory_space<vmem>>)
      "tpu.region"() ({
        %run_scoped3A = tpu.sem_alloc : memref<!tpu.dma_semaphore, #tpu.memory_space<semaphore_mem>>
        %dma_start3A_58 = arith.constant 0 : i32
        %dma_start3A_59 = arith.constant 0 : i32
        %dma_start3A_60 = tpu.memref_slice %arg13[%dma_start3A_58, %dma_start3A_59] : memref<10064x128xf32, #tpu.memory_space<vmem_shared>> -> memref<10064x128xf32, #tpu.memory_space<vmem_shared>>
        tpu.enqueue_indirect_dma source(%arg12 : memref<128x128xf32, #tpu.memory_space<vmem>>) target(%dma_start3A_60 : memref<10064x128xf32, #tpu.memory_space<vmem_shared>>) offsets(%arg10 : memref<128xi32, #tpu.memory_space<vmem>>) semaphore(%run_scoped3A : memref<!tpu.dma_semaphore, #tpu.memory_space<semaphore_mem>>) {add = true}
        %dma_wait3A_61 = arith.constant 0 : i32
        %dma_wait3A_62 = arith.constant 0 : i32
        %dma_wait3A_63 = tpu.memref_slice %arg13[%dma_wait3A_61, %dma_wait3A_62] : memref<10064x128xf32, #tpu.memory_space<vmem_shared>> -> memref<10064x128xf32, #tpu.memory_space<vmem_shared>>
        tpu.wait_indirect_dma semaphore(%run_scoped3A : memref<!tpu.dma_semaphore, #tpu.memory_space<semaphore_mem>>) src(%arg12 : memref<128x128xf32, #tpu.memory_space<vmem>>) dst(%dma_wait3A_63 : memref<10064x128xf32, #tpu.memory_space<vmem_shared>>)
        tpu.yield
      }) : () -> ()
    }
    %scan3A_19 = arith.constant 40 : i32
    %barrier3A_20 = arith.constant 0 : index
    tpu.barrier barrier_id(%barrier3A_20)
    %mul3A_21 = arith.constant 624 : i32
    %mul3A_22 = arith.muli %arg1, %mul3A_21 : i32
    %mul3A_23 = arith.constant 10000 : i32
    %mul3A_24 = arith.muli %arg0, %mul3A_23 : i32
    %mul3A_25 = arith.constant 624 : i32
    %mul3A_26 = arith.muli %arg1, %mul3A_25 : i32
    %add3A_27 = arith.addi %mul3A_24, %mul3A_26 : i32
    "tpu.region"() ({
      %run_scoped3A = tpu.sem_alloc : memref<!tpu.dma_semaphore, #tpu.memory_space<semaphore_mem>>
      %dma_start3A_33 = arith.constant 0 : i32
      %dma_start3A_34 = tpu.memref_slice %arg6[%add3A_27, %dma_start3A_33] : memref<20000x128xf32, #tpu.memory_space<hbm>> -> memref<624x128xf32, #tpu.memory_space<hbm>>
      %dma_start3A_35 = arith.constant 0 : i32
      %dma_start3A_36 = tpu.memref_slice %arg13[%mul3A_22, %dma_start3A_35] : memref<10064x128xf32, #tpu.memory_space<vmem_shared>> -> memref<624x128xf32, #tpu.memory_space<vmem_shared>>
      tpu.enqueue_dma source(%dma_start3A_36 : memref<624x128xf32, #tpu.memory_space<vmem_shared>>) target(%dma_start3A_34 : memref<624x128xf32, #tpu.memory_space<hbm>>) target_semaphore(%run_scoped3A : memref<!tpu.dma_semaphore, #tpu.memory_space<semaphore_mem>>)
      %dma_wait3A = arith.constant 0 : i32
      %dma_wait3A_37 = tpu.memref_slice %arg6[%add3A_27, %dma_wait3A] : memref<20000x128xf32, #tpu.memory_space<hbm>> -> memref<624x128xf32, #tpu.memory_space<hbm>>
      %dma_wait3A_38 = arith.constant 0 : i32
      %dma_wait3A_39 = tpu.memref_slice %arg13[%mul3A_22, %dma_wait3A_38] : memref<10064x128xf32, #tpu.memory_space<vmem_shared>> -> memref<624x128xf32, #tpu.memory_space<vmem_shared>>
      tpu.wait_dma2 semaphore(%run_scoped3A : memref<!tpu.dma_semaphore, #tpu.memory_space<semaphore_mem>>) src(%dma_wait3A_39 : memref<624x128xf32, #tpu.memory_space<vmem_shared>>) dst(%dma_wait3A_37 : memref<624x128xf32, #tpu.memory_space<hbm>>)
      tpu.yield
    }) : () -> ()
    %eq3A_28 = arith.constant 15 : i32
    %eq3A_29 = arith.cmpi eq, %arg1, %eq3A_28 : i32
    %convert_element_type3A_30 = arith.extui %eq3A_29 : i1 to i32
    %cond3A_31 = arith.constant 0 : i32
    %cond3A_32 = arith.cmpi ne, %convert_element_type3A_30, %cond3A_31 : i32
    scf.if %cond3A_32 {
      %mul3A_33 = arith.constant 10000 : i32
      %mul3A_34 = arith.muli %arg0, %mul3A_33 : i32
      %add3A_35 = arith.constant 9984 : i32
      %add3A_36 = arith.addi %mul3A_34, %add3A_35 : i32
      "tpu.region"() ({
        %run_scoped3A = tpu.sem_alloc : memref<!tpu.dma_semaphore, #tpu.memory_space<semaphore_mem>>
        %dma_start3A_37 = arith.constant 0 : i32
        %dma_start3A_38 = tpu.memref_slice %arg6[%add3A_36, %dma_start3A_37] : memref<20000x128xf32, #tpu.memory_space<hbm>> -> memref<16x128xf32, #tpu.memory_space<hbm>>
        %dma_start3A_39 = arith.constant 9984 : i32
        %dma_start3A_40 = arith.constant 0 : i32
        %dma_start3A_41 = tpu.memref_slice %arg13[%dma_start3A_39, %dma_start3A_40] : memref<10064x128xf32, #tpu.memory_space<vmem_shared>> -> memref<16x128xf32, #tpu.memory_space<vmem_shared>>
        tpu.enqueue_dma source(%dma_start3A_41 : memref<16x128xf32, #tpu.memory_space<vmem_shared>>) target(%dma_start3A_38 : memref<16x128xf32, #tpu.memory_space<hbm>>) target_semaphore(%run_scoped3A : memref<!tpu.dma_semaphore, #tpu.memory_space<semaphore_mem>>)
        %dma_wait3A = arith.constant 0 : i32
        %dma_wait3A_42 = tpu.memref_slice %arg6[%add3A_36, %dma_wait3A] : memref<20000x128xf32, #tpu.memory_space<hbm>> -> memref<16x128xf32, #tpu.memory_space<hbm>>
        %dma_wait3A_43 = arith.constant 9984 : i32
        %dma_wait3A_44 = arith.constant 0 : i32
        %dma_wait3A_45 = tpu.memref_slice %arg13[%dma_wait3A_43, %dma_wait3A_44] : memref<10064x128xf32, #tpu.memory_space<vmem_shared>> -> memref<16x128xf32, #tpu.memory_space<vmem_shared>>
        tpu.wait_dma2 semaphore(%run_scoped3A : memref<!tpu.dma_semaphore, #tpu.memory_space<semaphore_mem>>) src(%dma_wait3A_45 : memref<16x128xf32, #tpu.memory_space<vmem_shared>>) dst(%dma_wait3A_42 : memref<16x128xf32, #tpu.memory_space<hbm>>)
        tpu.yield
      }) : () -> ()
    } else {
    }
    return
  }
}

#map = affine_map<(d0, d1) -> (0, 0)>
#map1 = affine_map<(d0, d1) -> (0)>
module attributes {stable_mosaic.version = 14 : i64} {
  func.func @k(%arg0: i32, %arg1: i32, %arg2: memref<20000x128xf32, #tpu.memory_space<hbm>>, %arg3: memref<327680xi32, #tpu.memory_space<hbm>>, %arg4: memref<163840xi32, #tpu.memory_space<hbm>>, %arg5: memref<10000x128xf32, #tpu.memory_space<hbm>>, %arg6: memref<20000x128xf32, #tpu.memory_space<hbm>>, %arg7: memref<128xi32, #tpu.memory_space<vmem>>, %arg8: memref<128xi32, #tpu.memory_space<vmem>>, %arg9: memref<128xi32, #tpu.memory_space<vmem>>, %arg10: memref<128xi32, #tpu.memory_space<vmem>>, %arg11: memref<128x128xf32, #tpu.memory_space<vmem>>, %arg12: memref<128x128xf32, #tpu.memory_space<vmem>>, %arg13: memref<10064x128xf32, #tpu.memory_space<vmem_shared>>, %arg14: memref<!tpu.dma_semaphore, #tpu.memory_space<semaphore_mem>>, %arg15: memref<!tpu.dma_semaphore, #tpu.memory_space<semaphore_mem>>) attributes {dimension_semantics = [#tpu.dimension_semantics<core_parallel>, #tpu.dimension_semantics<subcore_parallel>], iteration_bounds = array<i64: 2, 16>, scalar_prefetch = 0 : i64, scratch_operands = 9 : i64, tpu.core_type = #tpu.core_type<sc_vector_subcore>, window_params = [{transform_indices = #map}, {transform_indices = #map1}, {transform_indices = #map1}, {transform_indices = #map}, {transform_indices = #map}]} {
    %mul3A = arith.constant 624 : i32
    %mul3A_0 = arith.muli %arg1, %mul3A : i32
    %mul3A_1 = arith.constant 624 : i32
    %mul3A_2 = arith.muli %arg1, %mul3A_1 : i32
    "tpu.region"() ({
      %run_scoped3A = tpu.sem_alloc : memref<!tpu.dma_semaphore, #tpu.memory_space<semaphore_mem>>
      %dma_start3A_33 = arith.constant 0 : i32
      %dma_start3A_34 = tpu.memref_slice %arg13[%mul3A_2, %dma_start3A_33] : memref<10064x128xf32, #tpu.memory_space<vmem_shared>> -> memref<624x128xf32, #tpu.memory_space<vmem_shared>>
      %dma_start3A_35 = arith.constant 0 : i32
      %dma_start3A_36 = tpu.memref_slice %arg5[%mul3A_0, %dma_start3A_35] : memref<10000x128xf32, #tpu.memory_space<hbm>> -> memref<624x128xf32, #tpu.memory_space<hbm>>
      tpu.enqueue_dma source(%dma_start3A_36 : memref<624x128xf32, #tpu.memory_space<hbm>>) target(%dma_start3A_34 : memref<624x128xf32, #tpu.memory_space<vmem_shared>>) target_semaphore(%run_scoped3A : memref<!tpu.dma_semaphore, #tpu.memory_space<semaphore_mem>>)
      %dma_wait3A = arith.constant 0 : i32
      %dma_wait3A_37 = tpu.memref_slice %arg13[%mul3A_2, %dma_wait3A] : memref<10064x128xf32, #tpu.memory_space<vmem_shared>> -> memref<624x128xf32, #tpu.memory_space<vmem_shared>>
      %dma_wait3A_38 = arith.constant 0 : i32
      %dma_wait3A_39 = tpu.memref_slice %arg5[%mul3A_0, %dma_wait3A_38] : memref<10000x128xf32, #tpu.memory_space<hbm>> -> memref<624x128xf32, #tpu.memory_space<hbm>>
      tpu.wait_dma2 semaphore(%run_scoped3A : memref<!tpu.dma_semaphore, #tpu.memory_space<semaphore_mem>>) src(%dma_wait3A_39 : memref<624x128xf32, #tpu.memory_space<hbm>>) dst(%dma_wait3A_37 : memref<624x128xf32, #tpu.memory_space<vmem_shared>>)
      tpu.yield
    }) : () -> ()
    %eq3A = arith.constant 15 : i32
    %eq3A_3 = arith.cmpi eq, %arg1, %eq3A : i32
    %convert_element_type3A = arith.extui %eq3A_3 : i1 to i32
    %cond3A = arith.constant 0 : i32
    %cond3A_4 = arith.cmpi ne, %convert_element_type3A, %cond3A : i32
    scf.if %cond3A_4 {
      "tpu.region"() ({
        %run_scoped3A = tpu.sem_alloc : memref<!tpu.dma_semaphore, #tpu.memory_space<semaphore_mem>>
        %dma_start3A_33 = arith.constant 9984 : i32
        %dma_start3A_34 = arith.constant 0 : i32
        %dma_start3A_35 = tpu.memref_slice %arg13[%dma_start3A_33, %dma_start3A_34] : memref<10064x128xf32, #tpu.memory_space<vmem_shared>> -> memref<16x128xf32, #tpu.memory_space<vmem_shared>>
        %dma_start3A_36 = arith.constant 9984 : i32
        %dma_start3A_37 = arith.constant 0 : i32
        %dma_start3A_38 = tpu.memref_slice %arg5[%dma_start3A_36, %dma_start3A_37] : memref<10000x128xf32, #tpu.memory_space<hbm>> -> memref<16x128xf32, #tpu.memory_space<hbm>>
        tpu.enqueue_dma source(%dma_start3A_38 : memref<16x128xf32, #tpu.memory_space<hbm>>) target(%dma_start3A_35 : memref<16x128xf32, #tpu.memory_space<vmem_shared>>) target_semaphore(%run_scoped3A : memref<!tpu.dma_semaphore, #tpu.memory_space<semaphore_mem>>)
        %dma_wait3A = arith.constant 9984 : i32
        %dma_wait3A_39 = arith.constant 0 : i32
        %dma_wait3A_40 = tpu.memref_slice %arg13[%dma_wait3A, %dma_wait3A_39] : memref<10064x128xf32, #tpu.memory_space<vmem_shared>> -> memref<16x128xf32, #tpu.memory_space<vmem_shared>>
        %dma_wait3A_41 = arith.constant 9984 : i32
        %dma_wait3A_42 = arith.constant 0 : i32
        %dma_wait3A_43 = tpu.memref_slice %arg5[%dma_wait3A_41, %dma_wait3A_42] : memref<10000x128xf32, #tpu.memory_space<hbm>> -> memref<16x128xf32, #tpu.memory_space<hbm>>
        tpu.wait_dma2 semaphore(%run_scoped3A : memref<!tpu.dma_semaphore, #tpu.memory_space<semaphore_mem>>) src(%dma_wait3A_43 : memref<16x128xf32, #tpu.memory_space<hbm>>) dst(%dma_wait3A_40 : memref<16x128xf32, #tpu.memory_space<vmem_shared>>)
        tpu.yield
      }) : () -> ()
    } else {
    }
    %barrier3A = arith.constant 0 : index
    tpu.barrier barrier_id(%barrier3A)
    %mul3A_5 = arith.constant 80 : i32
    %mul3A_6 = arith.muli %arg1, %mul3A_5 : i32
    %mul3A_7 = arith.constant 163840 : i32
    %mul3A_8 = arith.muli %arg0, %mul3A_7 : i32
    %mul3A_9 = arith.constant 128 : i32
    %mul3A_10 = arith.muli %mul3A_6, %mul3A_9 : i32
    %add3A = arith.addi %mul3A_8, %mul3A_10 : i32
    "tpu.region"() ({
      %run_scoped3A = tpu.sem_alloc : memref<!tpu.dma_semaphore, #tpu.memory_space<semaphore_mem>>
      %dma_start3A_33 = tpu.memref_slice %arg3[%add3A] : memref<327680xi32, #tpu.memory_space<hbm>> -> memref<128xi32, #tpu.memory_space<hbm>>
      %dma_start3A_34 = tpu.memref_slice %arg3[%add3A] : memref<327680xi32, #tpu.memory_space<hbm>> -> memref<128xi32, #tpu.memory_space<hbm>>
      tpu.enqueue_dma source(%dma_start3A_34 : memref<128xi32, #tpu.memory_space<hbm>>) target(%arg7 : memref<128xi32, #tpu.memory_space<vmem>>) target_semaphore(%run_scoped3A : memref<!tpu.dma_semaphore, #tpu.memory_space<semaphore_mem>>)
      %dma_wait3A = tpu.memref_slice %arg3[%add3A] : memref<327680xi32, #tpu.memory_space<hbm>> -> memref<128xi32, #tpu.memory_space<hbm>>
      %dma_wait3A_35 = tpu.memref_slice %arg3[%add3A] : memref<327680xi32, #tpu.memory_space<hbm>> -> memref<128xi32, #tpu.memory_space<hbm>>
      tpu.wait_dma2 semaphore(%run_scoped3A : memref<!tpu.dma_semaphore, #tpu.memory_space<semaphore_mem>>) src(%dma_wait3A_35 : memref<128xi32, #tpu.memory_space<hbm>>) dst(%arg7 : memref<128xi32, #tpu.memory_space<vmem>>)
      tpu.yield
    }) : () -> ()
    %mul3A_11 = arith.constant 128 : i32
    %mul3A_12 = arith.muli %mul3A_6, %mul3A_11 : i32
    "tpu.region"() ({
      %run_scoped3A = tpu.sem_alloc : memref<!tpu.dma_semaphore, #tpu.memory_space<semaphore_mem>>
      %dma_start3A_33 = tpu.memref_slice %arg4[%mul3A_12] : memref<163840xi32, #tpu.memory_space<hbm>> -> memref<128xi32, #tpu.memory_space<hbm>>
      %dma_start3A_34 = tpu.memref_slice %arg4[%mul3A_12] : memref<163840xi32, #tpu.memory_space<hbm>> -> memref<128xi32, #tpu.memory_space<hbm>>
      tpu.enqueue_dma source(%dma_start3A_34 : memref<128xi32, #tpu.memory_space<hbm>>) target(%arg9 : memref<128xi32, #tpu.memory_space<vmem>>) target_semaphore(%run_scoped3A : memref<!tpu.dma_semaphore, #tpu.memory_space<semaphore_mem>>)
      %dma_wait3A = tpu.memref_slice %arg4[%mul3A_12] : memref<163840xi32, #tpu.memory_space<hbm>> -> memref<128xi32, #tpu.memory_space<hbm>>
      %dma_wait3A_35 = tpu.memref_slice %arg4[%mul3A_12] : memref<163840xi32, #tpu.memory_space<hbm>> -> memref<128xi32, #tpu.memory_space<hbm>>
      tpu.wait_dma2 semaphore(%run_scoped3A : memref<!tpu.dma_semaphore, #tpu.memory_space<semaphore_mem>>) src(%dma_wait3A_35 : memref<128xi32, #tpu.memory_space<hbm>>) dst(%arg9 : memref<128xi32, #tpu.memory_space<vmem>>)
      tpu.yield
    }) : () -> ()
    %dma_start3A = arith.constant 0 : i32
    %dma_start3A_13 = arith.constant 0 : i32
    %dma_start3A_14 = tpu.memref_slice %arg2[%dma_start3A, %dma_start3A_13] : memref<20000x128xf32, #tpu.memory_space<hbm>> -> memref<20000x128xf32, #tpu.memory_space<hbm>>
    tpu.enqueue_indirect_dma source(%dma_start3A_14 : memref<20000x128xf32, #tpu.memory_space<hbm>>) target(%arg11 : memref<128x128xf32, #tpu.memory_space<vmem>>) offsets(%arg7 : memref<128xi32, #tpu.memory_space<vmem>>) semaphore(%arg14 : memref<!tpu.dma_semaphore, #tpu.memory_space<semaphore_mem>>)
    %scan3A = arith.constant 0 : i32
    %scan3A_15 = arith.constant 0 : i32
    %scan3A_16 = arith.constant 40 : i32
    %scan3A_17 = arith.addi %scan3A_15, %scan3A_16 : i32
    %scan3A_18 = arith.constant 1 : i32
    scf.for %scan3A_33 = %scan3A_15 to %scan3A_17 step %scan3A_18  : i32 {
      %mul3A_34 = arith.constant 2 : i32
      %mul3A_35 = arith.muli %mul3A_34, %scan3A_33 : i32
      %add3A_36 = arith.addi %mul3A_6, %mul3A_35 : i32
      %add3A_37 = arith.constant 1 : i32
      %add3A_38 = arith.addi %add3A_36, %add3A_37 : i32
      %mul3A_39 = arith.constant 163840 : i32
      %mul3A_40 = arith.muli %arg0, %mul3A_39 : i32
      %mul3A_41 = arith.constant 128 : i32
      %mul3A_42 = arith.muli %add3A_38, %mul3A_41 : i32
      %add3A_43 = arith.addi %mul3A_40, %mul3A_42 : i32
      "tpu.region"() ({
        %run_scoped3A = tpu.sem_alloc : memref<!tpu.dma_semaphore, #tpu.memory_space<semaphore_mem>>
        %dma_start3A_58 = tpu.memref_slice %arg3[%add3A_43] : memref<327680xi32, #tpu.memory_space<hbm>> -> memref<128xi32, #tpu.memory_space<hbm>>
        %dma_start3A_59 = tpu.memref_slice %arg3[%add3A_43] : memref<327680xi32, #tpu.memory_space<hbm>> -> memref<128xi32, #tpu.memory_space<hbm>>
        tpu.enqueue_dma source(%dma_start3A_59 : memref<128xi32, #tpu.memory_space<hbm>>) target(%arg8 : memref<128xi32, #tpu.memory_space<vmem>>) target_semaphore(%run_scoped3A : memref<!tpu.dma_semaphore, #tpu.memory_space<semaphore_mem>>)
        %dma_wait3A_60 = tpu.memref_slice %arg3[%add3A_43] : memref<327680xi32, #tpu.memory_space<hbm>> -> memref<128xi32, #tpu.memory_space<hbm>>
        %dma_wait3A_61 = tpu.memref_slice %arg3[%add3A_43] : memref<327680xi32, #tpu.memory_space<hbm>> -> memref<128xi32, #tpu.memory_space<hbm>>
        tpu.wait_dma2 semaphore(%run_scoped3A : memref<!tpu.dma_semaphore, #tpu.memory_space<semaphore_mem>>) src(%dma_wait3A_61 : memref<128xi32, #tpu.memory_space<hbm>>) dst(%arg8 : memref<128xi32, #tpu.memory_space<vmem>>)
        tpu.yield
      }) : () -> ()
      %mul3A_44 = arith.constant 128 : i32
      %mul3A_45 = arith.muli %add3A_38, %mul3A_44 : i32
      "tpu.region"() ({
        %run_scoped3A = tpu.sem_alloc : memref<!tpu.dma_semaphore, #tpu.memory_space<semaphore_mem>>
        %dma_start3A_58 = tpu.memref_slice %arg4[%mul3A_45] : memref<163840xi32, #tpu.memory_space<hbm>> -> memref<128xi32, #tpu.memory_space<hbm>>
        %dma_start3A_59 = tpu.memref_slice %arg4[%mul3A_45] : memref<163840xi32, #tpu.memory_space<hbm>> -> memref<128xi32, #tpu.memory_space<hbm>>
        tpu.enqueue_dma source(%dma_start3A_59 : memref<128xi32, #tpu.memory_space<hbm>>) target(%arg10 : memref<128xi32, #tpu.memory_space<vmem>>) target_semaphore(%run_scoped3A : memref<!tpu.dma_semaphore, #tpu.memory_space<semaphore_mem>>)
        %dma_wait3A_60 = tpu.memref_slice %arg4[%mul3A_45] : memref<163840xi32, #tpu.memory_space<hbm>> -> memref<128xi32, #tpu.memory_space<hbm>>
        %dma_wait3A_61 = tpu.memref_slice %arg4[%mul3A_45] : memref<163840xi32, #tpu.memory_space<hbm>> -> memref<128xi32, #tpu.memory_space<hbm>>
        tpu.wait_dma2 semaphore(%run_scoped3A : memref<!tpu.dma_semaphore, #tpu.memory_space<semaphore_mem>>) src(%dma_wait3A_61 : memref<128xi32, #tpu.memory_space<hbm>>) dst(%arg10 : memref<128xi32, #tpu.memory_space<vmem>>)
        tpu.yield
      }) : () -> ()
      %dma_start3A_46 = arith.constant 0 : i32
      %dma_start3A_47 = arith.constant 0 : i32
      %dma_start3A_48 = tpu.memref_slice %arg2[%dma_start3A_46, %dma_start3A_47] : memref<20000x128xf32, #tpu.memory_space<hbm>> -> memref<20000x128xf32, #tpu.memory_space<hbm>>
      tpu.enqueue_indirect_dma source(%dma_start3A_48 : memref<20000x128xf32, #tpu.memory_space<hbm>>) target(%arg12 : memref<128x128xf32, #tpu.memory_space<vmem>>) offsets(%arg8 : memref<128xi32, #tpu.memory_space<vmem>>) semaphore(%arg15 : memref<!tpu.dma_semaphore, #tpu.memory_space<semaphore_mem>>)
      %dma_wait3A = arith.constant 0 : i32
      %dma_wait3A_49 = arith.constant 0 : i32
      %dma_wait3A_50 = tpu.memref_slice %arg2[%dma_wait3A, %dma_wait3A_49] : memref<20000x128xf32, #tpu.memory_space<hbm>> -> memref<20000x128xf32, #tpu.memory_space<hbm>>
      tpu.wait_indirect_dma semaphore(%arg14 : memref<!tpu.dma_semaphore, #tpu.memory_space<semaphore_mem>>) src(%dma_wait3A_50 : memref<20000x128xf32, #tpu.memory_space<hbm>>) dst(%arg11 : memref<128x128xf32, #tpu.memory_space<vmem>>)
      "tpu.region"() ({
        %run_scoped3A = tpu.sem_alloc : memref<!tpu.dma_semaphore, #tpu.memory_space<semaphore_mem>>
        %dma_start3A_58 = arith.constant 0 : i32
        %dma_start3A_59 = arith.constant 0 : i32
        %dma_start3A_60 = tpu.memref_slice %arg13[%dma_start3A_58, %dma_start3A_59] : memref<10064x128xf32, #tpu.memory_space<vmem_shared>> -> memref<10064x128xf32, #tpu.memory_space<vmem_shared>>
        tpu.enqueue_indirect_dma source(%arg11 : memref<128x128xf32, #tpu.memory_space<vmem>>) target(%dma_start3A_60 : memref<10064x128xf32, #tpu.memory_space<vmem_shared>>) offsets(%arg9 : memref<128xi32, #tpu.memory_space<vmem>>) semaphore(%run_scoped3A : memref<!tpu.dma_semaphore, #tpu.memory_space<semaphore_mem>>) {add = true}
        %dma_wait3A_61 = arith.constant 0 : i32
        %dma_wait3A_62 = arith.constant 0 : i32
        %dma_wait3A_63 = tpu.memref_slice %arg13[%dma_wait3A_61, %dma_wait3A_62] : memref<10064x128xf32, #tpu.memory_space<vmem_shared>> -> memref<10064x128xf32, #tpu.memory_space<vmem_shared>>
        tpu.wait_indirect_dma semaphore(%run_scoped3A : memref<!tpu.dma_semaphore, #tpu.memory_space<semaphore_mem>>) src(%arg11 : memref<128x128xf32, #tpu.memory_space<vmem>>) dst(%dma_wait3A_63 : memref<10064x128xf32, #tpu.memory_space<vmem_shared>>)
        tpu.yield
      }) : () -> ()
      %lt3A = arith.constant 39 : i32
      %lt3A_51 = arith.cmpi slt, %scan3A_33, %lt3A : i32
      %convert_element_type3A_52 = arith.extui %lt3A_51 : i1 to i32
      %cond3A_53 = arith.constant 0 : i32
      %cond3A_54 = arith.cmpi ne, %convert_element_type3A_52, %cond3A_53 : i32
      scf.if %cond3A_54 {
        %add3A_58 = arith.constant 2 : i32
        %add3A_59 = arith.addi %add3A_36, %add3A_58 : i32
        %mul3A_60 = arith.constant 163840 : i32
        %mul3A_61 = arith.muli %arg0, %mul3A_60 : i32
        %mul3A_62 = arith.constant 128 : i32
        %mul3A_63 = arith.muli %add3A_59, %mul3A_62 : i32
        %add3A_64 = arith.addi %mul3A_61, %mul3A_63 : i32
        "tpu.region"() ({
          %run_scoped3A = tpu.sem_alloc : memref<!tpu.dma_semaphore, #tpu.memory_space<semaphore_mem>>
          %dma_start3A_70 = tpu.memref_slice %arg3[%add3A_64] : memref<327680xi32, #tpu.memory_space<hbm>> -> memref<128xi32, #tpu.memory_space<hbm>>
          %dma_start3A_71 = tpu.memref_slice %arg3[%add3A_64] : memref<327680xi32, #tpu.memory_space<hbm>> -> memref<128xi32, #tpu.memory_space<hbm>>
          tpu.enqueue_dma source(%dma_start3A_71 : memref<128xi32, #tpu.memory_space<hbm>>) target(%arg7 : memref<128xi32, #tpu.memory_space<vmem>>) target_semaphore(%run_scoped3A : memref<!tpu.dma_semaphore, #tpu.memory_space<semaphore_mem>>)
          %dma_wait3A_72 = tpu.memref_slice %arg3[%add3A_64] : memref<327680xi32, #tpu.memory_space<hbm>> -> memref<128xi32, #tpu.memory_space<hbm>>
          %dma_wait3A_73 = tpu.memref_slice %arg3[%add3A_64] : memref<327680xi32, #tpu.memory_space<hbm>> -> memref<128xi32, #tpu.memory_space<hbm>>
          tpu.wait_dma2 semaphore(%run_scoped3A : memref<!tpu.dma_semaphore, #tpu.memory_space<semaphore_mem>>) src(%dma_wait3A_73 : memref<128xi32, #tpu.memory_space<hbm>>) dst(%arg7 : memref<128xi32, #tpu.memory_space<vmem>>)
          tpu.yield
        }) : () -> ()
        %mul3A_65 = arith.constant 128 : i32
        %mul3A_66 = arith.muli %add3A_59, %mul3A_65 : i32
        "tpu.region"() ({
          %run_scoped3A = tpu.sem_alloc : memref<!tpu.dma_semaphore, #tpu.memory_space<semaphore_mem>>
          %dma_start3A_70 = tpu.memref_slice %arg4[%mul3A_66] : memref<163840xi32, #tpu.memory_space<hbm>> -> memref<128xi32, #tpu.memory_space<hbm>>
          %dma_start3A_71 = tpu.memref_slice %arg4[%mul3A_66] : memref<163840xi32, #tpu.memory_space<hbm>> -> memref<128xi32, #tpu.memory_space<hbm>>
          tpu.enqueue_dma source(%dma_start3A_71 : memref<128xi32, #tpu.memory_space<hbm>>) target(%arg9 : memref<128xi32, #tpu.memory_space<vmem>>) target_semaphore(%run_scoped3A : memref<!tpu.dma_semaphore, #tpu.memory_space<semaphore_mem>>)
          %dma_wait3A_72 = tpu.memref_slice %arg4[%mul3A_66] : memref<163840xi32, #tpu.memory_space<hbm>> -> memref<128xi32, #tpu.memory_space<hbm>>
          %dma_wait3A_73 = tpu.memref_slice %arg4[%mul3A_66] : memref<163840xi32, #tpu.memory_space<hbm>> -> memref<128xi32, #tpu.memory_space<hbm>>
          tpu.wait_dma2 semaphore(%run_scoped3A : memref<!tpu.dma_semaphore, #tpu.memory_space<semaphore_mem>>) src(%dma_wait3A_73 : memref<128xi32, #tpu.memory_space<hbm>>) dst(%arg9 : memref<128xi32, #tpu.memory_space<vmem>>)
          tpu.yield
        }) : () -> ()
        %dma_start3A_67 = arith.constant 0 : i32
        %dma_start3A_68 = arith.constant 0 : i32
        %dma_start3A_69 = tpu.memref_slice %arg2[%dma_start3A_67, %dma_start3A_68] : memref<20000x128xf32, #tpu.memory_space<hbm>> -> memref<20000x128xf32, #tpu.memory_space<hbm>>
        tpu.enqueue_indirect_dma source(%dma_start3A_69 : memref<20000x128xf32, #tpu.memory_space<hbm>>) target(%arg11 : memref<128x128xf32, #tpu.memory_space<vmem>>) offsets(%arg7 : memref<128xi32, #tpu.memory_space<vmem>>) semaphore(%arg14 : memref<!tpu.dma_semaphore, #tpu.memory_space<semaphore_mem>>)
      } else {
      }
      %dma_wait3A_55 = arith.constant 0 : i32
      %dma_wait3A_56 = arith.constant 0 : i32
      %dma_wait3A_57 = tpu.memref_slice %arg2[%dma_wait3A_55, %dma_wait3A_56] : memref<20000x128xf32, #tpu.memory_space<hbm>> -> memref<20000x128xf32, #tpu.memory_space<hbm>>
      tpu.wait_indirect_dma semaphore(%arg15 : memref<!tpu.dma_semaphore, #tpu.memory_space<semaphore_mem>>) src(%dma_wait3A_57 : memref<20000x128xf32, #tpu.memory_space<hbm>>) dst(%arg12 : memref<128x128xf32, #tpu.memory_space<vmem>>)
      "tpu.region"() ({
        %run_scoped3A = tpu.sem_alloc : memref<!tpu.dma_semaphore, #tpu.memory_space<semaphore_mem>>
        %dma_start3A_58 = arith.constant 0 : i32
        %dma_start3A_59 = arith.constant 0 : i32
        %dma_start3A_60 = tpu.memref_slice %arg13[%dma_start3A_58, %dma_start3A_59] : memref<10064x128xf32, #tpu.memory_space<vmem_shared>> -> memref<10064x128xf32, #tpu.memory_space<vmem_shared>>
        tpu.enqueue_indirect_dma source(%arg12 : memref<128x128xf32, #tpu.memory_space<vmem>>) target(%dma_start3A_60 : memref<10064x128xf32, #tpu.memory_space<vmem_shared>>) offsets(%arg10 : memref<128xi32, #tpu.memory_space<vmem>>) semaphore(%run_scoped3A : memref<!tpu.dma_semaphore, #tpu.memory_space<semaphore_mem>>) {add = true}
        %dma_wait3A_61 = arith.constant 0 : i32
        %dma_wait3A_62 = arith.constant 0 : i32
        %dma_wait3A_63 = tpu.memref_slice %arg13[%dma_wait3A_61, %dma_wait3A_62] : memref<10064x128xf32, #tpu.memory_space<vmem_shared>> -> memref<10064x128xf32, #tpu.memory_space<vmem_shared>>
        tpu.wait_indirect_dma semaphore(%run_scoped3A : memref<!tpu.dma_semaphore, #tpu.memory_space<semaphore_mem>>) src(%arg12 : memref<128x128xf32, #tpu.memory_space<vmem>>) dst(%dma_wait3A_63 : memref<10064x128xf32, #tpu.memory_space<vmem_shared>>)
        tpu.yield
      }) : () -> ()
    }
    %scan3A_19 = arith.constant 40 : i32
    %barrier3A_20 = arith.constant 0 : index
    tpu.barrier barrier_id(%barrier3A_20)
    %mul3A_21 = arith.constant 624 : i32
    %mul3A_22 = arith.muli %arg1, %mul3A_21 : i32
    %mul3A_23 = arith.constant 10000 : i32
    %mul3A_24 = arith.muli %arg0, %mul3A_23 : i32
    %mul3A_25 = arith.constant 624 : i32
    %mul3A_26 = arith.muli %arg1, %mul3A_25 : i32
    %add3A_27 = arith.addi %mul3A_24, %mul3A_26 : i32
    "tpu.region"() ({
      %run_scoped3A = tpu.sem_alloc : memref<!tpu.dma_semaphore, #tpu.memory_space<semaphore_mem>>
      %dma_start3A_33 = arith.constant 0 : i32
      %dma_start3A_34 = tpu.memref_slice %arg6[%add3A_27, %dma_start3A_33] : memref<20000x128xf32, #tpu.memory_space<hbm>> -> memref<624x128xf32, #tpu.memory_space<hbm>>
      %dma_start3A_35 = arith.constant 0 : i32
      %dma_start3A_36 = tpu.memref_slice %arg13[%mul3A_22, %dma_start3A_35] : memref<10064x128xf32, #tpu.memory_space<vmem_shared>> -> memref<624x128xf32, #tpu.memory_space<vmem_shared>>
      tpu.enqueue_dma source(%dma_start3A_36 : memref<624x128xf32, #tpu.memory_space<vmem_shared>>) target(%dma_start3A_34 : memref<624x128xf32, #tpu.memory_space<hbm>>) target_semaphore(%run_scoped3A : memref<!tpu.dma_semaphore, #tpu.memory_space<semaphore_mem>>)
      %dma_wait3A = arith.constant 0 : i32
      %dma_wait3A_37 = tpu.memref_slice %arg6[%add3A_27, %dma_wait3A] : memref<20000x128xf32, #tpu.memory_space<hbm>> -> memref<624x128xf32, #tpu.memory_space<hbm>>
      %dma_wait3A_38 = arith.constant 0 : i32
      %dma_wait3A_39 = tpu.memref_slice %arg13[%mul3A_22, %dma_wait3A_38] : memref<10064x128xf32, #tpu.memory_space<vmem_shared>> -> memref<624x128xf32, #tpu.memory_space<vmem_shared>>
      tpu.wait_dma2 semaphore(%run_scoped3A : memref<!tpu.dma_semaphore, #tpu.memory_space<semaphore_mem>>) src(%dma_wait3A_39 : memref<624x128xf32, #tpu.memory_space<vmem_shared>>) dst(%dma_wait3A_37 : memref<624x128xf32, #tpu.memory_space<hbm>>)
      tpu.yield
    }) : () -> ()
    %eq3A_28 = arith.constant 15 : i32
    %eq3A_29 = arith.cmpi eq, %arg1, %eq3A_28 : i32
    %convert_element_type3A_30 = arith.extui %eq3A_29 : i1 to i32
    %cond3A_31 = arith.constant 0 : i32
    %cond3A_32 = arith.cmpi ne, %convert_element_type3A_30, %cond3A_31 : i32
    scf.if %cond3A_32 {
      %mul3A_33 = arith.constant 10000 : i32
      %mul3A_34 = arith.muli %arg0, %mul3A_33 : i32
      %add3A_35 = arith.constant 9984 : i32
      %add3A_36 = arith.addi %mul3A_34, %add3A_35 : i32
      "tpu.region"() ({
        %run_scoped3A = tpu.sem_alloc : memref<!tpu.dma_semaphore, #tpu.memory_space<semaphore_mem>>
        %dma_start3A_37 = arith.constant 0 : i32
        %dma_start3A_38 = tpu.memref_slice %arg6[%add3A_36, %dma_start3A_37] : memref<20000x128xf32, #tpu.memory_space<hbm>> -> memref<16x128xf32, #tpu.memory_space<hbm>>
        %dma_start3A_39 = arith.constant 9984 : i32
        %dma_start3A_40 = arith.constant 0 : i32
        %dma_start3A_41 = tpu.memref_slice %arg13[%dma_start3A_39, %dma_start3A_40] : memref<10064x128xf32, #tpu.memory_space<vmem_shared>> -> memref<16x128xf32, #tpu.memory_space<vmem_shared>>
        tpu.enqueue_dma source(%dma_start3A_41 : memref<16x128xf32, #tpu.memory_space<vmem_shared>>) target(%dma_start3A_38 : memref<16x128xf32, #tpu.memory_space<hbm>>) target_semaphore(%run_scoped3A : memref<!tpu.dma_semaphore, #tpu.memory_space<semaphore_mem>>)
        %dma_wait3A = arith.constant 0 : i32
        %dma_wait3A_42 = tpu.memref_slice %arg6[%add3A_36, %dma_wait3A] : memref<20000x128xf32, #tpu.memory_space<hbm>> -> memref<16x128xf32, #tpu.memory_space<hbm>>
        %dma_wait3A_43 = arith.constant 9984 : i32
        %dma_wait3A_44 = arith.constant 0 : i32
        %dma_wait3A_45 = tpu.memref_slice %arg13[%dma_wait3A_43, %dma_wait3A_44] : memref<10064x128xf32, #tpu.memory_space<vmem_shared>> -> memref<16x128xf32, #tpu.memory_space<vmem_shared>>
        tpu.wait_dma2 semaphore(%run_scoped3A : memref<!tpu.dma_semaphore, #tpu.memory_space<semaphore_mem>>) src(%dma_wait3A_45 : memref<16x128xf32, #tpu.memory_space<vmem_shared>>) dst(%dma_wait3A_42 : memref<16x128xf32, #tpu.memory_space<hbm>>)
        tpu.yield
      }) : () -> ()
    } else {
    }
    return
  }
}

module attributes {stable_mosaic.version = 14 : i64} {
  func.func @_pre_prep_body(%arg0: i32, %arg1: memref<5000x256xf32, #tpu.memory_space<vmem>>, %arg2: memref<1x256xf32, #tpu.memory_space<vmem>>, %arg3: memref<1x256xf32, #tpu.memory_space<vmem>>, %arg4: memref<256x256xf32, #tpu.memory_space<vmem>>, %arg5: memref<1x256xf32, #tpu.memory_space<vmem>>, %arg6: memref<1x256xf32, #tpu.memory_space<vmem>>, %arg7: memref<1x256xf32, #tpu.memory_space<vmem>>, %arg8: memref<256x256xf32, #tpu.memory_space<vmem>>, %arg9: memref<1x256xf32, #tpu.memory_space<vmem>>, %arg10: memref<5000x256xf32, #tpu.memory_space<vmem>>, %arg11: memref<2x5000x128xf32, #tpu.memory_space<vmem>>) attributes {dimension_semantics = [#tpu.dimension_semantics<arbitrary>], iteration_bounds = array<i64: 2>, scalar_prefetch = 0 : i64, scratch_operands = 0 : i64, tpu.core_type = #tpu.core_type<tc>, window_params = [{transform_indices = @transform_0, window_bounds = array<i64: 5000, 256>}, {pipeline_mode = #tpu.pipeline_mode<synchronous>, transform_indices = @transform_1, window_bounds = array<i64: 1, 256>}, {pipeline_mode = #tpu.pipeline_mode<synchronous>, transform_indices = @transform_2, window_bounds = array<i64: 1, 256>}, {pipeline_mode = #tpu.pipeline_mode<synchronous>, transform_indices = @transform_3, window_bounds = array<i64: 256, 256>}, {pipeline_mode = #tpu.pipeline_mode<synchronous>, transform_indices = @transform_4, window_bounds = array<i64: 1, 256>}, {pipeline_mode = #tpu.pipeline_mode<synchronous>, transform_indices = @transform_5, window_bounds = array<i64: 1, 256>}, {pipeline_mode = #tpu.pipeline_mode<synchronous>, transform_indices = @transform_6, window_bounds = array<i64: 1, 256>}, {pipeline_mode = #tpu.pipeline_mode<synchronous>, transform_indices = @transform_7, window_bounds = array<i64: 256, 256>}, {pipeline_mode = #tpu.pipeline_mode<synchronous>, transform_indices = @transform_8, window_bounds = array<i64: 1, 256>}, {transform_indices = @transform_9, window_bounds = array<i64: 5000, 256>}, {transform_indices = @transform_10, window_bounds = array<i64: 2, 5000, 128>}]} {
    %get3A = arith.constant 0 : index
    %get3A_0 = arith.constant 0 : index
    %get3A_1 = vector.load %arg1[%get3A, %get3A_0] : memref<5000x256xf32, #tpu.memory_space<vmem>>, vector<5000x256xf32>
    %get3A_2 = arith.constant 0 : index
    %get3A_3 = arith.constant 0 : index
    %get3A_4 = vector.load %arg2[%get3A_2, %get3A_3] : memref<1x256xf32, #tpu.memory_space<vmem>>, vector<1x256xf32>
    %mul3A = vector.broadcast %get3A_4 : vector<1x256xf32> to vector<5000x256xf32>
    %mul3A_5 = arith.mulf %get3A_1, %mul3A : vector<5000x256xf32>
    %get3A_6 = arith.constant 0 : index
    %get3A_7 = arith.constant 0 : index
    %get3A_8 = vector.load %arg3[%get3A_6, %get3A_7] : memref<1x256xf32, #tpu.memory_space<vmem>>, vector<1x256xf32>
    %add3A = vector.broadcast %get3A_8 : vector<1x256xf32> to vector<5000x256xf32>
    %add3A_9 = arith.addf %mul3A_5, %add3A : vector<5000x256xf32>
    %get3A_10 = arith.constant 0 : index
    %get3A_11 = arith.constant 0 : index
    %get3A_12 = vector.load %arg4[%get3A_10, %get3A_11] : memref<256x256xf32, #tpu.memory_space<vmem>>, vector<256x256xf32>
    %dot_general3A = arith.constant dense<0.000000e+00> : vector<5000x256xf32>
    %dot_general3A_13 = tpu.matmul %add3A_9, %get3A_12, %dot_general3A {dimension_numbers = #tpu.dot_dimension_numbers<[1], [0], [0], [1], [0, 0, 1, 1], [], []>, transpose_lhs_hint = false} : vector<5000x256xf32>, vector<256x256xf32>, vector<5000x256xf32> -> vector<5000x256xf32>
    %get3A_14 = arith.constant 0 : index
    %get3A_15 = arith.constant 0 : index
    %get3A_16 = vector.load %arg5[%get3A_14, %get3A_15] : memref<1x256xf32, #tpu.memory_space<vmem>>, vector<1x256xf32>
    %add3A_17 = vector.broadcast %get3A_16 : vector<1x256xf32> to vector<5000x256xf32>
    %add3A_18 = arith.addf %dot_general3A_13, %add3A_17 : vector<5000x256xf32>
    %mul3A_19 = arith.constant 5.000000e-01 : f32
    %mul3A_20 = vector.broadcast %mul3A_19 : f32 to vector<5000x256xf32>
    %mul3A_21 = arith.mulf %mul3A_20, %add3A_18 : vector<5000x256xf32>
    %mul3A_22 = arith.constant 0.707106769 : f32
    %mul3A_23 = vector.broadcast %mul3A_22 : f32 to vector<5000x256xf32>
    %mul3A_24 = arith.mulf %add3A_18, %mul3A_23 : vector<5000x256xf32>
    %erf3A = math.erf %mul3A_24 : vector<5000x256xf32>
    %add3A_25 = arith.constant 1.000000e+00 : f32
    %add3A_26 = vector.broadcast %add3A_25 : f32 to vector<5000x256xf32>
    %add3A_27 = arith.addf %add3A_26, %erf3A : vector<5000x256xf32>
    %mul3A_28 = arith.mulf %mul3A_21, %add3A_27 : vector<5000x256xf32>
    %swap3A = arith.constant 0 : index
    %swap3A_29 = arith.constant 0 : index
    %swap3A_30 = vector.load %arg10[%swap3A, %swap3A_29] : memref<5000x256xf32, #tpu.memory_space<vmem>>, vector<5000x256xf32>
    tpu.vector_store %arg10[%swap3A, %swap3A_29], %mul3A_28 {strides = array<i32>} : memref<5000x256xf32, #tpu.memory_space<vmem>>, vector<5000x256xf32>,
    %get3A_31 = arith.constant 0 : index
    %get3A_32 = arith.constant 0 : index
    %get3A_33 = vector.load %arg6[%get3A_31, %get3A_32] : memref<1x256xf32, #tpu.memory_space<vmem>>, vector<1x256xf32>
    %mul3A_34 = vector.broadcast %get3A_33 : vector<1x256xf32> to vector<5000x256xf32>
    %mul3A_35 = arith.mulf %mul3A_28, %mul3A_34 : vector<5000x256xf32>
    %get3A_36 = arith.constant 0 : index
    %get3A_37 = arith.constant 0 : index
    %get3A_38 = vector.load %arg7[%get3A_36, %get3A_37] : memref<1x256xf32, #tpu.memory_space<vmem>>, vector<1x256xf32>
    %add3A_39 = vector.broadcast %get3A_38 : vector<1x256xf32> to vector<5000x256xf32>
    %add3A_40 = arith.addf %mul3A_35, %add3A_39 : vector<5000x256xf32>
    %get3A_41 = arith.constant 0 : index
    %get3A_42 = arith.constant 0 : index
    %get3A_43 = vector.load %arg8[%get3A_41, %get3A_42] : memref<256x256xf32, #tpu.memory_space<vmem>>, vector<256x256xf32>
    %dot_general3A_44 = arith.constant dense<0.000000e+00> : vector<5000x256xf32>
    %dot_general3A_45 = tpu.matmul %add3A_40, %get3A_43, %dot_general3A_44 {dimension_numbers = #tpu.dot_dimension_numbers<[1], [0], [0], [1], [0, 0, 1, 1], [], []>, transpose_lhs_hint = false} : vector<5000x256xf32>, vector<256x256xf32>, vector<5000x256xf32> -> vector<5000x256xf32>
    %get3A_46 = arith.constant 0 : index
    %get3A_47 = arith.constant 0 : index
    %get3A_48 = vector.load %arg9[%get3A_46, %get3A_47] : memref<1x256xf32, #tpu.memory_space<vmem>>, vector<1x256xf32>
    %add3A_49 = vector.broadcast %get3A_48 : vector<1x256xf32> to vector<5000x256xf32>
    %add3A_50 = arith.addf %dot_general3A_45, %add3A_49 : vector<5000x256xf32>
    %mul3A_51 = arith.constant 5.000000e-01 : f32
    %mul3A_52 = vector.broadcast %mul3A_51 : f32 to vector<5000x256xf32>
    %mul3A_53 = arith.mulf %mul3A_52, %add3A_50 : vector<5000x256xf32>
    %mul3A_54 = arith.constant 0.707106769 : f32
    %mul3A_55 = vector.broadcast %mul3A_54 : f32 to vector<5000x256xf32>
    %mul3A_56 = arith.mulf %add3A_50, %mul3A_55 : vector<5000x256xf32>
    %erf3A_57 = math.erf %mul3A_56 : vector<5000x256xf32>
    %add3A_58 = arith.constant 1.000000e+00 : f32
    %add3A_59 = vector.broadcast %add3A_58 : f32 to vector<5000x256xf32>
    %add3A_60 = arith.addf %add3A_59, %erf3A_57 : vector<5000x256xf32>
    %mul3A_61 = arith.mulf %mul3A_53, %add3A_60 : vector<5000x256xf32>
    %slice3A = vector.extract_strided_slice %mul3A_61 {offsets = [0, 0], sizes = [5000, 128], strides = [1, 1]} : vector<5000x256xf32> to vector<5000x128xf32>
    %swap3A_62 = arith.constant 0 : index
    %swap3A_63 = arith.constant 0 : index
    %swap3A_64 = arith.constant 0 : index
    %swap3A_65 = vector.load %arg11[%swap3A_62, %swap3A_63, %swap3A_64] : memref<2x5000x128xf32, #tpu.memory_space<vmem>>, vector<1x5000x128xf32>
    %swap3A_66 = vector.shape_cast %swap3A_65 : vector<1x5000x128xf32> to vector<5000x128xf32>
    %swap3A_67 = vector.shape_cast %slice3A : vector<5000x128xf32> to vector<1x5000x128xf32>
    tpu.vector_store %arg11[%swap3A_62, %swap3A_63, %swap3A_64], %swap3A_67 {strides = array<i32>} : memref<2x5000x128xf32, #tpu.memory_space<vmem>>, vector<1x5000x128xf32>,
    %slice3A_68 = vector.extract_strided_slice %mul3A_61 {offsets = [0, 128], sizes = [5000, 128], strides = [1, 1]} : vector<5000x256xf32> to vector<5000x128xf32>
    %swap3A_69 = arith.constant 1 : index
    %swap3A_70 = arith.constant 0 : index
    %swap3A_71 = arith.constant 0 : index
    %swap3A_72 = vector.load %arg11[%swap3A_69, %swap3A_70, %swap3A_71] : memref<2x5000x128xf32, #tpu.memory_space<vmem>>, vector<1x5000x128xf32>
    %swap3A_73 = vector.shape_cast %swap3A_72 : vector<1x5000x128xf32> to vector<5000x128xf32>
    %swap3A_74 = vector.shape_cast %slice3A_68 : vector<5000x128xf32> to vector<1x5000x128xf32>
    tpu.vector_store %arg11[%swap3A_69, %swap3A_70, %swap3A_71], %swap3A_74 {strides = array<i32>} : memref<2x5000x128xf32, #tpu.memory_space<vmem>>, vector<1x5000x128xf32>,
    return
  }
  func.func @transform_0(%arg0: i32) -> (i32, i32) {
    %c0_i32 = arith.constant 0 : i32
    %c0_i32_0 = arith.constant 0 : i32
    return %arg0, %c0_i32 : i32, i32
  }
  func.func @transform_1(%arg0: i32) -> (i32, i32) {
    %c0_i32 = arith.constant 0 : i32
    %c0_i32_0 = arith.constant 0 : i32
    %c0_i32_1 = arith.constant 0 : i32
    return %c0_i32, %c0_i32_0 : i32, i32
  }
  func.func @transform_2(%arg0: i32) -> (i32, i32) {
    %c0_i32 = arith.constant 0 : i32
    %c0_i32_0 = arith.constant 0 : i32
    %c0_i32_1 = arith.constant 0 : i32
    return %c0_i32, %c0_i32_0 : i32, i32
  }
  func.func @transform_3(%arg0: i32) -> (i32, i32) {
    %c0_i32 = arith.constant 0 : i32
    %c0_i32_0 = arith.constant 0 : i32
    %c0_i32_1 = arith.constant 0 : i32
    return %c0_i32, %c0_i32_0 : i32, i32
  }
  func.func @transform_4(%arg0: i32) -> (i32, i32) {
    %c0_i32 = arith.constant 0 : i32
    %c0_i32_0 = arith.constant 0 : i32
    %c0_i32_1 = arith.constant 0 : i32
    return %c0_i32, %c0_i32_0 : i32, i32
  }
  func.func @transform_5(%arg0: i32) -> (i32, i32) {
    %c0_i32 = arith.constant 0 : i32
    %c0_i32_0 = arith.constant 0 : i32
    %c0_i32_1 = arith.constant 0 : i32
    return %c0_i32, %c0_i32_0 : i32, i32
  }
  func.func @transform_6(%arg0: i32) -> (i32, i32) {
    %c0_i32 = arith.constant 0 : i32
    %c0_i32_0 = arith.constant 0 : i32
    %c0_i32_1 = arith.constant 0 : i32
    return %c0_i32, %c0_i32_0 : i32, i32
  }
  func.func @transform_7(%arg0: i32) -> (i32, i32) {
    %c0_i32 = arith.constant 0 : i32
    %c0_i32_0 = arith.constant 0 : i32
    %c0_i32_1 = arith.constant 0 : i32
    return %c0_i32, %c0_i32_0 : i32, i32
  }
  func.func @transform_8(%arg0: i32) -> (i32, i32) {
    %c0_i32 = arith.constant 0 : i32
    %c0_i32_0 = arith.constant 0 : i32
    %c0_i32_1 = arith.constant 0 : i32
    return %c0_i32, %c0_i32_0 : i32, i32
  }
  func.func @transform_9(%arg0: i32) -> (i32, i32) {
    %c0_i32 = arith.constant 0 : i32
    %c0_i32_0 = arith.constant 0 : i32
    return %arg0, %c0_i32 : i32, i32
  }
  func.func @transform_10(%arg0: i32) -> (i32, i32, i32) {
    %c0_i32 = arith.constant 0 : i32
    %c0_i32_0 = arith.constant 0 : i32
    %c0_i32_1 = arith.constant 0 : i32
    return %c0_i32, %arg0, %c0_i32_0 : i32, i32, i32
  }
}

module attributes {stable_mosaic.version = 14 : i64} {
  func.func @_upd_prep_body(%arg0: i32, %arg1: memref<5000x256xf32, #tpu.memory_space<vmem>>, %arg2: memref<5000x128xf32, #tpu.memory_space<vmem>>, %arg3: memref<5000x128xf32, #tpu.memory_space<vmem>>, %arg4: memref<1x256xf32, #tpu.memory_space<vmem>>, %arg5: memref<1x256xf32, #tpu.memory_space<vmem>>, %arg6: memref<1x128xf32, #tpu.memory_space<vmem>>, %arg7: memref<1x128xf32, #tpu.memory_space<vmem>>, %arg8: memref<1x128xf32, #tpu.memory_space<vmem>>, %arg9: memref<1x128xf32, #tpu.memory_space<vmem>>, %arg10: memref<256x256xf32, #tpu.memory_space<vmem>>, %arg11: memref<128x256xf32, #tpu.memory_space<vmem>>, %arg12: memref<128x256xf32, #tpu.memory_space<vmem>>, %arg13: memref<1x256xf32, #tpu.memory_space<vmem>>, %arg14: memref<1x256xf32, #tpu.memory_space<vmem>>, %arg15: memref<1x256xf32, #tpu.memory_space<vmem>>, %arg16: memref<256x256xf32, #tpu.memory_space<vmem>>, %arg17: memref<1x256xf32, #tpu.memory_space<vmem>>, %arg18: memref<5000x256xf32, #tpu.memory_space<vmem>>, %arg19: memref<2x5000x128xf32, #tpu.memory_space<vmem>>) attributes {dimension_semantics = [#tpu.dimension_semantics<arbitrary>], iteration_bounds = array<i64: 2>, scalar_prefetch = 0 : i64, scratch_operands = 0 : i64, tpu.core_type = #tpu.core_type<tc>, window_params = [{transform_indices = @transform_0, window_bounds = array<i64: 5000, 256>}, {transform_indices = @transform_1, window_bounds = array<i64: 5000, 128>}, {transform_indices = @transform_2, window_bounds = array<i64: 5000, 128>}, {pipeline_mode = #tpu.pipeline_mode<synchronous>, transform_indices = @transform_3, window_bounds = array<i64: 1, 256>}, {pipeline_mode = #tpu.pipeline_mode<synchronous>, transform_indices = @transform_4, window_bounds = array<i64: 1, 256>}, {pipeline_mode = #tpu.pipeline_mode<synchronous>, transform_indices = @transform_5, window_bounds = array<i64: 1, 128>}, {pipeline_mode = #tpu.pipeline_mode<synchronous>, transform_indices = @transform_6, window_bounds = array<i64: 1, 128>}, {pipeline_mode = #tpu.pipeline_mode<synchronous>, transform_indices = @transform_7, window_bounds = array<i64: 1, 128>}, {pipeline_mode = #tpu.pipeline_mode<synchronous>, transform_indices = @transform_8, window_bounds = array<i64: 1, 128>}, {pipeline_mode = #tpu.pipeline_mode<synchronous>, transform_indices = @transform_9, window_bounds = array<i64: 256, 256>}, {pipeline_mode = #tpu.pipeline_mode<synchronous>, transform_indices = @transform_10, window_bounds = array<i64: 128, 256>}, {pipeline_mode = #tpu.pipeline_mode<synchronous>, transform_indices = @transform_11, window_bounds = array<i64: 128, 256>}, {pipeline_mode = #tpu.pipeline_mode<synchronous>, transform_indices = @transform_12, window_bounds = array<i64: 1, 256>}, {pipeline_mode = #tpu.pipeline_mode<synchronous>, transform_indices = @transform_13, window_bounds = array<i64: 1, 256>}, {pipeline_mode = #tpu.pipeline_mode<synchronous>, transform_indices = @transform_14, window_bounds = array<i64: 1, 256>}, {pipeline_mode = #tpu.pipeline_mode<synchronous>, transform_indices = @transform_15, window_bounds = array<i64: 256, 256>}, {pipeline_mode = #tpu.pipeline_mode<synchronous>, transform_indices = @transform_16, window_bounds = array<i64: 1, 256>}, {transform_indices = @transform_17, window_bounds = array<i64: 5000, 256>}, {transform_indices = @transform_18, window_bounds = array<i64: 2, 5000, 128>}]} {
    %get3A = arith.constant 0 : index
    %get3A_0 = arith.constant 0 : index
    %get3A_1 = vector.load %arg1[%get3A, %get3A_0] : memref<5000x256xf32, #tpu.memory_space<vmem>>, vector<5000x256xf32>
    %get3A_2 = arith.constant 0 : index
    %get3A_3 = arith.constant 0 : index
    %get3A_4 = vector.load %arg4[%get3A_2, %get3A_3] : memref<1x256xf32, #tpu.memory_space<vmem>>, vector<1x256xf32>
    %mul3A = vector.broadcast %get3A_4 : vector<1x256xf32> to vector<5000x256xf32>
    %mul3A_5 = arith.mulf %get3A_1, %mul3A : vector<5000x256xf32>
    %get3A_6 = arith.constant 0 : index
    %get3A_7 = arith.constant 0 : index
    %get3A_8 = vector.load %arg5[%get3A_6, %get3A_7] : memref<1x256xf32, #tpu.memory_space<vmem>>, vector<1x256xf32>
    %add3A = vector.broadcast %get3A_8 : vector<1x256xf32> to vector<5000x256xf32>
    %add3A_9 = arith.addf %mul3A_5, %add3A : vector<5000x256xf32>
    %get3A_10 = arith.constant 0 : index
    %get3A_11 = arith.constant 0 : index
    %get3A_12 = vector.load %arg2[%get3A_10, %get3A_11] : memref<5000x128xf32, #tpu.memory_space<vmem>>, vector<5000x128xf32>
    %get3A_13 = arith.constant 0 : index
    %get3A_14 = arith.constant 0 : index
    %get3A_15 = vector.load %arg6[%get3A_13, %get3A_14] : memref<1x128xf32, #tpu.memory_space<vmem>>, vector<1x128xf32>
    %mul3A_16 = vector.broadcast %get3A_15 : vector<1x128xf32> to vector<5000x128xf32>
    %mul3A_17 = arith.mulf %get3A_12, %mul3A_16 : vector<5000x128xf32>
    %get3A_18 = arith.constant 0 : index
    %get3A_19 = arith.constant 0 : index
    %get3A_20 = vector.load %arg7[%get3A_18, %get3A_19] : memref<1x128xf32, #tpu.memory_space<vmem>>, vector<1x128xf32>
    %add3A_21 = vector.broadcast %get3A_20 : vector<1x128xf32> to vector<5000x128xf32>
    %add3A_22 = arith.addf %mul3A_17, %add3A_21 : vector<5000x128xf32>
    %get3A_23 = arith.constant 0 : index
    %get3A_24 = arith.constant 0 : index
    %get3A_25 = vector.load %arg3[%get3A_23, %get3A_24] : memref<5000x128xf32, #tpu.memory_space<vmem>>, vector<5000x128xf32>
    %get3A_26 = arith.constant 0 : index
    %get3A_27 = arith.constant 0 : index
    %get3A_28 = vector.load %arg8[%get3A_26, %get3A_27] : memref<1x128xf32, #tpu.memory_space<vmem>>, vector<1x128xf32>
    %mul3A_29 = vector.broadcast %get3A_28 : vector<1x128xf32> to vector<5000x128xf32>
    %mul3A_30 = arith.mulf %get3A_25, %mul3A_29 : vector<5000x128xf32>
    %get3A_31 = arith.constant 0 : index
    %get3A_32 = arith.constant 0 : index
    %get3A_33 = vector.load %arg9[%get3A_31, %get3A_32] : memref<1x128xf32, #tpu.memory_space<vmem>>, vector<1x128xf32>
    %add3A_34 = vector.broadcast %get3A_33 : vector<1x128xf32> to vector<5000x128xf32>
    %add3A_35 = arith.addf %mul3A_30, %add3A_34 : vector<5000x128xf32>
    %get3A_36 = arith.constant 0 : index
    %get3A_37 = arith.constant 0 : index
    %get3A_38 = vector.load %arg10[%get3A_36, %get3A_37] : memref<256x256xf32, #tpu.memory_space<vmem>>, vector<256x256xf32>
    %dot_general3A = arith.constant dense<0.000000e+00> : vector<5000x256xf32>
    %dot_general3A_39 = tpu.matmul %add3A_9, %get3A_38, %dot_general3A {dimension_numbers = #tpu.dot_dimension_numbers<[1], [0], [0], [1], [0, 0, 1, 1], [], []>, transpose_lhs_hint = false} : vector<5000x256xf32>, vector<256x256xf32>, vector<5000x256xf32> -> vector<5000x256xf32>
    %get3A_40 = arith.constant 0 : index
    %get3A_41 = arith.constant 0 : index
    %get3A_42 = vector.load %arg11[%get3A_40, %get3A_41] : memref<128x256xf32, #tpu.memory_space<vmem>>, vector<128x256xf32>
    %dot_general3A_43 = arith.constant dense<0.000000e+00> : vector<5000x256xf32>
    %dot_general3A_44 = tpu.matmul %add3A_22, %get3A_42, %dot_general3A_43 {dimension_numbers = #tpu.dot_dimension_numbers<[1], [0], [0], [1], [0, 0, 1, 1], [], []>, transpose_lhs_hint = false} : vector<5000x128xf32>, vector<128x256xf32>, vector<5000x256xf32> -> vector<5000x256xf32>
    %add3A_45 = arith.addf %dot_general3A_39, %dot_general3A_44 : vector<5000x256xf32>
    %get3A_46 = arith.constant 0 : index
    %get3A_47 = arith.constant 0 : index
    %get3A_48 = vector.load %arg12[%get3A_46, %get3A_47] : memref<128x256xf32, #tpu.memory_space<vmem>>, vector<128x256xf32>
    %dot_general3A_49 = arith.constant dense<0.000000e+00> : vector<5000x256xf32>
    %dot_general3A_50 = tpu.matmul %add3A_35, %get3A_48, %dot_general3A_49 {dimension_numbers = #tpu.dot_dimension_numbers<[1], [0], [0], [1], [0, 0, 1, 1], [], []>, transpose_lhs_hint = false} : vector<5000x128xf32>, vector<128x256xf32>, vector<5000x256xf32> -> vector<5000x256xf32>
    %add3A_51 = arith.addf %add3A_45, %dot_general3A_50 : vector<5000x256xf32>
    %get3A_52 = arith.constant 0 : index
    %get3A_53 = arith.constant 0 : index
    %get3A_54 = vector.load %arg13[%get3A_52, %get3A_53] : memref<1x256xf32, #tpu.memory_space<vmem>>, vector<1x256xf32>
    %add3A_55 = vector.broadcast %get3A_54 : vector<1x256xf32> to vector<5000x256xf32>
    %add3A_56 = arith.addf %add3A_51, %add3A_55 : vector<5000x256xf32>
    %mul3A_57 = arith.constant 5.000000e-01 : f32
    %mul3A_58 = vector.broadcast %mul3A_57 : f32 to vector<5000x256xf32>
    %mul3A_59 = arith.mulf %mul3A_58, %add3A_56 : vector<5000x256xf32>
    %mul3A_60 = arith.constant 0.707106769 : f32
    %mul3A_61 = vector.broadcast %mul3A_60 : f32 to vector<5000x256xf32>
    %mul3A_62 = arith.mulf %add3A_56, %mul3A_61 : vector<5000x256xf32>
    %erf3A = math.erf %mul3A_62 : vector<5000x256xf32>
    %add3A_63 = arith.constant 1.000000e+00 : f32
    %add3A_64 = vector.broadcast %add3A_63 : f32 to vector<5000x256xf32>
    %add3A_65 = arith.addf %add3A_64, %erf3A : vector<5000x256xf32>
    %mul3A_66 = arith.mulf %mul3A_59, %add3A_65 : vector<5000x256xf32>
    %mul3A_67 = arith.mulf %mul3A_66, %mul3A_66 : vector<5000x256xf32>
    %reduce_sum3A = arith.constant dense<0.000000e+00> : vector<5000xf32>
    %reduce_sum3A_68 = vector.multi_reduction <add>, %mul3A_67, %reduce_sum3A [1] : vector<5000x256xf32> to vector<5000xf32>
    %broadcast_in_dim3A = vector.shape_cast %reduce_sum3A_68 : vector<5000xf32> to vector<5000x1xf32>
    %max3A = arith.constant 9.99999996E-13 : f32
    %max3A_69 = vector.broadcast %max3A : f32 to vector<5000x1xf32>
    %max3A_70 = arith.maximumf %broadcast_in_dim3A, %max3A_69 : vector<5000x1xf32>
    %rsqrt3A = math.rsqrt %max3A_70 : vector<5000x1xf32>
    %mul3A_71 = vector.broadcast %rsqrt3A : vector<5000x1xf32> to vector<5000x256xf32>
    %mul3A_72 = arith.mulf %mul3A_66, %mul3A_71 : vector<5000x256xf32>
    %get3A_73 = arith.constant 0 : index
    %get3A_74 = arith.constant 0 : index
    %get3A_75 = vector.load %arg1[%get3A_73, %get3A_74] : memref<5000x256xf32, #tpu.memory_space<vmem>>, vector<5000x256xf32>
    %add3A_76 = arith.addf %mul3A_72, %get3A_75 : vector<5000x256xf32>
    %swap3A = arith.constant 0 : index
    %swap3A_77 = arith.constant 0 : index
    %swap3A_78 = vector.load %arg18[%swap3A, %swap3A_77] : memref<5000x256xf32, #tpu.memory_space<vmem>>, vector<5000x256xf32>
    tpu.vector_store %arg18[%swap3A, %swap3A_77], %add3A_76 {strides = array<i32>} : memref<5000x256xf32, #tpu.memory_space<vmem>>, vector<5000x256xf32>,
    %get3A_79 = arith.constant 0 : index
    %get3A_80 = arith.constant 0 : index
    %get3A_81 = vector.load %arg14[%get3A_79, %get3A_80] : memref<1x256xf32, #tpu.memory_space<vmem>>, vector<1x256xf32>
    %mul3A_82 = vector.broadcast %get3A_81 : vector<1x256xf32> to vector<5000x256xf32>
    %mul3A_83 = arith.mulf %add3A_76, %mul3A_82 : vector<5000x256xf32>
    %get3A_84 = arith.constant 0 : index
    %get3A_85 = arith.constant 0 : index
    %get3A_86 = vector.load %arg15[%get3A_84, %get3A_85] : memref<1x256xf32, #tpu.memory_space<vmem>>, vector<1x256xf32>
    %add3A_87 = vector.broadcast %get3A_86 : vector<1x256xf32> to vector<5000x256xf32>
    %add3A_88 = arith.addf %mul3A_83, %add3A_87 : vector<5000x256xf32>
    %get3A_89 = arith.constant 0 : index
    %get3A_90 = arith.constant 0 : index
    %get3A_91 = vector.load %arg16[%get3A_89, %get3A_90] : memref<256x256xf32, #tpu.memory_space<vmem>>, vector<256x256xf32>
    %dot_general3A_92 = arith.constant dense<0.000000e+00> : vector<5000x256xf32>
    %dot_general3A_93 = tpu.matmul %add3A_88, %get3A_91, %dot_general3A_92 {dimension_numbers = #tpu.dot_dimension_numbers<[1], [0], [0], [1], [0, 0, 1, 1], [], []>, transpose_lhs_hint = false} : vector<5000x256xf32>, vector<256x256xf32>, vector<5000x256xf32> -> vector<5000x256xf32>
    %get3A_94 = arith.constant 0 : index
    %get3A_95 = arith.constant 0 : index
    %get3A_96 = vector.load %arg17[%get3A_94, %get3A_95] : memref<1x256xf32, #tpu.memory_space<vmem>>, vector<1x256xf32>
    %add3A_97 = vector.broadcast %get3A_96 : vector<1x256xf32> to vector<5000x256xf32>
    %add3A_98 = arith.addf %dot_general3A_93, %add3A_97 : vector<5000x256xf32>
    %mul3A_99 = arith.constant 5.000000e-01 : f32
    %mul3A_100 = vector.broadcast %mul3A_99 : f32 to vector<5000x256xf32>
    %mul3A_101 = arith.mulf %mul3A_100, %add3A_98 : vector<5000x256xf32>
    %mul3A_102 = arith.constant 0.707106769 : f32
    %mul3A_103 = vector.broadcast %mul3A_102 : f32 to vector<5000x256xf32>
    %mul3A_104 = arith.mulf %add3A_98, %mul3A_103 : vector<5000x256xf32>
    %erf3A_105 = math.erf %mul3A_104 : vector<5000x256xf32>
    %add3A_106 = arith.constant 1.000000e+00 : f32
    %add3A_107 = vector.broadcast %add3A_106 : f32 to vector<5000x256xf32>
    %add3A_108 = arith.addf %add3A_107, %erf3A_105 : vector<5000x256xf32>
    %mul3A_109 = arith.mulf %mul3A_101, %add3A_108 : vector<5000x256xf32>
    %slice3A = vector.extract_strided_slice %mul3A_109 {offsets = [0, 0], sizes = [5000, 128], strides = [1, 1]} : vector<5000x256xf32> to vector<5000x128xf32>
    %swap3A_110 = arith.constant 0 : index
    %swap3A_111 = arith.constant 0 : index
    %swap3A_112 = arith.constant 0 : index
    %swap3A_113 = vector.load %arg19[%swap3A_110, %swap3A_111, %swap3A_112] : memref<2x5000x128xf32, #tpu.memory_space<vmem>>, vector<1x5000x128xf32>
    %swap3A_114 = vector.shape_cast %swap3A_113 : vector<1x5000x128xf32> to vector<5000x128xf32>
    %swap3A_115 = vector.shape_cast %slice3A : vector<5000x128xf32> to vector<1x5000x128xf32>
    tpu.vector_store %arg19[%swap3A_110, %swap3A_111, %swap3A_112], %swap3A_115 {strides = array<i32>} : memref<2x5000x128xf32, #tpu.memory_space<vmem>>, vector<1x5000x128xf32>,
    %slice3A_116 = vector.extract_strided_slice %mul3A_109 {offsets = [0, 128], sizes = [5000, 128], strides = [1, 1]} : vector<5000x256xf32> to vector<5000x128xf32>
    %swap3A_117 = arith.constant 1 : index
    %swap3A_118 = arith.constant 0 : index
    %swap3A_119 = arith.constant 0 : index
    %swap3A_120 = vector.load %arg19[%swap3A_117, %swap3A_118, %swap3A_119] : memref<2x5000x128xf32, #tpu.memory_space<vmem>>, vector<1x5000x128xf32>
    %swap3A_121 = vector.shape_cast %swap3A_120 : vector<1x5000x128xf32> to vector<5000x128xf32>
    %swap3A_122 = vector.shape_cast %slice3A_116 : vector<5000x128xf32> to vector<1x5000x128xf32>
    tpu.vector_store %arg19[%swap3A_117, %swap3A_118, %swap3A_119], %swap3A_122 {strides = array<i32>} : memref<2x5000x128xf32, #tpu.memory_space<vmem>>, vector<1x5000x128xf32>,
    return
  }
  func.func @transform_0(%arg0: i32) -> (i32, i32) {
    %c0_i32 = arith.constant 0 : i32
    %c0_i32_0 = arith.constant 0 : i32
    return %arg0, %c0_i32 : i32, i32
  }
  func.func @transform_1(%arg0: i32) -> (i32, i32) {
    %c0_i32 = arith.constant 0 : i32
    %c0_i32_0 = arith.constant 0 : i32
    return %arg0, %c0_i32 : i32, i32
  }
  func.func @transform_2(%arg0: i32) -> (i32, i32) {
    %c0_i32 = arith.constant 0 : i32
    %c0_i32_0 = arith.constant 0 : i32
    return %arg0, %c0_i32 : i32, i32
  }
  func.func @transform_3(%arg0: i32) -> (i32, i32) {
    %c0_i32 = arith.constant 0 : i32
    %c0_i32_0 = arith.constant 0 : i32
    %c0_i32_1 = arith.constant 0 : i32
    return %c0_i32, %c0_i32_0 : i32, i32
  }
  func.func @transform_4(%arg0: i32) -> (i32, i32) {
    %c0_i32 = arith.constant 0 : i32
    %c0_i32_0 = arith.constant 0 : i32
    %c0_i32_1 = arith.constant 0 : i32
    return %c0_i32, %c0_i32_0 : i32, i32
  }
  func.func @transform_5(%arg0: i32) -> (i32, i32) {
    %c0_i32 = arith.constant 0 : i32
    %c0_i32_0 = arith.constant 0 : i32
    %c0_i32_1 = arith.constant 0 : i32
    return %c0_i32, %c0_i32_0 : i32, i32
  }
  func.func @transform_6(%arg0: i32) -> (i32, i32) {
    %c0_i32 = arith.constant 0 : i32
    %c0_i32_0 = arith.constant 0 : i32
    %c0_i32_1 = arith.constant 0 : i32
    return %c0_i32, %c0_i32_0 : i32, i32
  }
  func.func @transform_7(%arg0: i32) -> (i32, i32) {
    %c0_i32 = arith.constant 0 : i32
    %c0_i32_0 = arith.constant 0 : i32
    %c0_i32_1 = arith.constant 0 : i32
    return %c0_i32, %c0_i32_0 : i32, i32
  }
  func.func @transform_8(%arg0: i32) -> (i32, i32) {
    %c0_i32 = arith.constant 0 : i32
    %c0_i32_0 = arith.constant 0 : i32
    %c0_i32_1 = arith.constant 0 : i32
    return %c0_i32, %c0_i32_0 : i32, i32
  }
  func.func @transform_9(%arg0: i32) -> (i32, i32) {
    %c0_i32 = arith.constant 0 : i32
    %c0_i32_0 = arith.constant 0 : i32
    %c0_i32_1 = arith.constant 0 : i32
    return %c0_i32, %c0_i32_0 : i32, i32
  }
  func.func @transform_10(%arg0: i32) -> (i32, i32) {
    %c0_i32 = arith.constant 0 : i32
    %c0_i32_0 = arith.constant 0 : i32
    %c0_i32_1 = arith.constant 0 : i32
    return %c0_i32, %c0_i32_0 : i32, i32
  }
  func.func @transform_11(%arg0: i32) -> (i32, i32) {
    %c0_i32 = arith.constant 0 : i32
    %c0_i32_0 = arith.constant 0 : i32
    %c0_i32_1 = arith.constant 0 : i32
    return %c0_i32, %c0_i32_0 : i32, i32
  }
  func.func @transform_12(%arg0: i32) -> (i32, i32) {
    %c0_i32 = arith.constant 0 : i32
    %c0_i32_0 = arith.constant 0 : i32
    %c0_i32_1 = arith.constant 0 : i32
    return %c0_i32, %c0_i32_0 : i32, i32
  }
  func.func @transform_13(%arg0: i32) -> (i32, i32) {
    %c0_i32 = arith.constant 0 : i32
    %c0_i32_0 = arith.constant 0 : i32
    %c0_i32_1 = arith.constant 0 : i32
    return %c0_i32, %c0_i32_0 : i32, i32
  }
  func.func @transform_14(%arg0: i32) -> (i32, i32) {
    %c0_i32 = arith.constant 0 : i32
    %c0_i32_0 = arith.constant 0 : i32
    %c0_i32_1 = arith.constant 0 : i32
    return %c0_i32, %c0_i32_0 : i32, i32
  }
  func.func @transform_15(%arg0: i32) -> (i32, i32) {
    %c0_i32 = arith.constant 0 : i32
    %c0_i32_0 = arith.constant 0 : i32
    %c0_i32_1 = arith.constant 0 : i32
    return %c0_i32, %c0_i32_0 : i32, i32
  }
  func.func @transform_16(%arg0: i32) -> (i32, i32) {
    %c0_i32 = arith.constant 0 : i32
    %c0_i32_0 = arith.constant 0 : i32
    %c0_i32_1 = arith.constant 0 : i32
    return %c0_i32, %c0_i32_0 : i32, i32
  }
  func.func @transform_17(%arg0: i32) -> (i32, i32) {
    %c0_i32 = arith.constant 0 : i32
    %c0_i32_0 = arith.constant 0 : i32
    return %arg0, %c0_i32 : i32, i32
  }
  func.func @transform_18(%arg0: i32) -> (i32, i32, i32) {
    %c0_i32 = arith.constant 0 : i32
    %c0_i32_0 = arith.constant 0 : i32
    %c0_i32_1 = arith.constant 0 : i32
    return %c0_i32, %arg0, %c0_i32_0 : i32, i32, i32
  }
}

module attributes {stable_mosaic.version = 14 : i64} {
  func.func @_upd_body(%arg0: i32, %arg1: memref<5000x256xf32, #tpu.memory_space<vmem>>, %arg2: memref<5000x128xf32, #tpu.memory_space<vmem>>, %arg3: memref<5000x128xf32, #tpu.memory_space<vmem>>, %arg4: memref<1x256xf32, #tpu.memory_space<vmem>>, %arg5: memref<1x256xf32, #tpu.memory_space<vmem>>, %arg6: memref<1x128xf32, #tpu.memory_space<vmem>>, %arg7: memref<1x128xf32, #tpu.memory_space<vmem>>, %arg8: memref<1x128xf32, #tpu.memory_space<vmem>>, %arg9: memref<1x128xf32, #tpu.memory_space<vmem>>, %arg10: memref<256x256xf32, #tpu.memory_space<vmem>>, %arg11: memref<128x256xf32, #tpu.memory_space<vmem>>, %arg12: memref<128x256xf32, #tpu.memory_space<vmem>>, %arg13: memref<1x256xf32, #tpu.memory_space<vmem>>, %arg14: memref<5000x256xf32, #tpu.memory_space<vmem>>) attributes {dimension_semantics = [#tpu.dimension_semantics<arbitrary>], iteration_bounds = array<i64: 2>, scalar_prefetch = 0 : i64, scratch_operands = 0 : i64, tpu.core_type = #tpu.core_type<tc>, window_params = [{transform_indices = @transform_0, window_bounds = array<i64: 5000, 256>}, {transform_indices = @transform_1, window_bounds = array<i64: 5000, 128>}, {transform_indices = @transform_2, window_bounds = array<i64: 5000, 128>}, {pipeline_mode = #tpu.pipeline_mode<synchronous>, transform_indices = @transform_3, window_bounds = array<i64: 1, 256>}, {pipeline_mode = #tpu.pipeline_mode<synchronous>, transform_indices = @transform_4, window_bounds = array<i64: 1, 256>}, {pipeline_mode = #tpu.pipeline_mode<synchronous>, transform_indices = @transform_5, window_bounds = array<i64: 1, 128>}, {pipeline_mode = #tpu.pipeline_mode<synchronous>, transform_indices = @transform_6, window_bounds = array<i64: 1, 128>}, {pipeline_mode = #tpu.pipeline_mode<synchronous>, transform_indices = @transform_7, window_bounds = array<i64: 1, 128>}, {pipeline_mode = #tpu.pipeline_mode<synchronous>, transform_indices = @transform_8, window_bounds = array<i64: 1, 128>}, {pipeline_mode = #tpu.pipeline_mode<synchronous>, transform_indices = @transform_9, window_bounds = array<i64: 256, 256>}, {pipeline_mode = #tpu.pipeline_mode<synchronous>, transform_indices = @transform_10, window_bounds = array<i64: 128, 256>}, {pipeline_mode = #tpu.pipeline_mode<synchronous>, transform_indices = @transform_11, window_bounds = array<i64: 128, 256>}, {pipeline_mode = #tpu.pipeline_mode<synchronous>, transform_indices = @transform_12, window_bounds = array<i64: 1, 256>}, {transform_indices = @transform_13, window_bounds = array<i64: 5000, 256>}]} {
    %get3A = arith.constant 0 : index
    %get3A_0 = arith.constant 0 : index
    %get3A_1 = vector.load %arg1[%get3A, %get3A_0] : memref<5000x256xf32, #tpu.memory_space<vmem>>, vector<5000x256xf32>
    %get3A_2 = arith.constant 0 : index
    %get3A_3 = arith.constant 0 : index
    %get3A_4 = vector.load %arg4[%get3A_2, %get3A_3] : memref<1x256xf32, #tpu.memory_space<vmem>>, vector<1x256xf32>
    %mul3A = vector.broadcast %get3A_4 : vector<1x256xf32> to vector<5000x256xf32>
    %mul3A_5 = arith.mulf %get3A_1, %mul3A : vector<5000x256xf32>
    %get3A_6 = arith.constant 0 : index
    %get3A_7 = arith.constant 0 : index
    %get3A_8 = vector.load %arg5[%get3A_6, %get3A_7] : memref<1x256xf32, #tpu.memory_space<vmem>>, vector<1x256xf32>
    %add3A = vector.broadcast %get3A_8 : vector<1x256xf32> to vector<5000x256xf32>
    %add3A_9 = arith.addf %mul3A_5, %add3A : vector<5000x256xf32>
    %get3A_10 = arith.constant 0 : index
    %get3A_11 = arith.constant 0 : index
    %get3A_12 = vector.load %arg2[%get3A_10, %get3A_11] : memref<5000x128xf32, #tpu.memory_space<vmem>>, vector<5000x128xf32>
    %get3A_13 = arith.constant 0 : index
    %get3A_14 = arith.constant 0 : index
    %get3A_15 = vector.load %arg6[%get3A_13, %get3A_14] : memref<1x128xf32, #tpu.memory_space<vmem>>, vector<1x128xf32>
    %mul3A_16 = vector.broadcast %get3A_15 : vector<1x128xf32> to vector<5000x128xf32>
    %mul3A_17 = arith.mulf %get3A_12, %mul3A_16 : vector<5000x128xf32>
    %get3A_18 = arith.constant 0 : index
    %get3A_19 = arith.constant 0 : index
    %get3A_20 = vector.load %arg7[%get3A_18, %get3A_19] : memref<1x128xf32, #tpu.memory_space<vmem>>, vector<1x128xf32>
    %add3A_21 = vector.broadcast %get3A_20 : vector<1x128xf32> to vector<5000x128xf32>
    %add3A_22 = arith.addf %mul3A_17, %add3A_21 : vector<5000x128xf32>
    %get3A_23 = arith.constant 0 : index
    %get3A_24 = arith.constant 0 : index
    %get3A_25 = vector.load %arg3[%get3A_23, %get3A_24] : memref<5000x128xf32, #tpu.memory_space<vmem>>, vector<5000x128xf32>
    %get3A_26 = arith.constant 0 : index
    %get3A_27 = arith.constant 0 : index
    %get3A_28 = vector.load %arg8[%get3A_26, %get3A_27] : memref<1x128xf32, #tpu.memory_space<vmem>>, vector<1x128xf32>
    %mul3A_29 = vector.broadcast %get3A_28 : vector<1x128xf32> to vector<5000x128xf32>
    %mul3A_30 = arith.mulf %get3A_25, %mul3A_29 : vector<5000x128xf32>
    %get3A_31 = arith.constant 0 : index
    %get3A_32 = arith.constant 0 : index
    %get3A_33 = vector.load %arg9[%get3A_31, %get3A_32] : memref<1x128xf32, #tpu.memory_space<vmem>>, vector<1x128xf32>
    %add3A_34 = vector.broadcast %get3A_33 : vector<1x128xf32> to vector<5000x128xf32>
    %add3A_35 = arith.addf %mul3A_30, %add3A_34 : vector<5000x128xf32>
    %get3A_36 = arith.constant 0 : index
    %get3A_37 = arith.constant 0 : index
    %get3A_38 = vector.load %arg10[%get3A_36, %get3A_37] : memref<256x256xf32, #tpu.memory_space<vmem>>, vector<256x256xf32>
    %dot_general3A = arith.constant dense<0.000000e+00> : vector<5000x256xf32>
    %dot_general3A_39 = tpu.matmul %add3A_9, %get3A_38, %dot_general3A {dimension_numbers = #tpu.dot_dimension_numbers<[1], [0], [0], [1], [0, 0, 1, 1], [], []>, transpose_lhs_hint = false} : vector<5000x256xf32>, vector<256x256xf32>, vector<5000x256xf32> -> vector<5000x256xf32>
    %get3A_40 = arith.constant 0 : index
    %get3A_41 = arith.constant 0 : index
    %get3A_42 = vector.load %arg11[%get3A_40, %get3A_41] : memref<128x256xf32, #tpu.memory_space<vmem>>, vector<128x256xf32>
    %dot_general3A_43 = arith.constant dense<0.000000e+00> : vector<5000x256xf32>
    %dot_general3A_44 = tpu.matmul %add3A_22, %get3A_42, %dot_general3A_43 {dimension_numbers = #tpu.dot_dimension_numbers<[1], [0], [0], [1], [0, 0, 1, 1], [], []>, transpose_lhs_hint = false} : vector<5000x128xf32>, vector<128x256xf32>, vector<5000x256xf32> -> vector<5000x256xf32>
    %add3A_45 = arith.addf %dot_general3A_39, %dot_general3A_44 : vector<5000x256xf32>
    %get3A_46 = arith.constant 0 : index
    %get3A_47 = arith.constant 0 : index
    %get3A_48 = vector.load %arg12[%get3A_46, %get3A_47] : memref<128x256xf32, #tpu.memory_space<vmem>>, vector<128x256xf32>
    %dot_general3A_49 = arith.constant dense<0.000000e+00> : vector<5000x256xf32>
    %dot_general3A_50 = tpu.matmul %add3A_35, %get3A_48, %dot_general3A_49 {dimension_numbers = #tpu.dot_dimension_numbers<[1], [0], [0], [1], [0, 0, 1, 1], [], []>, transpose_lhs_hint = false} : vector<5000x128xf32>, vector<128x256xf32>, vector<5000x256xf32> -> vector<5000x256xf32>
    %add3A_51 = arith.addf %add3A_45, %dot_general3A_50 : vector<5000x256xf32>
    %get3A_52 = arith.constant 0 : index
    %get3A_53 = arith.constant 0 : index
    %get3A_54 = vector.load %arg13[%get3A_52, %get3A_53] : memref<1x256xf32, #tpu.memory_space<vmem>>, vector<1x256xf32>
    %add3A_55 = vector.broadcast %get3A_54 : vector<1x256xf32> to vector<5000x256xf32>
    %add3A_56 = arith.addf %add3A_51, %add3A_55 : vector<5000x256xf32>
    %mul3A_57 = arith.constant 5.000000e-01 : f32
    %mul3A_58 = vector.broadcast %mul3A_57 : f32 to vector<5000x256xf32>
    %mul3A_59 = arith.mulf %mul3A_58, %add3A_56 : vector<5000x256xf32>
    %mul3A_60 = arith.constant 0.707106769 : f32
    %mul3A_61 = vector.broadcast %mul3A_60 : f32 to vector<5000x256xf32>
    %mul3A_62 = arith.mulf %add3A_56, %mul3A_61 : vector<5000x256xf32>
    %erf3A = math.erf %mul3A_62 : vector<5000x256xf32>
    %add3A_63 = arith.constant 1.000000e+00 : f32
    %add3A_64 = vector.broadcast %add3A_63 : f32 to vector<5000x256xf32>
    %add3A_65 = arith.addf %add3A_64, %erf3A : vector<5000x256xf32>
    %mul3A_66 = arith.mulf %mul3A_59, %add3A_65 : vector<5000x256xf32>
    %mul3A_67 = arith.mulf %mul3A_66, %mul3A_66 : vector<5000x256xf32>
    %reduce_sum3A = arith.constant dense<0.000000e+00> : vector<5000xf32>
    %reduce_sum3A_68 = vector.multi_reduction <add>, %mul3A_67, %reduce_sum3A [1] : vector<5000x256xf32> to vector<5000xf32>
    %broadcast_in_dim3A = vector.shape_cast %reduce_sum3A_68 : vector<5000xf32> to vector<5000x1xf32>
    %max3A = arith.constant 9.99999996E-13 : f32
    %max3A_69 = vector.broadcast %max3A : f32 to vector<5000x1xf32>
    %max3A_70 = arith.maximumf %broadcast_in_dim3A, %max3A_69 : vector<5000x1xf32>
    %rsqrt3A = math.rsqrt %max3A_70 : vector<5000x1xf32>
    %mul3A_71 = vector.broadcast %rsqrt3A : vector<5000x1xf32> to vector<5000x256xf32>
    %mul3A_72 = arith.mulf %mul3A_66, %mul3A_71 : vector<5000x256xf32>
    %get3A_73 = arith.constant 0 : index
    %get3A_74 = arith.constant 0 : index
    %get3A_75 = vector.load %arg1[%get3A_73, %get3A_74] : memref<5000x256xf32, #tpu.memory_space<vmem>>, vector<5000x256xf32>
    %add3A_76 = arith.addf %mul3A_72, %get3A_75 : vector<5000x256xf32>
    %swap3A = arith.constant 0 : index
    %swap3A_77 = arith.constant 0 : index
    %swap3A_78 = vector.load %arg14[%swap3A, %swap3A_77] : memref<5000x256xf32, #tpu.memory_space<vmem>>, vector<5000x256xf32>
    tpu.vector_store %arg14[%swap3A, %swap3A_77], %add3A_76 {strides = array<i32>} : memref<5000x256xf32, #tpu.memory_space<vmem>>, vector<5000x256xf32>,
    return
  }
  func.func @transform_0(%arg0: i32) -> (i32, i32) {
    %c0_i32 = arith.constant 0 : i32
    %c0_i32_0 = arith.constant 0 : i32
    return %arg0, %c0_i32 : i32, i32
  }
  func.func @transform_1(%arg0: i32) -> (i32, i32) {
    %c0_i32 = arith.constant 0 : i32
    %c0_i32_0 = arith.constant 0 : i32
    return %arg0, %c0_i32 : i32, i32
  }
  func.func @transform_2(%arg0: i32) -> (i32, i32) {
    %c0_i32 = arith.constant 0 : i32
    %c0_i32_0 = arith.constant 0 : i32
    return %arg0, %c0_i32 : i32, i32
  }
  func.func @transform_3(%arg0: i32) -> (i32, i32) {
    %c0_i32 = arith.constant 0 : i32
    %c0_i32_0 = arith.constant 0 : i32
    %c0_i32_1 = arith.constant 0 : i32
    return %c0_i32, %c0_i32_0 : i32, i32
  }
  func.func @transform_4(%arg0: i32) -> (i32, i32) {
    %c0_i32 = arith.constant 0 : i32
    %c0_i32_0 = arith.constant 0 : i32
    %c0_i32_1 = arith.constant 0 : i32
    return %c0_i32, %c0_i32_0 : i32, i32
  }
  func.func @transform_5(%arg0: i32) -> (i32, i32) {
    %c0_i32 = arith.constant 0 : i32
    %c0_i32_0 = arith.constant 0 : i32
    %c0_i32_1 = arith.constant 0 : i32
    return %c0_i32, %c0_i32_0 : i32, i32
  }
  func.func @transform_6(%arg0: i32) -> (i32, i32) {
    %c0_i32 = arith.constant 0 : i32
    %c0_i32_0 = arith.constant 0 : i32
    %c0_i32_1 = arith.constant 0 : i32
    return %c0_i32, %c0_i32_0 : i32, i32
  }
  func.func @transform_7(%arg0: i32) -> (i32, i32) {
    %c0_i32 = arith.constant 0 : i32
    %c0_i32_0 = arith.constant 0 : i32
    %c0_i32_1 = arith.constant 0 : i32
    return %c0_i32, %c0_i32_0 : i32, i32
  }
  func.func @transform_8(%arg0: i32) -> (i32, i32) {
    %c0_i32 = arith.constant 0 : i32
    %c0_i32_0 = arith.constant 0 : i32
    %c0_i32_1 = arith.constant 0 : i32
    return %c0_i32, %c0_i32_0 : i32, i32
  }
  func.func @transform_9(%arg0: i32) -> (i32, i32) {
    %c0_i32 = arith.constant 0 : i32
    %c0_i32_0 = arith.constant 0 : i32
    %c0_i32_1 = arith.constant 0 : i32
    return %c0_i32, %c0_i32_0 : i32, i32
  }
  func.func @transform_10(%arg0: i32) -> (i32, i32) {
    %c0_i32 = arith.constant 0 : i32
    %c0_i32_0 = arith.constant 0 : i32
    %c0_i32_1 = arith.constant 0 : i32
    return %c0_i32, %c0_i32_0 : i32, i32
  }
  func.func @transform_11(%arg0: i32) -> (i32, i32) {
    %c0_i32 = arith.constant 0 : i32
    %c0_i32_0 = arith.constant 0 : i32
    %c0_i32_1 = arith.constant 0 : i32
    return %c0_i32, %c0_i32_0 : i32, i32
  }
  func.func @transform_12(%arg0: i32) -> (i32, i32) {
    %c0_i32 = arith.constant 0 : i32
    %c0_i32_0 = arith.constant 0 : i32
    %c0_i32_1 = arith.constant 0 : i32
    return %c0_i32, %c0_i32_0 : i32, i32
  }
  func.func @transform_13(%arg0: i32) -> (i32, i32) {
    %c0_i32 = arith.constant 0 : i32
    %c0_i32_0 = arith.constant 0 : i32
    return %arg0, %c0_i32 : i32, i32
  }
}

module attributes {stable_mosaic.version = 14 : i64} {
  func.func @_post_logits_body(%arg0: i32, %arg1: memref<1024x256xf32, #tpu.memory_space<vmem>>, %arg2: memref<1x256xf32, #tpu.memory_space<vmem>>, %arg3: memref<1x256xf32, #tpu.memory_space<vmem>>, %arg4: memref<256x256xf32, #tpu.memory_space<vmem>>, %arg5: memref<1x256xf32, #tpu.memory_space<vmem>>, %arg6: memref<256x64xf32, #tpu.memory_space<vmem>>, %arg7: memref<1x64xf32, #tpu.memory_space<vmem>>, %arg8: memref<1024x64xf32, #tpu.memory_space<vmem>>) attributes {dimension_semantics = [#tpu.dimension_semantics<arbitrary>], iteration_bounds = array<i64: 2>, scalar_prefetch = 0 : i64, scratch_operands = 0 : i64, tpu.core_type = #tpu.core_type<tc>, window_params = [{transform_indices = @transform_0, window_bounds = array<i64: 1024, 256>}, {pipeline_mode = #tpu.pipeline_mode<synchronous>, transform_indices = @transform_1, window_bounds = array<i64: 1, 256>}, {pipeline_mode = #tpu.pipeline_mode<synchronous>, transform_indices = @transform_2, window_bounds = array<i64: 1, 256>}, {pipeline_mode = #tpu.pipeline_mode<synchronous>, transform_indices = @transform_3, window_bounds = array<i64: 256, 256>}, {pipeline_mode = #tpu.pipeline_mode<synchronous>, transform_indices = @transform_4, window_bounds = array<i64: 1, 256>}, {pipeline_mode = #tpu.pipeline_mode<synchronous>, transform_indices = @transform_5, window_bounds = array<i64: 256, 64>}, {pipeline_mode = #tpu.pipeline_mode<synchronous>, transform_indices = @transform_6, window_bounds = array<i64: 1, 64>}, {transform_indices = @transform_7, window_bounds = array<i64: 1024, 64>}]} {
    %get3A = arith.constant 0 : index
    %get3A_0 = arith.constant 0 : index
    %get3A_1 = vector.load %arg1[%get3A, %get3A_0] : memref<1024x256xf32, #tpu.memory_space<vmem>>, vector<1024x256xf32>
    %get3A_2 = arith.constant 0 : index
    %get3A_3 = arith.constant 0 : index
    %get3A_4 = vector.load %arg2[%get3A_2, %get3A_3] : memref<1x256xf32, #tpu.memory_space<vmem>>, vector<1x256xf32>
    %mul3A = vector.broadcast %get3A_4 : vector<1x256xf32> to vector<1024x256xf32>
    %mul3A_5 = arith.mulf %get3A_1, %mul3A : vector<1024x256xf32>
    %get3A_6 = arith.constant 0 : index
    %get3A_7 = arith.constant 0 : index
    %get3A_8 = vector.load %arg3[%get3A_6, %get3A_7] : memref<1x256xf32, #tpu.memory_space<vmem>>, vector<1x256xf32>
    %add3A = vector.broadcast %get3A_8 : vector<1x256xf32> to vector<1024x256xf32>
    %add3A_9 = arith.addf %mul3A_5, %add3A : vector<1024x256xf32>
    %get3A_10 = arith.constant 0 : index
    %get3A_11 = arith.constant 0 : index
    %get3A_12 = vector.load %arg4[%get3A_10, %get3A_11] : memref<256x256xf32, #tpu.memory_space<vmem>>, vector<256x256xf32>
    %dot_general3A = arith.constant dense<0.000000e+00> : vector<1024x256xf32>
    %dot_general3A_13 = tpu.matmul %add3A_9, %get3A_12, %dot_general3A {dimension_numbers = #tpu.dot_dimension_numbers<[1], [0], [0], [1], [0, 0, 1, 1], [], []>, transpose_lhs_hint = false} : vector<1024x256xf32>, vector<256x256xf32>, vector<1024x256xf32> -> vector<1024x256xf32>
    %get3A_14 = arith.constant 0 : index
    %get3A_15 = arith.constant 0 : index
    %get3A_16 = vector.load %arg5[%get3A_14, %get3A_15] : memref<1x256xf32, #tpu.memory_space<vmem>>, vector<1x256xf32>
    %add3A_17 = vector.broadcast %get3A_16 : vector<1x256xf32> to vector<1024x256xf32>
    %add3A_18 = arith.addf %dot_general3A_13, %add3A_17 : vector<1024x256xf32>
    %mul3A_19 = arith.constant 5.000000e-01 : f32
    %mul3A_20 = vector.broadcast %mul3A_19 : f32 to vector<1024x256xf32>
    %mul3A_21 = arith.mulf %mul3A_20, %add3A_18 : vector<1024x256xf32>
    %mul3A_22 = arith.constant 0.707106769 : f32
    %mul3A_23 = vector.broadcast %mul3A_22 : f32 to vector<1024x256xf32>
    %mul3A_24 = arith.mulf %add3A_18, %mul3A_23 : vector<1024x256xf32>
    %erf3A = math.erf %mul3A_24 : vector<1024x256xf32>
    %add3A_25 = arith.constant 1.000000e+00 : f32
    %add3A_26 = vector.broadcast %add3A_25 : f32 to vector<1024x256xf32>
    %add3A_27 = arith.addf %add3A_26, %erf3A : vector<1024x256xf32>
    %mul3A_28 = arith.mulf %mul3A_21, %add3A_27 : vector<1024x256xf32>
    %get3A_29 = arith.constant 0 : index
    %get3A_30 = arith.constant 0 : index
    %get3A_31 = vector.load %arg6[%get3A_29, %get3A_30] : memref<256x64xf32, #tpu.memory_space<vmem>>, vector<256x64xf32>
    %dot_general3A_32 = arith.constant dense<0.000000e+00> : vector<1024x64xf32>
    %dot_general3A_33 = tpu.matmul %mul3A_28, %get3A_31, %dot_general3A_32 {dimension_numbers = #tpu.dot_dimension_numbers<[1], [0], [0], [1], [0, 0, 1, 1], [], []>, transpose_lhs_hint = false} : vector<1024x256xf32>, vector<256x64xf32>, vector<1024x64xf32> -> vector<1024x64xf32>
    %get3A_34 = arith.constant 0 : index
    %get3A_35 = arith.constant 0 : index
    %get3A_36 = vector.load %arg7[%get3A_34, %get3A_35] : memref<1x64xf32, #tpu.memory_space<vmem>>, vector<1x64xf32>
    %add3A_37 = vector.broadcast %get3A_36 : vector<1x64xf32> to vector<1024x64xf32>
    %add3A_38 = arith.addf %dot_general3A_33, %add3A_37 : vector<1024x64xf32>
    %swap3A = arith.constant 0 : index
    %swap3A_39 = arith.constant 0 : index
    %swap3A_40 = vector.load %arg8[%swap3A, %swap3A_39] : memref<1024x64xf32, #tpu.memory_space<vmem>>, vector<1024x64xf32>
    tpu.vector_store %arg8[%swap3A, %swap3A_39], %add3A_38 {strides = array<i32>} : memref<1024x64xf32, #tpu.memory_space<vmem>>, vector<1024x64xf32>,
    return
  }
  func.func @transform_0(%arg0: i32) -> (i32, i32) {
    %c0_i32 = arith.constant 0 : i32
    %c0_i32_0 = arith.constant 0 : i32
    return %arg0, %c0_i32 : i32, i32
  }
  func.func @transform_1(%arg0: i32) -> (i32, i32) {
    %c0_i32 = arith.constant 0 : i32
    %c0_i32_0 = arith.constant 0 : i32
    %c0_i32_1 = arith.constant 0 : i32
    return %c0_i32, %c0_i32_0 : i32, i32
  }
  func.func @transform_2(%arg0: i32) -> (i32, i32) {
    %c0_i32 = arith.constant 0 : i32
    %c0_i32_0 = arith.constant 0 : i32
    %c0_i32_1 = arith.constant 0 : i32
    return %c0_i32, %c0_i32_0 : i32, i32
  }
  func.func @transform_3(%arg0: i32) -> (i32, i32) {
    %c0_i32 = arith.constant 0 : i32
    %c0_i32_0 = arith.constant 0 : i32
    %c0_i32_1 = arith.constant 0 : i32
    return %c0_i32, %c0_i32_0 : i32, i32
  }
  func.func @transform_4(%arg0: i32) -> (i32, i32) {
    %c0_i32 = arith.constant 0 : i32
    %c0_i32_0 = arith.constant 0 : i32
    %c0_i32_1 = arith.constant 0 : i32
    return %c0_i32, %c0_i32_0 : i32, i32
  }
  func.func @transform_5(%arg0: i32) -> (i32, i32) {
    %c0_i32 = arith.constant 0 : i32
    %c0_i32_0 = arith.constant 0 : i32
    %c0_i32_1 = arith.constant 0 : i32
    return %c0_i32, %c0_i32_0 : i32, i32
  }
  func.func @transform_6(%arg0: i32) -> (i32, i32) {
    %c0_i32 = arith.constant 0 : i32
    %c0_i32_0 = arith.constant 0 : i32
    %c0_i32_1 = arith.constant 0 : i32
    return %c0_i32, %c0_i32_0 : i32, i32
  }
  func.func @transform_7(%arg0: i32) -> (i32, i32) {
    %c0_i32 = arith.constant 0 : i32
    %c0_i32_0 = arith.constant 0 : i32
    return %arg0, %c0_i32 : i32, i32
  }
}

</mosaic_0001>

<sc_bundles>
// kernel: kernel.11.cloned.1.call-start
scs
__scs_entry_jumppad:
0x0: {  	(pc) =	sbr.rel $0x88, $3  }
0x1: {  	(tag) =	ssettag $0x0;
	lr =	simm.s32 $0x1  }
0x2: {  	[smem:$0x3F6B] =	sst lr;
	_ =	strace $0xD0000000  }
0x3: {  	_ = 	snop  }
0x4: {  	_ = 	snop  }
0x5: {  	_ = 	snop  }
0x6: {  	_ = 	snop  }
0x7: {  	_ = 	snop  }
__scs_overlays_trampoline_lowered:
0x8: {  	[smem:$0x3F7A] =	sst s0  }
0x9: {  	[smem:$0x3F7B] =	sst s1  }
0xa: {  	[smem:$0x3F7C] =	sst s2  }
0xb: {  	[smem:$0x3F7D] =	sst s3  }
0xc: {  	[smem:$0x3F7E] =	sst s4  }
0xd: {  	[smem:$0x3F7F] =	sst s5  }
0xe: {  	[smem:$0x3F80] =	sst s6  }
0xf: {  	[smem:$0x3F81] =	sst s7  }
0x10: {  	[smem:$0x3F82] =	sst s8  }
0x11: {  	[smem:$0x3F83] =	sst s9;
	s0 =	simm.s32 @!p0 $0x0  }
0x12: {  	s1 =	sld [smem:$0x3F69];
	s0 =	simm.s32 @p0 $0x1  }
0x13: {  	[smem:$0x3F84] =	sst s0;
	s0 =	simm.s32 @!p1 $0x0  }
0x14: {  	s2 =	sld [smem:$0x3F68];
	s0 =	simm.s32 @p1 $0x1  }
0x15: {  	[smem:$0x3F85] =	sst s0;
	s0 =	simm.s32 @!p2 $0x0  }
0x16: {  	s3 =	sld [smem:$0x3FDB];
	s0 =	simm.s32 @p2 $0x1  }
0x17: {  	s4 =	simm.s32 $0x1BF5;
	[smem:$0x3F87] =	sst s0  }
0x18: {  	s0 =	sld [smem:$0x3F6A];
	_ =	swait.ge [sflag:s4], $0x0  }
0x19: {  	s7 =	sld [smem:$0x3F6B]  }
0x1a: {  	s8 =	sadd.s32 $0xFFFFE003, lr  }
0x1b: {  	s9 =	sadd.s32 $0xFFFFFEF7, lr;
	s5 =	simm.s32 $0xFFFFFFFF;
	p2 =	slt.u32 s8, $0xFFFFF086  }
0x1c: {  	p1 =	slt.u32 s9, $0xF7A;
	s5 =	simm.s32 @!p2 $0x0  }
0x1d: {  	s5 =	simm.s32 @p1 $0x1;
	p0 =	seq.s32 s7, s2  }
0x1e: {  	s7 =	smul.u32 @!p0 $0xF7A, s2;
	p2 =	seq.s32 @!p0 s5, $0x0  }
0x1f: {  	s9 =	smul.u32 $0xF7A, s1;
	s8 =	simm.s32 @!p0 $0x1BF5;
	p2 =	por !p2, p0  }
0x20: {  	[sflag:s8] =	ssyncset.s32 @!p0 $0xFFFFF086;
	s6 =	sadd.s32 @!p0 s3, s7;
	s7 =	simm.s32 @!p0 $0x108  }
0x21: {  	s3 =	sadd.s32 s3, s9;
	s6 =	sadd.s32 @!p0 $0x88, s6;
	s7 =	simm.s32 @p2 $0x1082  }
0x22: {  	[simem:s7], [sflag:s8] =	dma.local @!p0 [hbm:s6], $0xF7A  }
0x23: {  	s9 =	sor.u32 $0xD0000000, s2;
	s6 =	simm.s32 $0x108;
	_ =	swait.ge @!p0 [sflag:s8], $0x0  }
0x24: {  	s3 =	sadd.s32 $0x88, s3;
	s6 =	simm.s32 @!p1 $0x1082;
	[sflag:s4] =	ssyncset.s32 $0xFFFFF086  }
0x25: {  	[simem:s6], [sflag:s4] =	dma.local [hbm:s3], $0xF7A  }
0x26: {  	[smem:$0x3F6B] =	sst s1;
	(tag) =	ssettag s2;
	_ =	strace s9  }
0x27: {  	s1 =	sld [smem:$0x3F7B]  }
0x28: {  	s2 =	sld [smem:$0x3F7C]  }
0x29: {  	s4 =	sld [smem:$0x3F7E]  }
0x2a: {  	p0 =	seq.s32 s5, $0x0;
	s5 =	sld [smem:$0x3F7F]  }
0x2b: {  	s6 =	sld [smem:$0x3F80]  }
0x2c: {  	s7 =	sld [smem:$0x3F81]  }
0x2d: {  	s3 =	simm.s32 $0x108;
	s8 =	sld [smem:$0x3F82]  }
0x2e: {  	s3 =	simm.s32 @!p0 $0x1082;
	s9 =	sld [smem:$0x3F83]  }
0x2f: {  	lr =	sadd.s32 s0, s3;
	s0 =	sld [smem:$0x3F7A]  }
0x30: {  	s3 =	sld [smem:$0x3F7D]  }
0x31: {  	[smem:$0x3F86] =	sst s10  }
0x32: {  	s10 =	sld [smem:$0x3F84];
	_ =	sdelay $0x3  }
0x33: {  	p0 =	seq.s32 s10, $0x1;
	s10 =	sld [smem:$0x3F86];
	_ =	sdelay $0x3  }
0x34: {  	[smem:$0x3F86] =	sst s10  }
0x35: {  	s10 =	sld [smem:$0x3F85];
	_ =	sdelay $0x3  }
0x36: {  	p1 =	seq.s32 s10, $0x1;
	s10 =	sld [smem:$0x3F86];
	_ =	sdelay $0x3  }
0x37: {  	[smem:$0x3F86] =	sst s10  }
0x38: {  	s10 =	sld [smem:$0x3F87]  }
0x39: {  	_ = 	snop;
	(pc) =	sbr.ind lr, $3  }
0x3a: {  	_ = 	snop  }
0x3b: {  	_ = 	snop  }
0x3c: {  	p2 =	seq.s32 s10, $0x1;
	s10 =	sld [smem:$0x3F86]  }
0x3d: {  	_ =	shalt  }
0x3e: {  	_ =	shalt  }
0x3f: {  	_ =	shalt  }
0x40: {  	_ =	shalt  }
0x41: {  	_ =	shalt  }
0x42: {  	_ =	shalt  }
0x43: {  	_ =	shalt  }
0x44: {  	_ =	shalt  }
0x45: {  	_ =	shalt  }
0x46: {  	_ =	shalt  }
0x47: {  	_ =	shalt  }
0x48: {  	_ =	shalt  }
0x49: {  	_ =	shalt  }
0x4a: {  	_ =	shalt  }
0x4b: {  	_ =	shalt  }
0x4c: {  	_ =	shalt  }
0x4d: {  	_ =	shalt  }
0x4e: {  	_ =	shalt  }
0x4f: {  	_ =	shalt  }
0x50: {  	_ =	shalt  }
0x51: {  	_ =	shalt  }
0x52: {  	_ =	shalt  }
0x53: {  	_ =	shalt  }
0x54: {  	_ =	shalt  }
0x55: {  	_ =	shalt  }
0x56: {  	_ =	shalt  }
0x57: {  	_ =	shalt  }
0x58: {  	_ =	shalt  }
0x59: {  	_ =	shalt  }
0x5a: {  	_ =	shalt  }
0x5b: {  	_ =	shalt  }
0x5c: {  	_ =	shalt  }
0x5d: {  	_ =	shalt  }
0x5e: {  	_ =	shalt  }
0x5f: {  	_ =	shalt  }
0x60: {  	_ =	shalt  }
0x61: {  	_ =	shalt  }
0x62: {  	_ =	shalt  }
0x63: {  	_ =	shalt  }
0x64: {  	_ =	shalt  }
0x65: {  	_ =	shalt  }
0x66: {  	_ =	shalt  }
0x67: {  	_ =	shalt  }
0x68: {  	_ =	shalt  }
0x69: {  	_ =	shalt  }
0x6a: {  	_ =	shalt  }
0x6b: {  	_ =	shalt  }
0x6c: {  	_ =	shalt  }
0x6d: {  	_ =	shalt  }
0x6e: {  	_ =	shalt  }
0x6f: {  	_ =	shalt  }
0x70: {  	_ =	shalt  }
0x71: {  	_ =	shalt  }
0x72: {  	_ =	shalt  }
0x73: {  	_ =	shalt  }
0x74: {  	_ =	shalt  }
0x75: {  	_ =	shalt  }
0x76: {  	_ =	shalt  }
0x77: {  	_ =	shalt  }
0x78: {  	_ =	shalt  }
0x79: {  	_ =	shalt  }
0x7a: {  	_ =	shalt  }
0x7b: {  	_ =	shalt  }
0x7c: {  	_ =	shalt  }
0x7d: {  	_ =	shalt  }
0x7e: {  	_ =	shalt  }
0x7f: {  	_ =	shalt  }
0x80: {  	_ =	shalt  }
0x81: {  	_ =	shalt  }
0x82: {  	_ =	shalt  }
0x83: {  	_ =	shalt  }
0x84: {  	_ =	shalt  }
0x85: {  	_ =	shalt  }
0x86: {  	_ =	shalt  }
0x87: {  	_ =	shalt  }
.Lfunc_end0:
.L_simem_size_0:
called_computation_lowered:
.L_overlay_start_0:
0x88: {  	s2 =	sld [smem:$0x3FD9]  }
0x89: {  	s3 =	sld [smem:$0x3FFE];
	_ =	sdelay $0x1  }
0x8a: {  	s1 =	srdreg.scid  }
0x8b: {  	s0 =	sand.u32 $0x1, s1  }
0x8c: {  	s16 =	sshll.u32 s0, $0xA;
	s2 =	sadd.s32 s3, s2  }
0x8d: {  	s2 =	sadd.s32 s2, s16  }
0x8e: {  	[smem:$0x3F92] =	sst s2  }
0x8f: {  	_ = 	snop  }
0x90: {  	(tm) =	ssettm $0x1  }
0x91: {  	s17 =	sld [smem:$0x3FFB];
	_ =	sdelay $0x3  }
0x92: {  	_ =	strace s17  }
0x93: {  	s2 =	sld [smem:$0x3FFC];
	_ =	sdelay $0x3  }
0x94: {  	_ =	strace s2  }
0x95: {  	s2 =	sld [smem:$0x3FFD];
	_ =	sdelay $0x3  }
0x96: {  	_ =	strace s2  }
0x97: {  	_ =	strace $0x8FFFFFFF  }
0x98: {  	s18 =	sld [smem:$0x3FDB];
	_ =	sdelay $0x1  }
0x99: {  	s19 =	simm.s32 $_scs_section_size  }
0x9a: {  	s4 =	simm.s32 $_size__tile_overlayer_lowered;
	s5 =	simm.s32 $_tile_overlayer_lowered  }
0x9b: {  	s22 =	simm.s32 $0x1BFF;
	s21 =	sshll.u32 s5, $0x1;
	s2 =	sadd.s32 s19, s18  }
0x9c: {  	s6 =	simm.s32 $0x0;
	s20 =	sshll.u32 s4, $0x1;
	s4 =	sadd.s32 s21, s2  }
0x9d: {  	[timem:s6], [sflag:s22] =	dma.local [hbm:s4], s20  }
0x9e: {  	_ =	swait.ge [sflag:s22], s20  }
0x9f: {  	s3 =	ssub.s32 $0x0, s20;
	[sflag:s22] =	ssyncset.done $0x0  }
0xa0: {  	[sflag:s22] =	ssyncadd.s32 s3;
	_ =	sdelay $0x1  }
0xa1: {  	s23 =	simm.s32 $0x1B8B  }
0xa2: {  	_ =	swait.ge [sflag:s23], $0x1  }
0xa3: {  	[sflag:s23] =	ssyncset.done $0x0  }
0xa4: {  	s25 =	simm.s32 $0x1B8E;
	s24 =	sld [smem:$0x3FFE];
	[sflag:s23] =	ssyncadd.s32 $0xFFFFFFFF  }
0xa5: {  	s26 =	simm.s32 $execute0_lowered;
	[smem:$0x3FD2] =	sst s25  }
0xa6: {  	s4 =	sshll.u32 s26, $0x1;
	_ =	strace $0x80000046;
	[dreg:$0x1] =	wrdreg $0xFFFFFFFF  }
0xa7: {  	s28 =	simm.s32 $_size_execute0_lowered;
	s2 =	sadd.s32 s2, s4;
	[dreg:$0x0] =	wrdreg $0x0  }
0xa8: {  	s4 =	sshll.u32 s28, $0x1;
	[dreg:$0x2] =	wrdreg s2  }
0xa9: {  	[dreg:$0x3] =	wrdreg s4  }
0xaa: {  	[dreg:$0x4] =	wrdreg $0xC0  }
0xab: {  	_ =	task [dreg:s6], $0x5FFFF  }
0xac: {  	[dreg:$0x1] =	wrdreg $0xFFFFFFFF  }
0xad: {  	[dreg:$0x0] =	wrdreg $0x60  }
0xae: {  	[dreg:$0x2] =	wrdreg s24  }
0xaf: {  	[dreg:$0x3] =	wrdreg $0x82000  }
0xb0: {  	[dreg:$0x4] =	wrdreg $0x9  }
0xb1: {  	_ =	task.clear_ibuf [dreg:s6], $0x5FFFF;
	_ =	strace $0x90000046  }
0xb2: {  	s29 =	simm.s32 $0x9;
	_ =	strace $0x80000048  }
0xb3: {  	_ =	swait.ge [sflag:s29], $0x1  }
0xb4: {  	[sflag:s29] =	ssyncadd.s32 $0xFFFFFFFF  }
0xb5: {  	_ =	strace $0x90000048  }
0xb6: {  	_ =	sfence  }
0xb7: {  	s30 =	sld [smem:$0x0];
	_ =	sdelay $0x2  }
0xb8: {  	s31 =	sshll.u32 s1, $0xD;
	s1 =	sshrl.u32 s1, $0x2  }
0xb9: {  	s3 =	sand.u32 $0x4000, s31;
	s1 =	sadd.s32 s1, s30  }
0xba: {  	s0 =	sor.u32 s3, s0;
	s1 =	sshll.u32 s1, $0x11  }
0xbb: {  	s0 =	sor.u32 s1, s0  }
0xbc: {  	s0 =	sadd.s32 $0x8F2B, s0  }
0xbd: {  	[sflag:s0] =	ssyncadd.remote.s32 $0x1  }
0xbe: {  	_ =	sfence.sel $0xFFFF  }
0xbf: {  	[dreg:$0x0] =	wrdreg $0xFFFFFFFF;
	(pc) =	sbr.abs _section_cstart, $3  }
0xc0: {  	[dreg:$0x1] =	wrdreg $0xFFFFFFFF  }
0xc1: {  	_ =	task.clear_ibuf [dreg:s6], $0x2FFFF;
	_ =	strace $0x9FFFFFFF  }
0xc2: {  	(tm) =	ssettm $0x7FFFFFFF  }
0xc3: {  	_ =	shalt  }
tec
execute0_lowered:
.L_overlay_start_1:
0x0: {  	(tag) =	ssettag $0x1  }
0x1: {  	s0 =	rddreg [dreg:$0x0]  }
0x2: {  	s1 =	rddreg [dreg:$0x1];
	s3 =	simm.s32 $0x0;
	s20 =	stileid.u32  }
0x3: {  	s2 =	srdreg.scid;
	s28 =	simm.s32 $0x2;
	s29 =	simm.s32 $0x0  }
0x4: {  	[smem:$0x7FF] =	sst s3;
	s4 =	sadd.s32 $0x19000, s0;
	s5 =	smul.u32 $0x2700, s20  }
0x5: {  	s2 =	sand.u32 $0x1, s2;
	s19 =	sadd.s32 $0xF000, s0;
	s9 =	smul.u32 $0x4E000, s20  }
0x6: {  	s17 =	sadd.s32 $0xA000, s0;
	s13 =	sadd.s32 $0xDC600, s0;
	s12 =	smul.u32 $0x2800, s20  }
0x7: {  	s26 =	sshll.u32 s20, $0x6;
	s31 =	sadd.s32 $0x138000, s1;
	s15 =	smul.u32 $0x28000, s2  }
0x8: {  	p0 =	sne.s32 s20, $0xF;
	_ =	strace $0x80000047;
	s16 =	smul.u32 $0x27100, s2  }
0x9: {  	s6 =	ssub.s32 $0x2, s2;
	[dreg:$0x5] =	wrdreg s31;
	s2 =	smul.u32 $0x138800, s2  }
0xa: {  	s7 =	sadd.s32 s5, s0;
	s8 =	sshrl.u32 s6, $0x1;
	s25 =	sshrl.u32 s9, $0x2  }
0xb: {  	s11 =	sshrl.u32 s12, $0x3;
	s9 =	sadd.s32 $0xDC400, s0;
	s14 =	ssub.s32 s6, s8  }
0xc: {  	s6 =	sadd.s32 s25, s1;
	s30 =	sadd.s32 $0xB5400, s7;
	s7 =	sor.u32 $0x1C03, s26  }
0xd: {  	s18 =	sadd.s32 s12, s15;
	s11 =	sadd.s32 s17, s11;
	s8 =	sadd.s32 s5, s16  }
0xe: {  	s2 =	sshrl.u32 s2, $0x3;
	s16 =	sadd.s32 $0x2780, s12;
	[dreg:$0x3] =	wrdreg s6  }
0xf: {  	s25 =	smul.u32 $0x500, s20;
	s20 =	simm.s32 $0x3;
	[dreg:$0x4] =	wrdreg s30  }
0x10: {  	s10 =	sshrl.u32 s18, $0x3;
	s12 =	sadd.s32 s13, s8;
	s21 =	sadd.s32 s13, s2  }
0x11: {  	s22 =	sadd.s32 s15, s16;
	s14 =	smax.u32 s14, $0x1;
	s24 =	sshrl.u32 s16, $0x3  }
0x12: {  	s26 =	sor.u32 $0x80, s18;
	s30 =	sor.u32 $0x100, s18;
	s10 =	sadd.s32 s19, s10  }
0x13: {  	s13 =	sadd.s32 $0x27000, s21;
	s23 =	sshrl.u32 s22, $0x3;
	s16 =	sadd.s32 s17, s24  }
0x14: {  	s17 =	sadd.s32 s25, s17;
	s0 =	sshrl.u32 s26, $0x3;
	s31 =	sshrl.u32 s30, $0x3  }
0x15: {  	s21 =	simm.s32 $0x100;
	s22 =	simm.s32 $0x80;
	s24 =	simm.s32 $0x180  }
0x16: {  	s25 =	simm.s32 $0x4200;
	s26 =	simm.s32 $0x1;
	s15 =	sadd.s32 s19, s23  }
0x17: {  	s18 =	sadd.s32 s0, s19;
	s19 =	sadd.s32 s31, s19;
	s23 =	simm.s32 $0x200  }
.LBB2_1:
0x18: {  	s0 =	rddreg [dreg:$0x3]  }
0x19: {  	s2 =	rddreg [dreg:$0x4];
	s30 =	sshrl.u32 s0, $0x3  }
0x1a: {  	[spmem:s30], [sflag:s7] =	dma.local [hbm:s2], $0x2700  }
0x1b: {  	_ =	swait.ge [sflag:s20], $0x2700  }
0x1c: {  	[sflag:s20] =	ssyncset.done $0x0;
	s0 =	rddreg [dreg:$0x5]  }
0x1d: {  	[sflag:s20] =	ssyncadd.s32 $0xFFFFD900;
	s31 =	sshrl.u32 @!p0 s0, $0x3;
	s0 =	simm.s32 @!p0 $0x3  }
0x1e: {  	[spmem:s31], [sflag:s7] =	dma.local @!p0 [hbm:s9], $0x100  }
0x1f: {  	_ =	swait.ge @!p0 [sflag:s0], $0x100  }
0x20: {  	[sflag:s0] =	ssyncset.done @!p0 $0x0  }
0x21: {  	[sflag:s0] =	ssyncadd.s32 @!p0 $0xFFFFFF00  }
0x22: {  	[bflag:$0x0] =	sbarrier.arrive $0xFFFF  }
0x23: {  	[tilespmem:s3], [sflag:$0x3] =	stream.linear.gather [hbm4b:s10+s3], $0x80, $0x38;
	[tilespmem:$0x1BC80] =	vst v63  }
0x24: {  	_ =	swait.ge [sflag:s20], $0x80  }
0x25: {  	[sflag:s20] =	ssyncset.done $0x0  }
0x26: {  	[sflag:s20] =	ssyncadd.s32 $0xFFFFFF80  }
0x27: {  	[tilespmem:s21], [sflag:$0x3] =	stream.linear.gather [hbm4b:s11+s3], $0x80, $0x38;
	[tilespmem:$0x1BC80] =	vst v63  }
0x28: {  	_ =	swait.ge [sflag:s20], $0x80  }
0x29: {  	[sflag:s20] =	ssyncset.done $0x0  }
0x2a: {  	[sflag:s20] =	ssyncadd.s32 $0xFFFFFF80  }
0x2b: {  	[tilespmem:s23], [sflag:$0x1] =	stream.indirect.gather [hbm4b:s4+s22], $0x80, s3, s22, $0xb8;
	[tilespmem:$0x1BC80] =	vst v63  }
0x2c: {  	s5 =	sadd.s32 $0x0, s18  }
0x2d: {  	[tilespmem:s22], [sflag:$0x3] =	stream.linear.gather [hbm4b:s5+s3], $0x80, $0x38;
	[tilespmem:$0x1BC80] =	vst v63  }
0x2e: {  	_ =	swait.ge [sflag:s20], $0x80  }
0x2f: {  	s6 =	sadd.s32 $0x0, s17;
	[sflag:s20] =	ssyncset.done $0x0  }
0x30: {  	s2 =	sadd.s32 $0x10, s6;
	[sflag:s20] =	ssyncadd.s32 $0xFFFFFF80  }
0x31: {  	[tilespmem:s24], [sflag:$0x3] =	stream.linear.gather [hbm4b:s2+s3], $0x80, $0x38;
	[tilespmem:$0x1BC80] =	vst v63  }
0x32: {  	_ =	swait.ge [sflag:s20], $0x80  }
0x33: {  	[sflag:s20] =	ssyncset.done $0x0  }
0x34: {  	[sflag:s20] =	ssyncadd.s32 $0xFFFFFF80  }
0x35: {  	[tilespmem:s25], [sflag:$0x2] =	stream.indirect.gather [hbm4b:s4+s22], $0x80, s22, s22, $0xb8;
	[tilespmem:$0x1BC80] =	vst v63  }
0x36: {  	_ =	swait.ge [sflag:s26], $0x4000  }
0x37: {  	[sflag:s26] =	ssyncset.done $0x0  }
0x38: {  	[sflag:s26] =	ssyncadd.s32 $0xFFFFC000  }
0x39: {  	[spmem:s1] =	stream.indirect.scatter.add.f32 [tilespmem:s23], [sflag:$0x3], $0x80, s21, s22, $0xb8;
	[tilespmem:$0x1BC80] =	vst v63  }
0x3a: {  	_ =	swait.ge [sflag:s20], $0x4000  }
0x3b: {  	[sflag:s20] =	ssyncset.done $0x0  }
0x3c: {  	s8 =	sadd.s32 $0x0, s19;
	[sflag:s20] =	ssyncadd.s32 $0xFFFFC000  }
0x3d: {  	[tilespmem:s3], [sflag:$0x3] =	stream.linear.gather [hbm4b:s8+s3], $0x80, $0x38;
	[tilespmem:$0x1BC80] =	vst v63  }
0x3e: {  	_ =	swait.ge [sflag:s20], $0x80  }
0x3f: {  	[sflag:s20] =	ssyncset.done $0x0  }
0x40: {  	s0 =	sadd.s32 $0x20, s6;
	[sflag:s20] =	ssyncadd.s32 $0xFFFFFF80  }
0x41: {  	[tilespmem:s21], [sflag:$0x3] =	stream.linear.gather [hbm4b:s0+s3], $0x80, $0x38;
	[tilespmem:$0x1BC80] =	vst v63  }
0x42: {  	_ =	swait.ge [sflag:s20], $0x80  }
0x43: {  	[sflag:s20] =	ssyncset.done $0x0  }
0x44: {  	[sflag:s20] =	ssyncadd.s32 $0xFFFFFF80  }
0x45: {  	[tilespmem:s23], [sflag:$0x1] =	stream.indirect.gather [hbm4b:s4+s22], $0x80, s3, s22, $0xb8;
	[tilespmem:$0x1BC80] =	vst v63  }
0x46: {  	_ =	swait.ge [sflag:s28], $0x4000  }
0x47: {  	[sflag:s28] =	ssyncset.done $0x0  }
0x48: {  	[sflag:s28] =	ssyncadd.s32 $0xFFFFC000  }
0x49: {  	[spmem:s1] =	stream.indirect.scatter.add.f32 [tilespmem:s25], [sflag:$0x3], $0x80, s24, s22, $0xb8;
	[tilespmem:$0x1BC80] =	vst v63  }
0x4a: {  	_ =	swait.ge [sflag:s20], $0x4000  }
0x4b: {  	s2 =	simm.s32 $0x40;
	s0 =	simm.s32 $0x20;
	[sflag:s20] =	ssyncset.done $0x0  }
.LBB2_2:
0x4c: {  	s6 =	sadd.s32 s0, s18  }
0x4d: {  	[sflag:s20] =	ssyncadd.s32 $0xFFFFC000;
	s8 =	smov.u32 s2;
	s5 =	sadd.s32 $0x20, s2  }
0x4e: {  	[tilespmem:s22], [sflag:$0x3] =	stream.linear.gather [hbm4b:s6+s3], $0x80, $0x38;
	[tilespmem:$0x1BC80] =	vst v63  }
0x4f: {  	p1 =	sne.s32 s2, $0x4C0;
	_ =	swait.ge [sflag:s20], $0x80  }
0x50: {  	s2 =	sadd.s32 s0, s17;
	[sflag:s20] =	ssyncset.done $0x0  }
0x51: {  	s6 =	sadd.s32 $0x10, s2;
	[sflag:s20] =	ssyncadd.s32 $0xFFFFFF80  }
0x52: {  	[tilespmem:s24], [sflag:$0x3] =	stream.linear.gather [hbm4b:s6+s3], $0x80, $0x38;
	[tilespmem:$0x1BC80] =	vst v63  }
0x53: {  	_ =	swait.ge [sflag:s20], $0x80  }
0x54: {  	[sflag:s20] =	ssyncset.done $0x0  }
0x55: {  	[sflag:s20] =	ssyncadd.s32 $0xFFFFFF80  }
0x56: {  	[tilespmem:s25], [sflag:$0x2] =	stream.indirect.gather [hbm4b:s4+s22], $0x80, s22, s22, $0xb8;
	[tilespmem:$0x1BC80] =	vst v63  }
0x57: {  	_ =	swait.ge [sflag:s26], $0x4000  }
0x58: {  	[sflag:s26] =	ssyncset.done $0x0  }
0x59: {  	[sflag:s26] =	ssyncadd.s32 $0xFFFFC000  }
0x5a: {  	[spmem:s1] =	stream.indirect.scatter.add.f32 [tilespmem:s23], [sflag:$0x3], $0x80, s21, s22, $0xb8;
	[tilespmem:$0x1BC80] =	vst v63  }
0x5b: {  	_ =	swait.ge [sflag:s20], $0x4000  }
0x5c: {  	[sflag:s20] =	ssyncset.done $0x0  }
0x5d: {  	s6 =	sadd.s32 s0, s19;
	s0 =	smov.u32 s8;
	[sflag:s20] =	ssyncadd.s32 $0xFFFFC000  }
0x5e: {  	[tilespmem:s3], [sflag:$0x3] =	stream.linear.gather [hbm4b:s6+s3], $0x80, $0x38;
	[tilespmem:$0x1BC80] =	vst v63  }
0x5f: {  	_ =	swait.ge [sflag:s20], $0x80  }
0x60: {  	[sflag:s20] =	ssyncset.done $0x0  }
0x61: {  	s2 =	sadd.s32 $0x20, s2;
	[sflag:s20] =	ssyncadd.s32 $0xFFFFFF80  }
0x62: {  	[tilespmem:s21], [sflag:$0x3] =	stream.linear.gather [hbm4b:s2+s3], $0x80, $0x38;
	[tilespmem:$0x1BC80] =	vst v63  }
0x63: {  	_ =	swait.ge [sflag:s20], $0x80  }
0x64: {  	[sflag:s20] =	ssyncset.done $0x0  }
0x65: {  	[sflag:s20] =	ssyncadd.s32 $0xFFFFFF80  }
0x66: {  	[tilespmem:s23], [sflag:$0x1] =	stream.indirect.gather [hbm4b:s4+s22], $0x80, s3, s22, $0xb8;
	[tilespmem:$0x1BC80] =	vst v63  }
0x67: {  	_ =	swait.ge [sflag:s28], $0x4000  }
.Ltmp0:
0x68: {  	[sflag:s28] =	ssyncset.done $0x0;
	(pc) =	sbr.rel @p1 .LBB2_2-.Ltmp0, $4  }
0x69: {  	[sflag:s28] =	ssyncadd.s32 $0xFFFFC000  }
0x6a: {  	[spmem:s1] =	stream.indirect.scatter.add.f32 [tilespmem:s25], [sflag:$0x3], $0x80, s24, s22, $0xb8;
	[tilespmem:$0x1BC80] =	vst v63  }
0x6b: {  	_ =	swait.ge [sflag:s20], $0x4000  }
0x6c: {  	s2 =	smov.u32 s5;
	[sflag:s20] =	ssyncset.done $0x0  }
0x6d: {  	s2 =	sadd.s32 s0, s18;
	[sflag:s20] =	ssyncadd.s32 $0xFFFFC000  }
0x6e: {  	[tilespmem:s22], [sflag:$0x3] =	stream.linear.gather [hbm4b:s2+s3], $0x80, $0x38;
	[tilespmem:$0x1BC80] =	vst v63  }
0x6f: {  	_ =	swait.ge [sflag:s20], $0x80  }
0x70: {  	s8 =	sadd.s32 s0, s17;
	[sflag:s20] =	ssyncset.done $0x0  }
0x71: {  	s5 =	sadd.s32 $0x10, s8;
	[sflag:s20] =	ssyncadd.s32 $0xFFFFFF80  }
0x72: {  	[tilespmem:s24], [sflag:$0x3] =	stream.linear.gather [hbm4b:s5+s3], $0x80, $0x38;
	[tilespmem:$0x1BC80] =	vst v63  }
0x73: {  	_ =	swait.ge [sflag:s20], $0x80  }
0x74: {  	[sflag:s20] =	ssyncset.done $0x0  }
0x75: {  	[sflag:s20] =	ssyncadd.s32 $0xFFFFFF80  }
0x76: {  	[tilespmem:s25], [sflag:$0x2] =	stream.indirect.gather [hbm4b:s4+s22], $0x80, s22, s22, $0xb8;
	[tilespmem:$0x1BC80] =	vst v63  }
0x77: {  	_ =	swait.ge [sflag:s26], $0x4000  }
0x78: {  	[sflag:s26] =	ssyncset.done $0x0  }
0x79: {  	[sflag:s26] =	ssyncadd.s32 $0xFFFFC000  }
0x7a: {  	[spmem:s1] =	stream.indirect.scatter.add.f32 [tilespmem:s23], [sflag:$0x3], $0x80, s21, s22, $0xb8;
	[tilespmem:$0x1BC80] =	vst v63  }
0x7b: {  	_ =	swait.ge [sflag:s20], $0x4000  }
0x7c: {  	[sflag:s20] =	ssyncset.done $0x0  }
0x7d: {  	s6 =	sadd.s32 s0, s19;
	[sflag:s20] =	ssyncadd.s32 $0xFFFFC000  }
0x7e: {  	[tilespmem:s3], [sflag:$0x3] =	stream.linear.gather [hbm4b:s6+s3], $0x80, $0x38;
	[tilespmem:$0x1BC80] =	vst v63  }
0x7f: {  	_ =	swait.ge [sflag:s20], $0x80  }
0x80: {  	[sflag:s20] =	ssyncset.done $0x0  }
0x81: {  	s8 =	sadd.s32 $0x20, s8;
	[sflag:s20] =	ssyncadd.s32 $0xFFFFFF80  }
0x82: {  	[tilespmem:s21], [sflag:$0x3] =	stream.linear.gather [hbm4b:s8+s3], $0x80, $0x38;
	[tilespmem:$0x1BC80] =	vst v63  }
0x83: {  	_ =	swait.ge [sflag:s20], $0x80  }
0x84: {  	[sflag:s20] =	ssyncset.done $0x0  }
0x85: {  	[sflag:s20] =	ssyncadd.s32 $0xFFFFFF80  }
0x86: {  	[tilespmem:s23], [sflag:$0x1] =	stream.indirect.gather [hbm4b:s4+s22], $0x80, s3, s22, $0xb8;
	[tilespmem:$0x1BC80] =	vst v63  }
0x87: {  	_ =	swait.ge [sflag:s28], $0x4000  }
0x88: {  	[sflag:s28] =	ssyncset.done $0x0  }
0x89: {  	[sflag:s28] =	ssyncadd.s32 $0xFFFFC000  }
0x8a: {  	[spmem:s1] =	stream.indirect.scatter.add.f32 [tilespmem:s25], [sflag:$0x3], $0x80, s24, s22, $0xb8;
	[tilespmem:$0x1BC80] =	vst v63  }
0x8b: {  	_ =	swait.ge [sflag:s20], $0x4000  }
0x8c: {  	[sflag:s20] =	ssyncset.done $0x0  }
0x8d: {  	[sflag:s20] =	ssyncadd.s32 $0xFFFFC000  }
0x8e: {  	[tilespmem:s22], [sflag:$0x3] =	stream.linear.gather [hbm4b:s15+s3], $0x80, $0x38;
	[tilespmem:$0x1BC80] =	vst v63  }
0x8f: {  	_ =	swait.ge [sflag:s20], $0x80  }
0x90: {  	[sflag:s20] =	ssyncset.done $0x0  }
0x91: {  	[sflag:s20] =	ssyncadd.s32 $0xFFFFFF80  }
0x92: {  	[tilespmem:s24], [sflag:$0x3] =	stream.linear.gather [hbm4b:s16+s3], $0x80, $0x38;
	[tilespmem:$0x1BC80] =	vst v63  }
0x93: {  	_ =	swait.ge [sflag:s20], $0x80  }
0x94: {  	[sflag:s20] =	ssyncset.done $0x0  }
0x95: {  	[sflag:s20] =	ssyncadd.s32 $0xFFFFFF80  }
0x96: {  	[tilespmem:s25], [sflag:$0x2] =	stream.indirect.gather [hbm4b:s4+s22], $0x80, s22, s22, $0xb8;
	[tilespmem:$0x1BC80] =	vst v63  }
0x97: {  	_ =	swait.ge [sflag:s26], $0x4000  }
0x98: {  	[sflag:s26] =	ssyncset.done $0x0  }
0x99: {  	[sflag:s26] =	ssyncadd.s32 $0xFFFFC000  }
0x9a: {  	[spmem:s1] =	stream.indirect.scatter.add.f32 [tilespmem:s23], [sflag:$0x3], $0x80, s21, s22, $0xb8;
	[tilespmem:$0x1BC80] =	vst v63  }
0x9b: {  	_ =	swait.ge [sflag:s20], $0x4000  }
0x9c: {  	[sflag:s20] =	ssyncset.done $0x0  }
0x9d: {  	[sflag:s20] =	ssyncadd.s32 $0xFFFFC000  }
0x9e: {  	_ =	swait.ge [sflag:s28], $0x4000  }
0x9f: {  	[sflag:s28] =	ssyncset.done $0x0  }
0xa0: {  	[sflag:s28] =	ssyncadd.s32 $0xFFFFC000  }
0xa1: {  	[spmem:s1] =	stream.indirect.scatter.add.f32 [tilespmem:s25], [sflag:$0x3], $0x80, s24, s22, $0xb8;
	[tilespmem:$0x1BC80] =	vst v63  }
0xa2: {  	_ =	swait.ge [sflag:s20], $0x4000  }
0xa3: {  	[sflag:s20] =	ssyncset.done $0x0  }
0xa4: {  	[sflag:s20] =	ssyncadd.s32 $0xFFFFC000  }
0xa5: {  	[bflag:$0x0] =	sbarrier.arrive $0xFFFF  }
0xa6: {  	[hbm:s12], [sflag:s7] =	dma.local [spmem:s30], $0x2700  }
0xa7: {  	s29 =	sadd.s32 $0x1, s29;
	_ =	swait.ge [sflag:s20], $0x2700  }
0xa8: {  	p1 =	sne.s32 s29, s14;
	[sflag:s20] =	ssyncset.done $0x0  }
.Ltmp1:
0xa9: {  	s0 =	simm.s32 @!p0 $0x3;
	[sflag:s20] =	ssyncadd.s32 $0xFFFFD900;
	(pc) =	sbr.rel @p1 .LBB2_1-.Ltmp1, $4  }
0xaa: {  	[hbm:s13], [sflag:s7] =	dma.local @!p0 [spmem:s31], $0x100  }
0xab: {  	_ =	swait.ge @!p0 [sflag:s0], $0x100  }
0xac: {  	[sflag:s0] =	ssyncset.done @!p0 $0x0  }
0xad: {  	[sflag:s0] =	ssyncadd.s32 @!p0 $0xFFFFFF00  }
0xae: {  	_ =	sfence.sel $0x180000  }
0xaf: {  	[bflag:$0x0] =	sbarrier.arrive $0xFFFF  }
0xb0: {  	_ =	strace $0x90000047  }
0xb1: {  	s0 =	stileid.u32;
	[bflag:$0x2] =	sbarrier.arrive $0xFFFF  }
0xb2: {  	p0 =	sne.s32 s0, $0x0;
	s0 =	rddreg [dreg:$0x2]  }
0xb3: {  	s0 =	sadd.s32 @!p0 $0x100000, s0  }
0xb4: {  	[sflag:s0] =	ssyncadd.tile.s32 @!p0 $0x1;
	_ =	shalt  }
.Lfunc_end2:
_tile_overlayer_lowered:
.L_overlay_start_2:
0xb5: {  	(tag) =	ssettag $0x2  }
0xb6: {  	s0 =	rddreg [dreg:$0x0];
	s2 =	stileid.u32  }
0xb7: {  	s1 =	rddreg [dreg:$0x1];
	p0 =	sne.s32 s2, $0x0  }
0xb8: {  	s3 =	rddreg [dreg:$0x2];
	[bflag:$0x3] =	sbarrier.arrive $0xFFFF;
	s2 =	simm.s32 @!p0 $0x1C03  }
0xb9: {  	[timem:s3], [sflag:s2] =	dma.local @!p0 [hbm:s0], s1  }
0xba: {  	s0 =	simm.s32 @!p0 $0x3  }
0xbb: {  	_ =	swait.ge @!p0 [sflag:s0], s1  }
0xbc: {  	s1 =	ssub.s32 @!p0 $0x0, s1;
	[sflag:s0] =	ssyncset.done @!p0 $0x0  }
0xbd: {  	[sflag:s0] =	ssyncadd.s32 @!p0 s1  }
0xbe: {  	[bflag:$0x3] =	sbarrier.arrive $0xFFFF  }
0xbf: {  	_ =	shalt  }

// kernel: kernel.14.cloned.1.call-start
scs
__scs_entry_jumppad:
0x0: {  	(pc) =	sbr.rel $0x88, $3  }
0x1: {  	(tag) =	ssettag $0x0;
	lr =	simm.s32 $0x1  }
0x2: {  	[smem:$0x3F6B] =	sst lr;
	_ =	strace $0xD0000000  }
0x3: {  	_ = 	snop  }
0x4: {  	_ = 	snop  }
0x5: {  	_ = 	snop  }
0x6: {  	_ = 	snop  }
0x7: {  	_ = 	snop  }
__scs_overlays_trampoline_lowered:
0x8: {  	[smem:$0x3F7A] =	sst s0  }
0x9: {  	[smem:$0x3F7B] =	sst s1  }
0xa: {  	[smem:$0x3F7C] =	sst s2  }
0xb: {  	[smem:$0x3F7D] =	sst s3  }
0xc: {  	[smem:$0x3F7E] =	sst s4  }
0xd: {  	[smem:$0x3F7F] =	sst s5  }
0xe: {  	[smem:$0x3F80] =	sst s6  }
0xf: {  	[smem:$0x3F81] =	sst s7  }
0x10: {  	[smem:$0x3F82] =	sst s8  }
0x11: {  	[smem:$0x3F83] =	sst s9;
	s0 =	simm.s32 @!p0 $0x0  }
0x12: {  	s1 =	sld [smem:$0x3F69];
	s0 =	simm.s32 @p0 $0x1  }
0x13: {  	[smem:$0x3F84] =	sst s0;
	s0 =	simm.s32 @!p1 $0x0  }
0x14: {  	s2 =	sld [smem:$0x3F68];
	s0 =	simm.s32 @p1 $0x1  }
0x15: {  	[smem:$0x3F85] =	sst s0;
	s0 =	simm.s32 @!p2 $0x0  }
0x16: {  	s3 =	sld [smem:$0x3FDB];
	s0 =	simm.s32 @p2 $0x1  }
0x17: {  	s4 =	simm.s32 $0x1BF5;
	[smem:$0x3F87] =	sst s0  }
0x18: {  	s0 =	sld [smem:$0x3F6A];
	_ =	swait.ge [sflag:s4], $0x0  }
0x19: {  	s7 =	sld [smem:$0x3F6B]  }
0x1a: {  	s8 =	sadd.s32 $0xFFFFE003, lr  }
0x1b: {  	s9 =	sadd.s32 $0xFFFFFEF7, lr;
	s5 =	simm.s32 $0xFFFFFFFF;
	p2 =	slt.u32 s8, $0xFFFFF086  }
0x1c: {  	p1 =	slt.u32 s9, $0xF7A;
	s5 =	simm.s32 @!p2 $0x0  }
0x1d: {  	s5 =	simm.s32 @p1 $0x1;
	p0 =	seq.s32 s7, s2  }
0x1e: {  	s7 =	smul.u32 @!p0 $0xF7A, s2;
	p2 =	seq.s32 @!p0 s5, $0x0  }
0x1f: {  	s9 =	smul.u32 $0xF7A, s1;
	s8 =	simm.s32 @!p0 $0x1BF5;
	p2 =	por !p2, p0  }
0x20: {  	[sflag:s8] =	ssyncset.s32 @!p0 $0xFFFFF086;
	s6 =	sadd.s32 @!p0 s3, s7;
	s7 =	simm.s32 @!p0 $0x108  }
0x21: {  	s3 =	sadd.s32 s3, s9;
	s6 =	sadd.s32 @!p0 $0x88, s6;
	s7 =	simm.s32 @p2 $0x1082  }
0x22: {  	[simem:s7], [sflag:s8] =	dma.local @!p0 [hbm:s6], $0xF7A  }
0x23: {  	s9 =	sor.u32 $0xD0000000, s2;
	s6 =	simm.s32 $0x108;
	_ =	swait.ge @!p0 [sflag:s8], $0x0  }
0x24: {  	s3 =	sadd.s32 $0x88, s3;
	s6 =	simm.s32 @!p1 $0x1082;
	[sflag:s4] =	ssyncset.s32 $0xFFFFF086  }
0x25: {  	[simem:s6], [sflag:s4] =	dma.local [hbm:s3], $0xF7A  }
0x26: {  	[smem:$0x3F6B] =	sst s1;
	(tag) =	ssettag s2;
	_ =	strace s9  }
0x27: {  	s1 =	sld [smem:$0x3F7B]  }
0x28: {  	s2 =	sld [smem:$0x3F7C]  }
0x29: {  	s4 =	sld [smem:$0x3F7E]  }
0x2a: {  	p0 =	seq.s32 s5, $0x0;
	s5 =	sld [smem:$0x3F7F]  }
0x2b: {  	s6 =	sld [smem:$0x3F80]  }
0x2c: {  	s7 =	sld [smem:$0x3F81]  }
0x2d: {  	s3 =	simm.s32 $0x108;
	s8 =	sld [smem:$0x3F82]  }
0x2e: {  	s3 =	simm.s32 @!p0 $0x1082;
	s9 =	sld [smem:$0x3F83]  }
0x2f: {  	lr =	sadd.s32 s0, s3;
	s0 =	sld [smem:$0x3F7A]  }
0x30: {  	s3 =	sld [smem:$0x3F7D]  }
0x31: {  	[smem:$0x3F86] =	sst s10  }
0x32: {  	s10 =	sld [smem:$0x3F84];
	_ =	sdelay $0x3  }
0x33: {  	p0 =	seq.s32 s10, $0x1;
	s10 =	sld [smem:$0x3F86];
	_ =	sdelay $0x3  }
0x34: {  	[smem:$0x3F86] =	sst s10  }
0x35: {  	s10 =	sld [smem:$0x3F85];
	_ =	sdelay $0x3  }
0x36: {  	p1 =	seq.s32 s10, $0x1;
	s10 =	sld [smem:$0x3F86];
	_ =	sdelay $0x3  }
0x37: {  	[smem:$0x3F86] =	sst s10  }
0x38: {  	s10 =	sld [smem:$0x3F87]  }
0x39: {  	_ = 	snop;
	(pc) =	sbr.ind lr, $3  }
0x3a: {  	_ = 	snop  }
0x3b: {  	_ = 	snop  }
0x3c: {  	p2 =	seq.s32 s10, $0x1;
	s10 =	sld [smem:$0x3F86]  }
0x3d: {  	_ =	shalt  }
0x3e: {  	_ =	shalt  }
0x3f: {  	_ =	shalt  }
0x40: {  	_ =	shalt  }
0x41: {  	_ =	shalt  }
0x42: {  	_ =	shalt  }
0x43: {  	_ =	shalt  }
0x44: {  	_ =	shalt  }
0x45: {  	_ =	shalt  }
0x46: {  	_ =	shalt  }
0x47: {  	_ =	shalt  }
0x48: {  	_ =	shalt  }
0x49: {  	_ =	shalt  }
0x4a: {  	_ =	shalt  }
0x4b: {  	_ =	shalt  }
0x4c: {  	_ =	shalt  }
0x4d: {  	_ =	shalt  }
0x4e: {  	_ =	shalt  }
0x4f: {  	_ =	shalt  }
0x50: {  	_ =	shalt  }
0x51: {  	_ =	shalt  }
0x52: {  	_ =	shalt  }
0x53: {  	_ =	shalt  }
0x54: {  	_ =	shalt  }
0x55: {  	_ =	shalt  }
0x56: {  	_ =	shalt  }
0x57: {  	_ =	shalt  }
0x58: {  	_ =	shalt  }
0x59: {  	_ =	shalt  }
0x5a: {  	_ =	shalt  }
0x5b: {  	_ =	shalt  }
0x5c: {  	_ =	shalt  }
0x5d: {  	_ =	shalt  }
0x5e: {  	_ =	shalt  }
0x5f: {  	_ =	shalt  }
0x60: {  	_ =	shalt  }
0x61: {  	_ =	shalt  }
0x62: {  	_ =	shalt  }
0x63: {  	_ =	shalt  }
0x64: {  	_ =	shalt  }
0x65: {  	_ =	shalt  }
0x66: {  	_ =	shalt  }
0x67: {  	_ =	shalt  }
0x68: {  	_ =	shalt  }
0x69: {  	_ =	shalt  }
0x6a: {  	_ =	shalt  }
0x6b: {  	_ =	shalt  }
0x6c: {  	_ =	shalt  }
0x6d: {  	_ =	shalt  }
0x6e: {  	_ =	shalt  }
0x6f: {  	_ =	shalt  }
0x70: {  	_ =	shalt  }
0x71: {  	_ =	shalt  }
0x72: {  	_ =	shalt  }
0x73: {  	_ =	shalt  }
0x74: {  	_ =	shalt  }
0x75: {  	_ =	shalt  }
0x76: {  	_ =	shalt  }
0x77: {  	_ =	shalt  }
0x78: {  	_ =	shalt  }
0x79: {  	_ =	shalt  }
0x7a: {  	_ =	shalt  }
0x7b: {  	_ =	shalt  }
0x7c: {  	_ =	shalt  }
0x7d: {  	_ =	shalt  }
0x7e: {  	_ =	shalt  }
0x7f: {  	_ =	shalt  }
0x80: {  	_ =	shalt  }
0x81: {  	_ =	shalt  }
0x82: {  	_ =	shalt  }
0x83: {  	_ =	shalt  }
0x84: {  	_ =	shalt  }
0x85: {  	_ =	shalt  }
0x86: {  	_ =	shalt  }
0x87: {  	_ =	shalt  }
.Lfunc_end0:
.L_simem_size_0:
called_computation.1_lowered:
.L_overlay_start_0:
0x88: {  	s2 =	sld [smem:$0x3FD9]  }
0x89: {  	s3 =	sld [smem:$0x3FFE];
	_ =	sdelay $0x1  }
0x8a: {  	s1 =	srdreg.scid  }
0x8b: {  	s0 =	sand.u32 $0x1, s1  }
0x8c: {  	s16 =	sshll.u32 s0, $0xA;
	s2 =	sadd.s32 s3, s2  }
0x8d: {  	s2 =	sadd.s32 s2, s16  }
0x8e: {  	[smem:$0x3F92] =	sst s2  }
0x8f: {  	_ = 	snop  }
0x90: {  	(tm) =	ssettm $0x1  }
0x91: {  	s17 =	sld [smem:$0x3FFB];
	_ =	sdelay $0x3  }
0x92: {  	_ =	strace s17  }
0x93: {  	s2 =	sld [smem:$0x3FFC];
	_ =	sdelay $0x3  }
0x94: {  	_ =	strace s2  }
0x95: {  	s2 =	sld [smem:$0x3FFD];
	_ =	sdelay $0x3  }
0x96: {  	_ =	strace s2  }
0x97: {  	_ =	strace $0x8FFFFFFF  }
0x98: {  	s18 =	sld [smem:$0x3FDB];
	_ =	sdelay $0x1  }
0x99: {  	s19 =	simm.s32 $_scs_section_size  }
0x9a: {  	s4 =	simm.s32 $_size__tile_overlayer_lowered;
	s5 =	simm.s32 $_tile_overlayer_lowered  }
0x9b: {  	s22 =	simm.s32 $0x1BFF;
	s21 =	sshll.u32 s5, $0x1;
	s2 =	sadd.s32 s19, s18  }
0x9c: {  	s6 =	simm.s32 $0x0;
	s20 =	sshll.u32 s4, $0x1;
	s4 =	sadd.s32 s21, s2  }
0x9d: {  	[timem:s6], [sflag:s22] =	dma.local [hbm:s4], s20  }
0x9e: {  	_ =	swait.ge [sflag:s22], s20  }
0x9f: {  	s3 =	ssub.s32 $0x0, s20;
	[sflag:s22] =	ssyncset.done $0x0  }
0xa0: {  	[sflag:s22] =	ssyncadd.s32 s3;
	_ =	sdelay $0x1  }
0xa1: {  	s23 =	simm.s32 $0x1B8B  }
0xa2: {  	_ =	swait.ge [sflag:s23], $0x1  }
0xa3: {  	[sflag:s23] =	ssyncset.done $0x0  }
0xa4: {  	s25 =	simm.s32 $0x1B8E;
	s24 =	sld [smem:$0x3FFE];
	[sflag:s23] =	ssyncadd.s32 $0xFFFFFFFF  }
0xa5: {  	s26 =	simm.s32 $execute0_lowered;
	[smem:$0x3FD2] =	sst s25  }
0xa6: {  	s4 =	sshll.u32 s26, $0x1;
	_ =	strace $0x80000049;
	[dreg:$0x1] =	wrdreg $0xFFFFFFFF  }
0xa7: {  	s28 =	simm.s32 $_size_execute0_lowered;
	s2 =	sadd.s32 s2, s4;
	[dreg:$0x0] =	wrdreg $0x0  }
0xa8: {  	s4 =	sshll.u32 s28, $0x1;
	[dreg:$0x2] =	wrdreg s2  }
0xa9: {  	[dreg:$0x3] =	wrdreg s4  }
0xaa: {  	[dreg:$0x4] =	wrdreg $0xC0  }
0xab: {  	_ =	task [dreg:s6], $0x5FFFF  }
0xac: {  	[dreg:$0x1] =	wrdreg $0xFFFFFFFF  }
0xad: {  	[dreg:$0x0] =	wrdreg $0x60  }
0xae: {  	[dreg:$0x2] =	wrdreg s24  }
0xaf: {  	[dreg:$0x3] =	wrdreg $0x82000  }
0xb0: {  	[dreg:$0x4] =	wrdreg $0x9  }
0xb1: {  	_ =	task.clear_ibuf [dreg:s6], $0x5FFFF;
	_ =	strace $0x90000049  }
0xb2: {  	s29 =	simm.s32 $0x9;
	_ =	strace $0x8000004B  }
0xb3: {  	_ =	swait.ge [sflag:s29], $0x1  }
0xb4: {  	[sflag:s29] =	ssyncadd.s32 $0xFFFFFFFF  }
0xb5: {  	_ =	strace $0x9000004B  }
0xb6: {  	_ =	sfence  }
0xb7: {  	s30 =	sld [smem:$0x0];
	_ =	sdelay $0x2  }
0xb8: {  	s31 =	sshll.u32 s1, $0xD;
	s1 =	sshrl.u32 s1, $0x2  }
0xb9: {  	s3 =	sand.u32 $0x4000, s31;
	s1 =	sadd.s32 s1, s30  }
0xba: {  	s0 =	sor.u32 s3, s0;
	s1 =	sshll.u32 s1, $0x11  }
0xbb: {  	s0 =	sor.u32 s1, s0  }
0xbc: {  	s0 =	sadd.s32 $0x8F2B, s0  }
0xbd: {  	[sflag:s0] =	ssyncadd.remote.s32 $0x1  }
0xbe: {  	_ =	sfence.sel $0xFFFF  }
0xbf: {  	[dreg:$0x0] =	wrdreg $0xFFFFFFFF;
	(pc) =	sbr.abs _section_cstart, $3  }
0xc0: {  	[dreg:$0x1] =	wrdreg $0xFFFFFFFF  }
0xc1: {  	_ =	task.clear_ibuf [dreg:s6], $0x2FFFF;
	_ =	strace $0x9FFFFFFF  }
0xc2: {  	(tm) =	ssettm $0x7FFFFFFF  }
0xc3: {  	_ =	shalt  }
tec
execute0_lowered:
.L_overlay_start_1:
0x0: {  	(tag) =	ssettag $0x1  }
0x1: {  	s0 =	rddreg [dreg:$0x0]  }
0x2: {  	s1 =	rddreg [dreg:$0x1];
	s3 =	simm.s32 $0x0;
	s20 =	stileid.u32  }
0x3: {  	s2 =	srdreg.scid;
	s28 =	simm.s32 $0x2;
	s29 =	simm.s32 $0x0  }
0x4: {  	[smem:$0x7FF] =	sst s3;
	s4 =	sadd.s32 $0x19000, s0;
	s5 =	smul.u32 $0x2700, s20  }
0x5: {  	s2 =	sand.u32 $0x1, s2;
	s19 =	sadd.s32 $0xF000, s0;
	s9 =	smul.u32 $0x4E000, s20  }
0x6: {  	s17 =	sadd.s32 $0xA000, s0;
	s13 =	sadd.s32 $0xDC600, s0;
	s12 =	smul.u32 $0x2800, s20  }
0x7: {  	s26 =	sshll.u32 s20, $0x6;
	s31 =	sadd.s32 $0x138000, s1;
	s15 =	smul.u32 $0x28000, s2  }
0x8: {  	p0 =	sne.s32 s20, $0xF;
	_ =	strace $0x8000004A;
	s16 =	smul.u32 $0x27100, s2  }
0x9: {  	s6 =	ssub.s32 $0x2, s2;
	[dreg:$0x5] =	wrdreg s31;
	s2 =	smul.u32 $0x138800, s2  }
0xa: {  	s7 =	sadd.s32 s5, s0;
	s8 =	sshrl.u32 s6, $0x1;
	s25 =	sshrl.u32 s9, $0x2  }
0xb: {  	s11 =	sshrl.u32 s12, $0x3;
	s9 =	sadd.s32 $0xDC400, s0;
	s14 =	ssub.s32 s6, s8  }
0xc: {  	s6 =	sadd.s32 s25, s1;
	s30 =	sadd.s32 $0xB5400, s7;
	s7 =	sor.u32 $0x1C03, s26  }
0xd: {  	s18 =	sadd.s32 s12, s15;
	s11 =	sadd.s32 s17, s11;
	s8 =	sadd.s32 s5, s16  }
0xe: {  	s2 =	sshrl.u32 s2, $0x3;
	s16 =	sadd.s32 $0x2780, s12;
	[dreg:$0x3] =	wrdreg s6  }
0xf: {  	s25 =	smul.u32 $0x500, s20;
	s20 =	simm.s32 $0x3;
	[dreg:$0x4] =	wrdreg s30  }
0x10: {  	s10 =	sshrl.u32 s18, $0x3;
	s12 =	sadd.s32 s13, s8;
	s21 =	sadd.s32 s13, s2  }
0x11: {  	s22 =	sadd.s32 s15, s16;
	s14 =	smax.u32 s14, $0x1;
	s24 =	sshrl.u32 s16, $0x3  }
0x12: {  	s26 =	sor.u32 $0x80, s18;
	s30 =	sor.u32 $0x100, s18;
	s10 =	sadd.s32 s19, s10  }
0x13: {  	s13 =	sadd.s32 $0x27000, s21;
	s23 =	sshrl.u32 s22, $0x3;
	s16 =	sadd.s32 s17, s24  }
0x14: {  	s17 =	sadd.s32 s25, s17;
	s0 =	sshrl.u32 s26, $0x3;
	s31 =	sshrl.u32 s30, $0x3  }
0x15: {  	s21 =	simm.s32 $0x100;
	s22 =	simm.s32 $0x80;
	s24 =	simm.s32 $0x180  }
0x16: {  	s25 =	simm.s32 $0x4200;
	s26 =	simm.s32 $0x1;
	s15 =	sadd.s32 s19, s23  }
0x17: {  	s18 =	sadd.s32 s0, s19;
	s19 =	sadd.s32 s31, s19;
	s23 =	simm.s32 $0x200  }
.LBB2_1:
0x18: {  	s0 =	rddreg [dreg:$0x3]  }
0x19: {  	s2 =	rddreg [dreg:$0x4];
	s30 =	sshrl.u32 s0, $0x3  }
0x1a: {  	[spmem:s30], [sflag:s7] =	dma.local [hbm:s2], $0x2700  }
0x1b: {  	_ =	swait.ge [sflag:s20], $0x2700  }
0x1c: {  	[sflag:s20] =	ssyncset.done $0x0;
	s0 =	rddreg [dreg:$0x5]  }
0x1d: {  	[sflag:s20] =	ssyncadd.s32 $0xFFFFD900;
	s31 =	sshrl.u32 @!p0 s0, $0x3;
	s0 =	simm.s32 @!p0 $0x3  }
0x1e: {  	[spmem:s31], [sflag:s7] =	dma.local @!p0 [hbm:s9], $0x100  }
0x1f: {  	_ =	swait.ge @!p0 [sflag:s0], $0x100  }
0x20: {  	[sflag:s0] =	ssyncset.done @!p0 $0x0  }
0x21: {  	[sflag:s0] =	ssyncadd.s32 @!p0 $0xFFFFFF00  }
0x22: {  	[bflag:$0x0] =	sbarrier.arrive $0xFFFF  }
0x23: {  	[tilespmem:s3], [sflag:$0x3] =	stream.linear.gather [hbm4b:s10+s3], $0x80, $0x38;
	[tilespmem:$0x1BC80] =	vst v63  }
0x24: {  	_ =	swait.ge [sflag:s20], $0x80  }
0x25: {  	[sflag:s20] =	ssyncset.done $0x0  }
0x26: {  	[sflag:s20] =	ssyncadd.s32 $0xFFFFFF80  }
0x27: {  	[tilespmem:s21], [sflag:$0x3] =	stream.linear.gather [hbm4b:s11+s3], $0x80, $0x38;
	[tilespmem:$0x1BC80] =	vst v63  }
0x28: {  	_ =	swait.ge [sflag:s20], $0x80  }
0x29: {  	[sflag:s20] =	ssyncset.done $0x0  }
0x2a: {  	[sflag:s20] =	ssyncadd.s32 $0xFFFFFF80  }
0x2b: {  	[tilespmem:s23], [sflag:$0x1] =	stream.indirect.gather [hbm4b:s4+s22], $0x80, s3, s22, $0xb8;
	[tilespmem:$0x1BC80] =	vst v63  }
0x2c: {  	s5 =	sadd.s32 $0x0, s18  }
0x2d: {  	[tilespmem:s22], [sflag:$0x3] =	stream.linear.gather [hbm4b:s5+s3], $0x80, $0x38;
	[tilespmem:$0x1BC80] =	vst v63  }
0x2e: {  	_ =	swait.ge [sflag:s20], $0x80  }
0x2f: {  	s6 =	sadd.s32 $0x0, s17;
	[sflag:s20] =	ssyncset.done $0x0  }
0x30: {  	s2 =	sadd.s32 $0x10, s6;
	[sflag:s20] =	ssyncadd.s32 $0xFFFFFF80  }
0x31: {  	[tilespmem:s24], [sflag:$0x3] =	stream.linear.gather [hbm4b:s2+s3], $0x80, $0x38;
	[tilespmem:$0x1BC80] =	vst v63  }
0x32: {  	_ =	swait.ge [sflag:s20], $0x80  }
0x33: {  	[sflag:s20] =	ssyncset.done $0x0  }
0x34: {  	[sflag:s20] =	ssyncadd.s32 $0xFFFFFF80  }
0x35: {  	[tilespmem:s25], [sflag:$0x2] =	stream.indirect.gather [hbm4b:s4+s22], $0x80, s22, s22, $0xb8;
	[tilespmem:$0x1BC80] =	vst v63  }
0x36: {  	_ =	swait.ge [sflag:s26], $0x4000  }
0x37: {  	[sflag:s26] =	ssyncset.done $0x0  }
0x38: {  	[sflag:s26] =	ssyncadd.s32 $0xFFFFC000  }
0x39: {  	[spmem:s1] =	stream.indirect.scatter.add.f32 [tilespmem:s23], [sflag:$0x3], $0x80, s21, s22, $0xb8;
	[tilespmem:$0x1BC80] =	vst v63  }
0x3a: {  	_ =	swait.ge [sflag:s20], $0x4000  }
0x3b: {  	[sflag:s20] =	ssyncset.done $0x0  }
0x3c: {  	s8 =	sadd.s32 $0x0, s19;
	[sflag:s20] =	ssyncadd.s32 $0xFFFFC000  }
0x3d: {  	[tilespmem:s3], [sflag:$0x3] =	stream.linear.gather [hbm4b:s8+s3], $0x80, $0x38;
	[tilespmem:$0x1BC80] =	vst v63  }
0x3e: {  	_ =	swait.ge [sflag:s20], $0x80  }
0x3f: {  	[sflag:s20] =	ssyncset.done $0x0  }
0x40: {  	s0 =	sadd.s32 $0x20, s6;
	[sflag:s20] =	ssyncadd.s32 $0xFFFFFF80  }
0x41: {  	[tilespmem:s21], [sflag:$0x3] =	stream.linear.gather [hbm4b:s0+s3], $0x80, $0x38;
	[tilespmem:$0x1BC80] =	vst v63  }
0x42: {  	_ =	swait.ge [sflag:s20], $0x80  }
0x43: {  	[sflag:s20] =	ssyncset.done $0x0  }
0x44: {  	[sflag:s20] =	ssyncadd.s32 $0xFFFFFF80  }
0x45: {  	[tilespmem:s23], [sflag:$0x1] =	stream.indirect.gather [hbm4b:s4+s22], $0x80, s3, s22, $0xb8;
	[tilespmem:$0x1BC80] =	vst v63  }
0x46: {  	_ =	swait.ge [sflag:s28], $0x4000  }
0x47: {  	[sflag:s28] =	ssyncset.done $0x0  }
0x48: {  	[sflag:s28] =	ssyncadd.s32 $0xFFFFC000  }
0x49: {  	[spmem:s1] =	stream.indirect.scatter.add.f32 [tilespmem:s25], [sflag:$0x3], $0x80, s24, s22, $0xb8;
	[tilespmem:$0x1BC80] =	vst v63  }
0x4a: {  	_ =	swait.ge [sflag:s20], $0x4000  }
0x4b: {  	s2 =	simm.s32 $0x40;
	s0 =	simm.s32 $0x20;
	[sflag:s20] =	ssyncset.done $0x0  }
.LBB2_2:
0x4c: {  	s6 =	sadd.s32 s0, s18  }
0x4d: {  	[sflag:s20] =	ssyncadd.s32 $0xFFFFC000;
	s8 =	smov.u32 s2;
	s5 =	sadd.s32 $0x20, s2  }
0x4e: {  	[tilespmem:s22], [sflag:$0x3] =	stream.linear.gather [hbm4b:s6+s3], $0x80, $0x38;
	[tilespmem:$0x1BC80] =	vst v63  }
0x4f: {  	p1 =	sne.s32 s2, $0x4C0;
	_ =	swait.ge [sflag:s20], $0x80  }
0x50: {  	s2 =	sadd.s32 s0, s17;
	[sflag:s20] =	ssyncset.done $0x0  }
0x51: {  	s6 =	sadd.s32 $0x10, s2;
	[sflag:s20] =	ssyncadd.s32 $0xFFFFFF80  }
0x52: {  	[tilespmem:s24], [sflag:$0x3] =	stream.linear.gather [hbm4b:s6+s3], $0x80, $0x38;
	[tilespmem:$0x1BC80] =	vst v63  }
0x53: {  	_ =	swait.ge [sflag:s20], $0x80  }
0x54: {  	[sflag:s20] =	ssyncset.done $0x0  }
0x55: {  	[sflag:s20] =	ssyncadd.s32 $0xFFFFFF80  }
0x56: {  	[tilespmem:s25], [sflag:$0x2] =	stream.indirect.gather [hbm4b:s4+s22], $0x80, s22, s22, $0xb8;
	[tilespmem:$0x1BC80] =	vst v63  }
0x57: {  	_ =	swait.ge [sflag:s26], $0x4000  }
0x58: {  	[sflag:s26] =	ssyncset.done $0x0  }
0x59: {  	[sflag:s26] =	ssyncadd.s32 $0xFFFFC000  }
0x5a: {  	[spmem:s1] =	stream.indirect.scatter.add.f32 [tilespmem:s23], [sflag:$0x3], $0x80, s21, s22, $0xb8;
	[tilespmem:$0x1BC80] =	vst v63  }
0x5b: {  	_ =	swait.ge [sflag:s20], $0x4000  }
0x5c: {  	[sflag:s20] =	ssyncset.done $0x0  }
0x5d: {  	s6 =	sadd.s32 s0, s19;
	s0 =	smov.u32 s8;
	[sflag:s20] =	ssyncadd.s32 $0xFFFFC000  }
0x5e: {  	[tilespmem:s3], [sflag:$0x3] =	stream.linear.gather [hbm4b:s6+s3], $0x80, $0x38;
	[tilespmem:$0x1BC80] =	vst v63  }
0x5f: {  	_ =	swait.ge [sflag:s20], $0x80  }
0x60: {  	[sflag:s20] =	ssyncset.done $0x0  }
0x61: {  	s2 =	sadd.s32 $0x20, s2;
	[sflag:s20] =	ssyncadd.s32 $0xFFFFFF80  }
0x62: {  	[tilespmem:s21], [sflag:$0x3] =	stream.linear.gather [hbm4b:s2+s3], $0x80, $0x38;
	[tilespmem:$0x1BC80] =	vst v63  }
0x63: {  	_ =	swait.ge [sflag:s20], $0x80  }
0x64: {  	[sflag:s20] =	ssyncset.done $0x0  }
0x65: {  	[sflag:s20] =	ssyncadd.s32 $0xFFFFFF80  }
0x66: {  	[tilespmem:s23], [sflag:$0x1] =	stream.indirect.gather [hbm4b:s4+s22], $0x80, s3, s22, $0xb8;
	[tilespmem:$0x1BC80] =	vst v63  }
0x67: {  	_ =	swait.ge [sflag:s28], $0x4000  }
.Ltmp0:
0x68: {  	[sflag:s28] =	ssyncset.done $0x0;
	(pc) =	sbr.rel @p1 .LBB2_2-.Ltmp0, $4  }
0x69: {  	[sflag:s28] =	ssyncadd.s32 $0xFFFFC000  }
0x6a: {  	[spmem:s1] =	stream.indirect.scatter.add.f32 [tilespmem:s25], [sflag:$0x3], $0x80, s24, s22, $0xb8;
	[tilespmem:$0x1BC80] =	vst v63  }
0x6b: {  	_ =	swait.ge [sflag:s20], $0x4000  }
0x6c: {  	s2 =	smov.u32 s5;
	[sflag:s20] =	ssyncset.done $0x0  }
0x6d: {  	s2 =	sadd.s32 s0, s18;
	[sflag:s20] =	ssyncadd.s32 $0xFFFFC000  }
0x6e: {  	[tilespmem:s22], [sflag:$0x3] =	stream.linear.gather [hbm4b:s2+s3], $0x80, $0x38;
	[tilespmem:$0x1BC80] =	vst v63  }
0x6f: {  	_ =	swait.ge [sflag:s20], $0x80  }
0x70: {  	s8 =	sadd.s32 s0, s17;
	[sflag:s20] =	ssyncset.done $0x0  }
0x71: {  	s5 =	sadd.s32 $0x10, s8;
	[sflag:s20] =	ssyncadd.s32 $0xFFFFFF80  }
0x72: {  	[tilespmem:s24], [sflag:$0x3] =	stream.linear.gather [hbm4b:s5+s3], $0x80, $0x38;
	[tilespmem:$0x1BC80] =	vst v63  }
0x73: {  	_ =	swait.ge [sflag:s20], $0x80  }
0x74: {  	[sflag:s20] =	ssyncset.done $0x0  }
0x75: {  	[sflag:s20] =	ssyncadd.s32 $0xFFFFFF80  }
0x76: {  	[tilespmem:s25], [sflag:$0x2] =	stream.indirect.gather [hbm4b:s4+s22], $0x80, s22, s22, $0xb8;
	[tilespmem:$0x1BC80] =	vst v63  }
0x77: {  	_ =	swait.ge [sflag:s26], $0x4000  }
0x78: {  	[sflag:s26] =	ssyncset.done $0x0  }
0x79: {  	[sflag:s26] =	ssyncadd.s32 $0xFFFFC000  }
0x7a: {  	[spmem:s1] =	stream.indirect.scatter.add.f32 [tilespmem:s23], [sflag:$0x3], $0x80, s21, s22, $0xb8;
	[tilespmem:$0x1BC80] =	vst v63  }
0x7b: {  	_ =	swait.ge [sflag:s20], $0x4000  }
0x7c: {  	[sflag:s20] =	ssyncset.done $0x0  }
0x7d: {  	s6 =	sadd.s32 s0, s19;
	[sflag:s20] =	ssyncadd.s32 $0xFFFFC000  }
0x7e: {  	[tilespmem:s3], [sflag:$0x3] =	stream.linear.gather [hbm4b:s6+s3], $0x80, $0x38;
	[tilespmem:$0x1BC80] =	vst v63  }
0x7f: {  	_ =	swait.ge [sflag:s20], $0x80  }
0x80: {  	[sflag:s20] =	ssyncset.done $0x0  }
0x81: {  	s8 =	sadd.s32 $0x20, s8;
	[sflag:s20] =	ssyncadd.s32 $0xFFFFFF80  }
0x82: {  	[tilespmem:s21], [sflag:$0x3] =	stream.linear.gather [hbm4b:s8+s3], $0x80, $0x38;
	[tilespmem:$0x1BC80] =	vst v63  }
0x83: {  	_ =	swait.ge [sflag:s20], $0x80  }
0x84: {  	[sflag:s20] =	ssyncset.done $0x0  }
0x85: {  	[sflag:s20] =	ssyncadd.s32 $0xFFFFFF80  }
0x86: {  	[tilespmem:s23], [sflag:$0x1] =	stream.indirect.gather [hbm4b:s4+s22], $0x80, s3, s22, $0xb8;
	[tilespmem:$0x1BC80] =	vst v63  }
0x87: {  	_ =	swait.ge [sflag:s28], $0x4000  }
0x88: {  	[sflag:s28] =	ssyncset.done $0x0  }
0x89: {  	[sflag:s28] =	ssyncadd.s32 $0xFFFFC000  }
0x8a: {  	[spmem:s1] =	stream.indirect.scatter.add.f32 [tilespmem:s25], [sflag:$0x3], $0x80, s24, s22, $0xb8;
	[tilespmem:$0x1BC80] =	vst v63  }
0x8b: {  	_ =	swait.ge [sflag:s20], $0x4000  }
0x8c: {  	[sflag:s20] =	ssyncset.done $0x0  }
0x8d: {  	[sflag:s20] =	ssyncadd.s32 $0xFFFFC000  }
0x8e: {  	[tilespmem:s22], [sflag:$0x3] =	stream.linear.gather [hbm4b:s15+s3], $0x80, $0x38;
	[tilespmem:$0x1BC80] =	vst v63  }
0x8f: {  	_ =	swait.ge [sflag:s20], $0x80  }
0x90: {  	[sflag:s20] =	ssyncset.done $0x0  }
0x91: {  	[sflag:s20] =	ssyncadd.s32 $0xFFFFFF80  }
0x92: {  	[tilespmem:s24], [sflag:$0x3] =	stream.linear.gather [hbm4b:s16+s3], $0x80, $0x38;
	[tilespmem:$0x1BC80] =	vst v63  }
0x93: {  	_ =	swait.ge [sflag:s20], $0x80  }
0x94: {  	[sflag:s20] =	ssyncset.done $0x0  }
0x95: {  	[sflag:s20] =	ssyncadd.s32 $0xFFFFFF80  }
0x96: {  	[tilespmem:s25], [sflag:$0x2] =	stream.indirect.gather [hbm4b:s4+s22], $0x80, s22, s22, $0xb8;
	[tilespmem:$0x1BC80] =	vst v63  }
0x97: {  	_ =	swait.ge [sflag:s26], $0x4000  }
0x98: {  	[sflag:s26] =	ssyncset.done $0x0  }
0x99: {  	[sflag:s26] =	ssyncadd.s32 $0xFFFFC000  }
0x9a: {  	[spmem:s1] =	stream.indirect.scatter.add.f32 [tilespmem:s23], [sflag:$0x3], $0x80, s21, s22, $0xb8;
	[tilespmem:$0x1BC80] =	vst v63  }
0x9b: {  	_ =	swait.ge [sflag:s20], $0x4000  }
0x9c: {  	[sflag:s20] =	ssyncset.done $0x0  }
0x9d: {  	[sflag:s20] =	ssyncadd.s32 $0xFFFFC000  }
0x9e: {  	_ =	swait.ge [sflag:s28], $0x4000  }
0x9f: {  	[sflag:s28] =	ssyncset.done $0x0  }
0xa0: {  	[sflag:s28] =	ssyncadd.s32 $0xFFFFC000  }
0xa1: {  	[spmem:s1] =	stream.indirect.scatter.add.f32 [tilespmem:s25], [sflag:$0x3], $0x80, s24, s22, $0xb8;
	[tilespmem:$0x1BC80] =	vst v63  }
0xa2: {  	_ =	swait.ge [sflag:s20], $0x4000  }
0xa3: {  	[sflag:s20] =	ssyncset.done $0x0  }
0xa4: {  	[sflag:s20] =	ssyncadd.s32 $0xFFFFC000  }
0xa5: {  	[bflag:$0x0] =	sbarrier.arrive $0xFFFF  }
0xa6: {  	[hbm:s12], [sflag:s7] =	dma.local [spmem:s30], $0x2700  }
0xa7: {  	s29 =	sadd.s32 $0x1, s29;
	_ =	swait.ge [sflag:s20], $0x2700  }
0xa8: {  	p1 =	sne.s32 s29, s14;
	[sflag:s20] =	ssyncset.done $0x0  }
.Ltmp1:
0xa9: {  	s0 =	simm.s32 @!p0 $0x3;
	[sflag:s20] =	ssyncadd.s32 $0xFFFFD900;
	(pc) =	sbr.rel @p1 .LBB2_1-.Ltmp1, $4  }
0xaa: {  	[hbm:s13], [sflag:s7] =	dma.local @!p0 [spmem:s31], $0x100  }
0xab: {  	_ =	swait.ge @!p0 [sflag:s0], $0x100  }
0xac: {  	[sflag:s0] =	ssyncset.done @!p0 $0x0  }
0xad: {  	[sflag:s0] =	ssyncadd.s32 @!p0 $0xFFFFFF00  }
0xae: {  	_ =	sfence.sel $0x180000  }
0xaf: {  	[bflag:$0x0] =	sbarrier.arrive $0xFFFF  }
0xb0: {  	_ =	strace $0x9000004A  }
0xb1: {  	s0 =	stileid.u32;
	[bflag:$0x2] =	sbarrier.arrive $0xFFFF  }
0xb2: {  	p0 =	sne.s32 s0, $0x0;
	s0 =	rddreg [dreg:$0x2]  }
0xb3: {  	s0 =	sadd.s32 @!p0 $0x100000, s0  }
0xb4: {  	[sflag:s0] =	ssyncadd.tile.s32 @!p0 $0x1;
	_ =	shalt  }
.Lfunc_end2:
_tile_overlayer_lowered:
.L_overlay_start_2:
0xb5: {  	(tag) =	ssettag $0x2  }
0xb6: {  	s0 =	rddreg [dreg:$0x0];
	s2 =	stileid.u32  }
0xb7: {  	s1 =	rddreg [dreg:$0x1];
	p0 =	sne.s32 s2, $0x0  }
0xb8: {  	s3 =	rddreg [dreg:$0x2];
	[bflag:$0x3] =	sbarrier.arrive $0xFFFF;
	s2 =	simm.s32 @!p0 $0x1C03  }
0xb9: {  	[timem:s3], [sflag:s2] =	dma.local @!p0 [hbm:s0], s1  }
0xba: {  	s0 =	simm.s32 @!p0 $0x3  }
0xbb: {  	_ =	swait.ge @!p0 [sflag:s0], s1  }
0xbc: {  	s1 =	ssub.s32 @!p0 $0x0, s1;
	[sflag:s0] =	ssyncset.done @!p0 $0x0  }
0xbd: {  	[sflag:s0] =	ssyncadd.s32 @!p0 s1  }
0xbe: {  	[bflag:$0x3] =	sbarrier.arrive $0xFFFF  }
0xbf: {  	_ =	shalt  }

// kernel: kernel.17.cloned.1.call-start
scs
__scs_entry_jumppad:
0x0: {  	(pc) =	sbr.rel $0x88, $3  }
0x1: {  	(tag) =	ssettag $0x0;
	lr =	simm.s32 $0x1  }
0x2: {  	[smem:$0x3F6B] =	sst lr;
	_ =	strace $0xD0000000  }
0x3: {  	_ = 	snop  }
0x4: {  	_ = 	snop  }
0x5: {  	_ = 	snop  }
0x6: {  	_ = 	snop  }
0x7: {  	_ = 	snop  }
__scs_overlays_trampoline_lowered:
0x8: {  	[smem:$0x3F7A] =	sst s0  }
0x9: {  	[smem:$0x3F7B] =	sst s1  }
0xa: {  	[smem:$0x3F7C] =	sst s2  }
0xb: {  	[smem:$0x3F7D] =	sst s3  }
0xc: {  	[smem:$0x3F7E] =	sst s4  }
0xd: {  	[smem:$0x3F7F] =	sst s5  }
0xe: {  	[smem:$0x3F80] =	sst s6  }
0xf: {  	[smem:$0x3F81] =	sst s7  }
0x10: {  	[smem:$0x3F82] =	sst s8  }
0x11: {  	[smem:$0x3F83] =	sst s9;
	s0 =	simm.s32 @!p0 $0x0  }
0x12: {  	s1 =	sld [smem:$0x3F69];
	s0 =	simm.s32 @p0 $0x1  }
0x13: {  	[smem:$0x3F84] =	sst s0;
	s0 =	simm.s32 @!p1 $0x0  }
0x14: {  	s2 =	sld [smem:$0x3F68];
	s0 =	simm.s32 @p1 $0x1  }
0x15: {  	[smem:$0x3F85] =	sst s0;
	s0 =	simm.s32 @!p2 $0x0  }
0x16: {  	s3 =	sld [smem:$0x3FDB];
	s0 =	simm.s32 @p2 $0x1  }
0x17: {  	s4 =	simm.s32 $0x1BF5;
	[smem:$0x3F87] =	sst s0  }
0x18: {  	s0 =	sld [smem:$0x3F6A];
	_ =	swait.ge [sflag:s4], $0x0  }
0x19: {  	s7 =	sld [smem:$0x3F6B]  }
0x1a: {  	s8 =	sadd.s32 $0xFFFFE003, lr  }
0x1b: {  	s9 =	sadd.s32 $0xFFFFFEF7, lr;
	s5 =	simm.s32 $0xFFFFFFFF;
	p2 =	slt.u32 s8, $0xFFFFF086  }
0x1c: {  	p1 =	slt.u32 s9, $0xF7A;
	s5 =	simm.s32 @!p2 $0x0  }
0x1d: {  	s5 =	simm.s32 @p1 $0x1;
	p0 =	seq.s32 s7, s2  }
0x1e: {  	s7 =	smul.u32 @!p0 $0xF7A, s2;
	p2 =	seq.s32 @!p0 s5, $0x0  }
0x1f: {  	s9 =	smul.u32 $0xF7A, s1;
	s8 =	simm.s32 @!p0 $0x1BF5;
	p2 =	por !p2, p0  }
0x20: {  	[sflag:s8] =	ssyncset.s32 @!p0 $0xFFFFF086;
	s6 =	sadd.s32 @!p0 s3, s7;
	s7 =	simm.s32 @!p0 $0x108  }
0x21: {  	s3 =	sadd.s32 s3, s9;
	s6 =	sadd.s32 @!p0 $0x88, s6;
	s7 =	simm.s32 @p2 $0x1082  }
0x22: {  	[simem:s7], [sflag:s8] =	dma.local @!p0 [hbm:s6], $0xF7A  }
0x23: {  	s9 =	sor.u32 $0xD0000000, s2;
	s6 =	simm.s32 $0x108;
	_ =	swait.ge @!p0 [sflag:s8], $0x0  }
0x24: {  	s3 =	sadd.s32 $0x88, s3;
	s6 =	simm.s32 @!p1 $0x1082;
	[sflag:s4] =	ssyncset.s32 $0xFFFFF086  }
0x25: {  	[simem:s6], [sflag:s4] =	dma.local [hbm:s3], $0xF7A  }
0x26: {  	[smem:$0x3F6B] =	sst s1;
	(tag) =	ssettag s2;
	_ =	strace s9  }
0x27: {  	s1 =	sld [smem:$0x3F7B]  }
0x28: {  	s2 =	sld [smem:$0x3F7C]  }
0x29: {  	s4 =	sld [smem:$0x3F7E]  }
0x2a: {  	p0 =	seq.s32 s5, $0x0;
	s5 =	sld [smem:$0x3F7F]  }
0x2b: {  	s6 =	sld [smem:$0x3F80]  }
0x2c: {  	s7 =	sld [smem:$0x3F81]  }
0x2d: {  	s3 =	simm.s32 $0x108;
	s8 =	sld [smem:$0x3F82]  }
0x2e: {  	s3 =	simm.s32 @!p0 $0x1082;
	s9 =	sld [smem:$0x3F83]  }
0x2f: {  	lr =	sadd.s32 s0, s3;
	s0 =	sld [smem:$0x3F7A]  }
0x30: {  	s3 =	sld [smem:$0x3F7D]  }
0x31: {  	[smem:$0x3F86] =	sst s10  }
0x32: {  	s10 =	sld [smem:$0x3F84];
	_ =	sdelay $0x3  }
0x33: {  	p0 =	seq.s32 s10, $0x1;
	s10 =	sld [smem:$0x3F86];
	_ =	sdelay $0x3  }
0x34: {  	[smem:$0x3F86] =	sst s10  }
0x35: {  	s10 =	sld [smem:$0x3F85];
	_ =	sdelay $0x3  }
0x36: {  	p1 =	seq.s32 s10, $0x1;
	s10 =	sld [smem:$0x3F86];
	_ =	sdelay $0x3  }
0x37: {  	[smem:$0x3F86] =	sst s10  }
0x38: {  	s10 =	sld [smem:$0x3F87]  }
0x39: {  	_ = 	snop;
	(pc) =	sbr.ind lr, $3  }
0x3a: {  	_ = 	snop  }
0x3b: {  	_ = 	snop  }
0x3c: {  	p2 =	seq.s32 s10, $0x1;
	s10 =	sld [smem:$0x3F86]  }
0x3d: {  	_ =	shalt  }
0x3e: {  	_ =	shalt  }
0x3f: {  	_ =	shalt  }
0x40: {  	_ =	shalt  }
0x41: {  	_ =	shalt  }
0x42: {  	_ =	shalt  }
0x43: {  	_ =	shalt  }
0x44: {  	_ =	shalt  }
0x45: {  	_ =	shalt  }
0x46: {  	_ =	shalt  }
0x47: {  	_ =	shalt  }
0x48: {  	_ =	shalt  }
0x49: {  	_ =	shalt  }
0x4a: {  	_ =	shalt  }
0x4b: {  	_ =	shalt  }
0x4c: {  	_ =	shalt  }
0x4d: {  	_ =	shalt  }
0x4e: {  	_ =	shalt  }
0x4f: {  	_ =	shalt  }
0x50: {  	_ =	shalt  }
0x51: {  	_ =	shalt  }
0x52: {  	_ =	shalt  }
0x53: {  	_ =	shalt  }
0x54: {  	_ =	shalt  }
0x55: {  	_ =	shalt  }
0x56: {  	_ =	shalt  }
0x57: {  	_ =	shalt  }
0x58: {  	_ =	shalt  }
0x59: {  	_ =	shalt  }
0x5a: {  	_ =	shalt  }
0x5b: {  	_ =	shalt  }
0x5c: {  	_ =	shalt  }
0x5d: {  	_ =	shalt  }
0x5e: {  	_ =	shalt  }
0x5f: {  	_ =	shalt  }
0x60: {  	_ =	shalt  }
0x61: {  	_ =	shalt  }
0x62: {  	_ =	shalt  }
0x63: {  	_ =	shalt  }
0x64: {  	_ =	shalt  }
0x65: {  	_ =	shalt  }
0x66: {  	_ =	shalt  }
0x67: {  	_ =	shalt  }
0x68: {  	_ =	shalt  }
0x69: {  	_ =	shalt  }
0x6a: {  	_ =	shalt  }
0x6b: {  	_ =	shalt  }
0x6c: {  	_ =	shalt  }
0x6d: {  	_ =	shalt  }
0x6e: {  	_ =	shalt  }
0x6f: {  	_ =	shalt  }
0x70: {  	_ =	shalt  }
0x71: {  	_ =	shalt  }
0x72: {  	_ =	shalt  }
0x73: {  	_ =	shalt  }
0x74: {  	_ =	shalt  }
0x75: {  	_ =	shalt  }
0x76: {  	_ =	shalt  }
0x77: {  	_ =	shalt  }
0x78: {  	_ =	shalt  }
0x79: {  	_ =	shalt  }
0x7a: {  	_ =	shalt  }
0x7b: {  	_ =	shalt  }
0x7c: {  	_ =	shalt  }
0x7d: {  	_ =	shalt  }
0x7e: {  	_ =	shalt  }
0x7f: {  	_ =	shalt  }
0x80: {  	_ =	shalt  }
0x81: {  	_ =	shalt  }
0x82: {  	_ =	shalt  }
0x83: {  	_ =	shalt  }
0x84: {  	_ =	shalt  }
0x85: {  	_ =	shalt  }
0x86: {  	_ =	shalt  }
0x87: {  	_ =	shalt  }
.Lfunc_end0:
.L_simem_size_0:
called_computation.2_lowered:
.L_overlay_start_0:
0x88: {  	s2 =	sld [smem:$0x3FD9]  }
0x89: {  	s3 =	sld [smem:$0x3FFE];
	_ =	sdelay $0x1  }
0x8a: {  	s1 =	srdreg.scid  }
0x8b: {  	s0 =	sand.u32 $0x1, s1  }
0x8c: {  	s16 =	sshll.u32 s0, $0xA;
	s2 =	sadd.s32 s3, s2  }
0x8d: {  	s2 =	sadd.s32 s2, s16  }
0x8e: {  	[smem:$0x3F92] =	sst s2  }
0x8f: {  	_ = 	snop  }
0x90: {  	(tm) =	ssettm $0x1  }
0x91: {  	s17 =	sld [smem:$0x3FFB];
	_ =	sdelay $0x3  }
0x92: {  	_ =	strace s17  }
0x93: {  	s2 =	sld [smem:$0x3FFC];
	_ =	sdelay $0x3  }
0x94: {  	_ =	strace s2  }
0x95: {  	s2 =	sld [smem:$0x3FFD];
	_ =	sdelay $0x3  }
0x96: {  	_ =	strace s2  }
0x97: {  	_ =	strace $0x8FFFFFFF  }
0x98: {  	s18 =	sld [smem:$0x3FDB];
	_ =	sdelay $0x1  }
0x99: {  	s19 =	simm.s32 $_scs_section_size  }
0x9a: {  	s4 =	simm.s32 $_size__tile_overlayer_lowered;
	s5 =	simm.s32 $_tile_overlayer_lowered  }
0x9b: {  	s22 =	simm.s32 $0x1BFF;
	s21 =	sshll.u32 s5, $0x1;
	s2 =	sadd.s32 s19, s18  }
0x9c: {  	s6 =	simm.s32 $0x0;
	s20 =	sshll.u32 s4, $0x1;
	s4 =	sadd.s32 s21, s2  }
0x9d: {  	[timem:s6], [sflag:s22] =	dma.local [hbm:s4], s20  }
0x9e: {  	_ =	swait.ge [sflag:s22], s20  }
0x9f: {  	s3 =	ssub.s32 $0x0, s20;
	[sflag:s22] =	ssyncset.done $0x0  }
0xa0: {  	[sflag:s22] =	ssyncadd.s32 s3;
	_ =	sdelay $0x1  }
0xa1: {  	s23 =	simm.s32 $0x1B8B  }
0xa2: {  	_ =	swait.ge [sflag:s23], $0x1  }
0xa3: {  	[sflag:s23] =	ssyncset.done $0x0  }
0xa4: {  	s25 =	simm.s32 $0x1B8E;
	s24 =	sld [smem:$0x3FFE];
	[sflag:s23] =	ssyncadd.s32 $0xFFFFFFFF  }
0xa5: {  	s26 =	simm.s32 $execute0_lowered;
	[smem:$0x3FD2] =	sst s25  }
0xa6: {  	s4 =	sshll.u32 s26, $0x1;
	_ =	strace $0x8000004C;
	[dreg:$0x1] =	wrdreg $0xFFFFFFFF  }
0xa7: {  	s28 =	simm.s32 $_size_execute0_lowered;
	s2 =	sadd.s32 s2, s4;
	[dreg:$0x0] =	wrdreg $0x0  }
0xa8: {  	s4 =	sshll.u32 s28, $0x1;
	[dreg:$0x2] =	wrdreg s2  }
0xa9: {  	[dreg:$0x3] =	wrdreg s4  }
0xaa: {  	[dreg:$0x4] =	wrdreg $0xC0  }
0xab: {  	_ =	task [dreg:s6], $0x5FFFF  }
0xac: {  	[dreg:$0x1] =	wrdreg $0xFFFFFFFF  }
0xad: {  	[dreg:$0x0] =	wrdreg $0x60  }
0xae: {  	[dreg:$0x2] =	wrdreg s24  }
0xaf: {  	[dreg:$0x3] =	wrdreg $0x82000  }
0xb0: {  	[dreg:$0x4] =	wrdreg $0x9  }
0xb1: {  	_ =	task.clear_ibuf [dreg:s6], $0x5FFFF;
	_ =	strace $0x9000004C  }
0xb2: {  	s29 =	simm.s32 $0x9;
	_ =	strace $0x8000004E  }
0xb3: {  	_ =	swait.ge [sflag:s29], $0x1  }
0xb4: {  	[sflag:s29] =	ssyncadd.s32 $0xFFFFFFFF  }
0xb5: {  	_ =	strace $0x9000004E  }
0xb6: {  	_ =	sfence  }
0xb7: {  	s30 =	sld [smem:$0x0];
	_ =	sdelay $0x2  }
0xb8: {  	s31 =	sshll.u32 s1, $0xD;
	s1 =	sshrl.u32 s1, $0x2  }
0xb9: {  	s3 =	sand.u32 $0x4000, s31;
	s1 =	sadd.s32 s1, s30  }
0xba: {  	s0 =	sor.u32 s3, s0;
	s1 =	sshll.u32 s1, $0x11  }
0xbb: {  	s0 =	sor.u32 s1, s0  }
0xbc: {  	s0 =	sadd.s32 $0x8F2B, s0  }
0xbd: {  	[sflag:s0] =	ssyncadd.remote.s32 $0x1  }
0xbe: {  	_ =	sfence.sel $0xFFFF  }
0xbf: {  	[dreg:$0x0] =	wrdreg $0xFFFFFFFF;
	(pc) =	sbr.abs _section_cstart, $3  }
0xc0: {  	[dreg:$0x1] =	wrdreg $0xFFFFFFFF  }
0xc1: {  	_ =	task.clear_ibuf [dreg:s6], $0x2FFFF;
	_ =	strace $0x9FFFFFFF  }
0xc2: {  	(tm) =	ssettm $0x7FFFFFFF  }
0xc3: {  	_ =	shalt  }
tec
execute0_lowered:
.L_overlay_start_1:
0x0: {  	(tag) =	ssettag $0x1  }
0x1: {  	s0 =	rddreg [dreg:$0x0]  }
0x2: {  	s1 =	rddreg [dreg:$0x1];
	s3 =	simm.s32 $0x0;
	s20 =	stileid.u32  }
0x3: {  	s2 =	srdreg.scid;
	s28 =	simm.s32 $0x2;
	s29 =	simm.s32 $0x0  }
0x4: {  	[smem:$0x7FF] =	sst s3;
	s4 =	sadd.s32 $0x19000, s0;
	s5 =	smul.u32 $0x2700, s20  }
0x5: {  	s2 =	sand.u32 $0x1, s2;
	s19 =	sadd.s32 $0xF000, s0;
	s9 =	smul.u32 $0x4E000, s20  }
0x6: {  	s17 =	sadd.s32 $0xA000, s0;
	s13 =	sadd.s32 $0xDC600, s0;
	s12 =	smul.u32 $0x2800, s20  }
0x7: {  	s26 =	sshll.u32 s20, $0x6;
	s31 =	sadd.s32 $0x138000, s1;
	s15 =	smul.u32 $0x28000, s2  }
0x8: {  	p0 =	sne.s32 s20, $0xF;
	_ =	strace $0x8000004D;
	s16 =	smul.u32 $0x27100, s2  }
0x9: {  	s6 =	ssub.s32 $0x2, s2;
	[dreg:$0x5] =	wrdreg s31;
	s2 =	smul.u32 $0x138800, s2  }
0xa: {  	s7 =	sadd.s32 s5, s0;
	s8 =	sshrl.u32 s6, $0x1;
	s25 =	sshrl.u32 s9, $0x2  }
0xb: {  	s11 =	sshrl.u32 s12, $0x3;
	s9 =	sadd.s32 $0xDC400, s0;
	s14 =	ssub.s32 s6, s8  }
0xc: {  	s6 =	sadd.s32 s25, s1;
	s30 =	sadd.s32 $0xB5400, s7;
	s7 =	sor.u32 $0x1C03, s26  }
0xd: {  	s18 =	sadd.s32 s12, s15;
	s11 =	sadd.s32 s17, s11;
	s8 =	sadd.s32 s5, s16  }
0xe: {  	s2 =	sshrl.u32 s2, $0x3;
	s16 =	sadd.s32 $0x2780, s12;
	[dreg:$0x3] =	wrdreg s6  }
0xf: {  	s25 =	smul.u32 $0x500, s20;
	s20 =	simm.s32 $0x3;
	[dreg:$0x4] =	wrdreg s30  }
0x10: {  	s10 =	sshrl.u32 s18, $0x3;
	s12 =	sadd.s32 s13, s8;
	s21 =	sadd.s32 s13, s2  }
0x11: {  	s22 =	sadd.s32 s15, s16;
	s14 =	smax.u32 s14, $0x1;
	s24 =	sshrl.u32 s16, $0x3  }
0x12: {  	s26 =	sor.u32 $0x80, s18;
	s30 =	sor.u32 $0x100, s18;
	s10 =	sadd.s32 s19, s10  }
0x13: {  	s13 =	sadd.s32 $0x27000, s21;
	s23 =	sshrl.u32 s22, $0x3;
	s16 =	sadd.s32 s17, s24  }
0x14: {  	s17 =	sadd.s32 s25, s17;
	s0 =	sshrl.u32 s26, $0x3;
	s31 =	sshrl.u32 s30, $0x3  }
0x15: {  	s21 =	simm.s32 $0x100;
	s22 =	simm.s32 $0x80;
	s24 =	simm.s32 $0x180  }
0x16: {  	s25 =	simm.s32 $0x4200;
	s26 =	simm.s32 $0x1;
	s15 =	sadd.s32 s19, s23  }
0x17: {  	s18 =	sadd.s32 s0, s19;
	s19 =	sadd.s32 s31, s19;
	s23 =	simm.s32 $0x200  }
.LBB2_1:
0x18: {  	s0 =	rddreg [dreg:$0x3]  }
0x19: {  	s2 =	rddreg [dreg:$0x4];
	s30 =	sshrl.u32 s0, $0x3  }
0x1a: {  	[spmem:s30], [sflag:s7] =	dma.local [hbm:s2], $0x2700  }
0x1b: {  	_ =	swait.ge [sflag:s20], $0x2700  }
0x1c: {  	[sflag:s20] =	ssyncset.done $0x0;
	s0 =	rddreg [dreg:$0x5]  }
0x1d: {  	[sflag:s20] =	ssyncadd.s32 $0xFFFFD900;
	s31 =	sshrl.u32 @!p0 s0, $0x3;
	s0 =	simm.s32 @!p0 $0x3  }
0x1e: {  	[spmem:s31], [sflag:s7] =	dma.local @!p0 [hbm:s9], $0x100  }
0x1f: {  	_ =	swait.ge @!p0 [sflag:s0], $0x100  }
0x20: {  	[sflag:s0] =	ssyncset.done @!p0 $0x0  }
0x21: {  	[sflag:s0] =	ssyncadd.s32 @!p0 $0xFFFFFF00  }
0x22: {  	[bflag:$0x0] =	sbarrier.arrive $0xFFFF  }
0x23: {  	[tilespmem:s3], [sflag:$0x3] =	stream.linear.gather [hbm4b:s10+s3], $0x80, $0x38;
	[tilespmem:$0x1BC80] =	vst v63  }
0x24: {  	_ =	swait.ge [sflag:s20], $0x80  }
0x25: {  	[sflag:s20] =	ssyncset.done $0x0  }
0x26: {  	[sflag:s20] =	ssyncadd.s32 $0xFFFFFF80  }
0x27: {  	[tilespmem:s21], [sflag:$0x3] =	stream.linear.gather [hbm4b:s11+s3], $0x80, $0x38;
	[tilespmem:$0x1BC80] =	vst v63  }
0x28: {  	_ =	swait.ge [sflag:s20], $0x80  }
0x29: {  	[sflag:s20] =	ssyncset.done $0x0  }
0x2a: {  	[sflag:s20] =	ssyncadd.s32 $0xFFFFFF80  }
0x2b: {  	[tilespmem:s23], [sflag:$0x1] =	stream.indirect.gather [hbm4b:s4+s22], $0x80, s3, s22, $0xb8;
	[tilespmem:$0x1BC80] =	vst v63  }
0x2c: {  	s5 =	sadd.s32 $0x0, s18  }
0x2d: {  	[tilespmem:s22], [sflag:$0x3] =	stream.linear.gather [hbm4b:s5+s3], $0x80, $0x38;
	[tilespmem:$0x1BC80] =	vst v63  }
0x2e: {  	_ =	swait.ge [sflag:s20], $0x80  }
0x2f: {  	s6 =	sadd.s32 $0x0, s17;
	[sflag:s20] =	ssyncset.done $0x0  }
0x30: {  	s2 =	sadd.s32 $0x10, s6;
	[sflag:s20] =	ssyncadd.s32 $0xFFFFFF80  }
0x31: {  	[tilespmem:s24], [sflag:$0x3] =	stream.linear.gather [hbm4b:s2+s3], $0x80, $0x38;
	[tilespmem:$0x1BC80] =	vst v63  }
0x32: {  	_ =	swait.ge [sflag:s20], $0x80  }
0x33: {  	[sflag:s20] =	ssyncset.done $0x0  }
0x34: {  	[sflag:s20] =	ssyncadd.s32 $0xFFFFFF80  }
0x35: {  	[tilespmem:s25], [sflag:$0x2] =	stream.indirect.gather [hbm4b:s4+s22], $0x80, s22, s22, $0xb8;
	[tilespmem:$0x1BC80] =	vst v63  }
0x36: {  	_ =	swait.ge [sflag:s26], $0x4000  }
0x37: {  	[sflag:s26] =	ssyncset.done $0x0  }
0x38: {  	[sflag:s26] =	ssyncadd.s32 $0xFFFFC000  }
0x39: {  	[spmem:s1] =	stream.indirect.scatter.add.f32 [tilespmem:s23], [sflag:$0x3], $0x80, s21, s22, $0xb8;
	[tilespmem:$0x1BC80] =	vst v63  }
0x3a: {  	_ =	swait.ge [sflag:s20], $0x4000  }
0x3b: {  	[sflag:s20] =	ssyncset.done $0x0  }
0x3c: {  	s8 =	sadd.s32 $0x0, s19;
	[sflag:s20] =	ssyncadd.s32 $0xFFFFC000  }
0x3d: {  	[tilespmem:s3], [sflag:$0x3] =	stream.linear.gather [hbm4b:s8+s3], $0x80, $0x38;
	[tilespmem:$0x1BC80] =	vst v63  }
0x3e: {  	_ =	swait.ge [sflag:s20], $0x80  }
0x3f: {  	[sflag:s20] =	ssyncset.done $0x0  }
0x40: {  	s0 =	sadd.s32 $0x20, s6;
	[sflag:s20] =	ssyncadd.s32 $0xFFFFFF80  }
0x41: {  	[tilespmem:s21], [sflag:$0x3] =	stream.linear.gather [hbm4b:s0+s3], $0x80, $0x38;
	[tilespmem:$0x1BC80] =	vst v63  }
0x42: {  	_ =	swait.ge [sflag:s20], $0x80  }
0x43: {  	[sflag:s20] =	ssyncset.done $0x0  }
0x44: {  	[sflag:s20] =	ssyncadd.s32 $0xFFFFFF80  }
0x45: {  	[tilespmem:s23], [sflag:$0x1] =	stream.indirect.gather [hbm4b:s4+s22], $0x80, s3, s22, $0xb8;
	[tilespmem:$0x1BC80] =	vst v63  }
0x46: {  	_ =	swait.ge [sflag:s28], $0x4000  }
0x47: {  	[sflag:s28] =	ssyncset.done $0x0  }
0x48: {  	[sflag:s28] =	ssyncadd.s32 $0xFFFFC000  }
0x49: {  	[spmem:s1] =	stream.indirect.scatter.add.f32 [tilespmem:s25], [sflag:$0x3], $0x80, s24, s22, $0xb8;
	[tilespmem:$0x1BC80] =	vst v63  }
0x4a: {  	_ =	swait.ge [sflag:s20], $0x4000  }
0x4b: {  	s2 =	simm.s32 $0x40;
	s0 =	simm.s32 $0x20;
	[sflag:s20] =	ssyncset.done $0x0  }
.LBB2_2:
0x4c: {  	s6 =	sadd.s32 s0, s18  }
0x4d: {  	[sflag:s20] =	ssyncadd.s32 $0xFFFFC000;
	s8 =	smov.u32 s2;
	s5 =	sadd.s32 $0x20, s2  }
0x4e: {  	[tilespmem:s22], [sflag:$0x3] =	stream.linear.gather [hbm4b:s6+s3], $0x80, $0x38;
	[tilespmem:$0x1BC80] =	vst v63  }
0x4f: {  	p1 =	sne.s32 s2, $0x4C0;
	_ =	swait.ge [sflag:s20], $0x80  }
0x50: {  	s2 =	sadd.s32 s0, s17;
	[sflag:s20] =	ssyncset.done $0x0  }
0x51: {  	s6 =	sadd.s32 $0x10, s2;
	[sflag:s20] =	ssyncadd.s32 $0xFFFFFF80  }
0x52: {  	[tilespmem:s24], [sflag:$0x3] =	stream.linear.gather [hbm4b:s6+s3], $0x80, $0x38;
	[tilespmem:$0x1BC80] =	vst v63  }
0x53: {  	_ =	swait.ge [sflag:s20], $0x80  }
0x54: {  	[sflag:s20] =	ssyncset.done $0x0  }
0x55: {  	[sflag:s20] =	ssyncadd.s32 $0xFFFFFF80  }
0x56: {  	[tilespmem:s25], [sflag:$0x2] =	stream.indirect.gather [hbm4b:s4+s22], $0x80, s22, s22, $0xb8;
	[tilespmem:$0x1BC80] =	vst v63  }
0x57: {  	_ =	swait.ge [sflag:s26], $0x4000  }
0x58: {  	[sflag:s26] =	ssyncset.done $0x0  }
0x59: {  	[sflag:s26] =	ssyncadd.s32 $0xFFFFC000  }
0x5a: {  	[spmem:s1] =	stream.indirect.scatter.add.f32 [tilespmem:s23], [sflag:$0x3], $0x80, s21, s22, $0xb8;
	[tilespmem:$0x1BC80] =	vst v63  }
0x5b: {  	_ =	swait.ge [sflag:s20], $0x4000  }
0x5c: {  	[sflag:s20] =	ssyncset.done $0x0  }
0x5d: {  	s6 =	sadd.s32 s0, s19;
	s0 =	smov.u32 s8;
	[sflag:s20] =	ssyncadd.s32 $0xFFFFC000  }
0x5e: {  	[tilespmem:s3], [sflag:$0x3] =	stream.linear.gather [hbm4b:s6+s3], $0x80, $0x38;
	[tilespmem:$0x1BC80] =	vst v63  }
0x5f: {  	_ =	swait.ge [sflag:s20], $0x80  }
0x60: {  	[sflag:s20] =	ssyncset.done $0x0  }
0x61: {  	s2 =	sadd.s32 $0x20, s2;
	[sflag:s20] =	ssyncadd.s32 $0xFFFFFF80  }
0x62: {  	[tilespmem:s21], [sflag:$0x3] =	stream.linear.gather [hbm4b:s2+s3], $0x80, $0x38;
	[tilespmem:$0x1BC80] =	vst v63  }
0x63: {  	_ =	swait.ge [sflag:s20], $0x80  }
0x64: {  	[sflag:s20] =	ssyncset.done $0x0  }
0x65: {  	[sflag:s20] =	ssyncadd.s32 $0xFFFFFF80  }
0x66: {  	[tilespmem:s23], [sflag:$0x1] =	stream.indirect.gather [hbm4b:s4+s22], $0x80, s3, s22, $0xb8;
	[tilespmem:$0x1BC80] =	vst v63  }
0x67: {  	_ =	swait.ge [sflag:s28], $0x4000  }
.Ltmp0:
0x68: {  	[sflag:s28] =	ssyncset.done $0x0;
	(pc) =	sbr.rel @p1 .LBB2_2-.Ltmp0, $4  }
0x69: {  	[sflag:s28] =	ssyncadd.s32 $0xFFFFC000  }
0x6a: {  	[spmem:s1] =	stream.indirect.scatter.add.f32 [tilespmem:s25], [sflag:$0x3], $0x80, s24, s22, $0xb8;
	[tilespmem:$0x1BC80] =	vst v63  }
0x6b: {  	_ =	swait.ge [sflag:s20], $0x4000  }
0x6c: {  	s2 =	smov.u32 s5;
	[sflag:s20] =	ssyncset.done $0x0  }
0x6d: {  	s2 =	sadd.s32 s0, s18;
	[sflag:s20] =	ssyncadd.s32 $0xFFFFC000  }
0x6e: {  	[tilespmem:s22], [sflag:$0x3] =	stream.linear.gather [hbm4b:s2+s3], $0x80, $0x38;
	[tilespmem:$0x1BC80] =	vst v63  }
0x6f: {  	_ =	swait.ge [sflag:s20], $0x80  }
0x70: {  	s8 =	sadd.s32 s0, s17;
	[sflag:s20] =	ssyncset.done $0x0  }
0x71: {  	s5 =	sadd.s32 $0x10, s8;
	[sflag:s20] =	ssyncadd.s32 $0xFFFFFF80  }
0x72: {  	[tilespmem:s24], [sflag:$0x3] =	stream.linear.gather [hbm4b:s5+s3], $0x80, $0x38;
	[tilespmem:$0x1BC80] =	vst v63  }
0x73: {  	_ =	swait.ge [sflag:s20], $0x80  }
0x74: {  	[sflag:s20] =	ssyncset.done $0x0  }
0x75: {  	[sflag:s20] =	ssyncadd.s32 $0xFFFFFF80  }
0x76: {  	[tilespmem:s25], [sflag:$0x2] =	stream.indirect.gather [hbm4b:s4+s22], $0x80, s22, s22, $0xb8;
	[tilespmem:$0x1BC80] =	vst v63  }
0x77: {  	_ =	swait.ge [sflag:s26], $0x4000  }
0x78: {  	[sflag:s26] =	ssyncset.done $0x0  }
0x79: {  	[sflag:s26] =	ssyncadd.s32 $0xFFFFC000  }
0x7a: {  	[spmem:s1] =	stream.indirect.scatter.add.f32 [tilespmem:s23], [sflag:$0x3], $0x80, s21, s22, $0xb8;
	[tilespmem:$0x1BC80] =	vst v63  }
0x7b: {  	_ =	swait.ge [sflag:s20], $0x4000  }
0x7c: {  	[sflag:s20] =	ssyncset.done $0x0  }
0x7d: {  	s6 =	sadd.s32 s0, s19;
	[sflag:s20] =	ssyncadd.s32 $0xFFFFC000  }
0x7e: {  	[tilespmem:s3], [sflag:$0x3] =	stream.linear.gather [hbm4b:s6+s3], $0x80, $0x38;
	[tilespmem:$0x1BC80] =	vst v63  }
0x7f: {  	_ =	swait.ge [sflag:s20], $0x80  }
0x80: {  	[sflag:s20] =	ssyncset.done $0x0  }
0x81: {  	s8 =	sadd.s32 $0x20, s8;
	[sflag:s20] =	ssyncadd.s32 $0xFFFFFF80  }
0x82: {  	[tilespmem:s21], [sflag:$0x3] =	stream.linear.gather [hbm4b:s8+s3], $0x80, $0x38;
	[tilespmem:$0x1BC80] =	vst v63  }
0x83: {  	_ =	swait.ge [sflag:s20], $0x80  }
0x84: {  	[sflag:s20] =	ssyncset.done $0x0  }
0x85: {  	[sflag:s20] =	ssyncadd.s32 $0xFFFFFF80  }
0x86: {  	[tilespmem:s23], [sflag:$0x1] =	stream.indirect.gather [hbm4b:s4+s22], $0x80, s3, s22, $0xb8;
	[tilespmem:$0x1BC80] =	vst v63  }
0x87: {  	_ =	swait.ge [sflag:s28], $0x4000  }
0x88: {  	[sflag:s28] =	ssyncset.done $0x0  }
0x89: {  	[sflag:s28] =	ssyncadd.s32 $0xFFFFC000  }
0x8a: {  	[spmem:s1] =	stream.indirect.scatter.add.f32 [tilespmem:s25], [sflag:$0x3], $0x80, s24, s22, $0xb8;
	[tilespmem:$0x1BC80] =	vst v63  }
0x8b: {  	_ =	swait.ge [sflag:s20], $0x4000  }
0x8c: {  	[sflag:s20] =	ssyncset.done $0x0  }
0x8d: {  	[sflag:s20] =	ssyncadd.s32 $0xFFFFC000  }
0x8e: {  	[tilespmem:s22], [sflag:$0x3] =	stream.linear.gather [hbm4b:s15+s3], $0x80, $0x38;
	[tilespmem:$0x1BC80] =	vst v63  }
0x8f: {  	_ =	swait.ge [sflag:s20], $0x80  }
0x90: {  	[sflag:s20] =	ssyncset.done $0x0  }
0x91: {  	[sflag:s20] =	ssyncadd.s32 $0xFFFFFF80  }
0x92: {  	[tilespmem:s24], [sflag:$0x3] =	stream.linear.gather [hbm4b:s16+s3], $0x80, $0x38;
	[tilespmem:$0x1BC80] =	vst v63  }
0x93: {  	_ =	swait.ge [sflag:s20], $0x80  }
0x94: {  	[sflag:s20] =	ssyncset.done $0x0  }
0x95: {  	[sflag:s20] =	ssyncadd.s32 $0xFFFFFF80  }
0x96: {  	[tilespmem:s25], [sflag:$0x2] =	stream.indirect.gather [hbm4b:s4+s22], $0x80, s22, s22, $0xb8;
	[tilespmem:$0x1BC80] =	vst v63  }
0x97: {  	_ =	swait.ge [sflag:s26], $0x4000  }
0x98: {  	[sflag:s26] =	ssyncset.done $0x0  }
0x99: {  	[sflag:s26] =	ssyncadd.s32 $0xFFFFC000  }
0x9a: {  	[spmem:s1] =	stream.indirect.scatter.add.f32 [tilespmem:s23], [sflag:$0x3], $0x80, s21, s22, $0xb8;
	[tilespmem:$0x1BC80] =	vst v63  }
0x9b: {  	_ =	swait.ge [sflag:s20], $0x4000  }
0x9c: {  	[sflag:s20] =	ssyncset.done $0x0  }
0x9d: {  	[sflag:s20] =	ssyncadd.s32 $0xFFFFC000  }
0x9e: {  	_ =	swait.ge [sflag:s28], $0x4000  }
0x9f: {  	[sflag:s28] =	ssyncset.done $0x0  }
0xa0: {  	[sflag:s28] =	ssyncadd.s32 $0xFFFFC000  }
0xa1: {  	[spmem:s1] =	stream.indirect.scatter.add.f32 [tilespmem:s25], [sflag:$0x3], $0x80, s24, s22, $0xb8;
	[tilespmem:$0x1BC80] =	vst v63  }
0xa2: {  	_ =	swait.ge [sflag:s20], $0x4000  }
0xa3: {  	[sflag:s20] =	ssyncset.done $0x0  }
0xa4: {  	[sflag:s20] =	ssyncadd.s32 $0xFFFFC000  }
0xa5: {  	[bflag:$0x0] =	sbarrier.arrive $0xFFFF  }
0xa6: {  	[hbm:s12], [sflag:s7] =	dma.local [spmem:s30], $0x2700  }
0xa7: {  	s29 =	sadd.s32 $0x1, s29;
	_ =	swait.ge [sflag:s20], $0x2700  }
0xa8: {  	p1 =	sne.s32 s29, s14;
	[sflag:s20] =	ssyncset.done $0x0  }
.Ltmp1:
0xa9: {  	s0 =	simm.s32 @!p0 $0x3;
	[sflag:s20] =	ssyncadd.s32 $0xFFFFD900;
	(pc) =	sbr.rel @p1 .LBB2_1-.Ltmp1, $4  }
0xaa: {  	[hbm:s13], [sflag:s7] =	dma.local @!p0 [spmem:s31], $0x100  }
0xab: {  	_ =	swait.ge @!p0 [sflag:s0], $0x100  }
0xac: {  	[sflag:s0] =	ssyncset.done @!p0 $0x0  }
0xad: {  	[sflag:s0] =	ssyncadd.s32 @!p0 $0xFFFFFF00  }
0xae: {  	_ =	sfence.sel $0x180000  }
0xaf: {  	[bflag:$0x0] =	sbarrier.arrive $0xFFFF  }
0xb0: {  	_ =	strace $0x9000004D  }
0xb1: {  	s0 =	stileid.u32;
	[bflag:$0x2] =	sbarrier.arrive $0xFFFF  }
0xb2: {  	p0 =	sne.s32 s0, $0x0;
	s0 =	rddreg [dreg:$0x2]  }
0xb3: {  	s0 =	sadd.s32 @!p0 $0x100000, s0  }
0xb4: {  	[sflag:s0] =	ssyncadd.tile.s32 @!p0 $0x1;
	_ =	shalt  }
.Lfunc_end2:
_tile_overlayer_lowered:
.L_overlay_start_2:
0xb5: {  	(tag) =	ssettag $0x2  }
0xb6: {  	s0 =	rddreg [dreg:$0x0];
	s2 =	stileid.u32  }
0xb7: {  	s1 =	rddreg [dreg:$0x1];
	p0 =	sne.s32 s2, $0x0  }
0xb8: {  	s3 =	rddreg [dreg:$0x2];
	[bflag:$0x3] =	sbarrier.arrive $0xFFFF;
	s2 =	simm.s32 @!p0 $0x1C03  }
0xb9: {  	[timem:s3], [sflag:s2] =	dma.local @!p0 [hbm:s0], s1  }
0xba: {  	s0 =	simm.s32 @!p0 $0x3  }
0xbb: {  	_ =	swait.ge @!p0 [sflag:s0], s1  }
0xbc: {  	s1 =	ssub.s32 @!p0 $0x0, s1;
	[sflag:s0] =	ssyncset.done @!p0 $0x0  }
0xbd: {  	[sflag:s0] =	ssyncadd.s32 @!p0 s1  }
0xbe: {  	[bflag:$0x3] =	sbarrier.arrive $0xFFFF  }
0xbf: {  	_ =	shalt  }

// kernel: kernel.20.cloned.1.call-start
scs
__scs_entry_jumppad:
0x0: {  	(pc) =	sbr.rel $0x88, $3  }
0x1: {  	(tag) =	ssettag $0x0;
	lr =	simm.s32 $0x1  }
0x2: {  	[smem:$0x3F6B] =	sst lr;
	_ =	strace $0xD0000000  }
0x3: {  	_ = 	snop  }
0x4: {  	_ = 	snop  }
0x5: {  	_ = 	snop  }
0x6: {  	_ = 	snop  }
0x7: {  	_ = 	snop  }
__scs_overlays_trampoline_lowered:
0x8: {  	[smem:$0x3F7A] =	sst s0  }
0x9: {  	[smem:$0x3F7B] =	sst s1  }
0xa: {  	[smem:$0x3F7C] =	sst s2  }
0xb: {  	[smem:$0x3F7D] =	sst s3  }
0xc: {  	[smem:$0x3F7E] =	sst s4  }
0xd: {  	[smem:$0x3F7F] =	sst s5  }
0xe: {  	[smem:$0x3F80] =	sst s6  }
0xf: {  	[smem:$0x3F81] =	sst s7  }
0x10: {  	[smem:$0x3F82] =	sst s8  }
0x11: {  	[smem:$0x3F83] =	sst s9;
	s0 =	simm.s32 @!p0 $0x0  }
0x12: {  	s1 =	sld [smem:$0x3F69];
	s0 =	simm.s32 @p0 $0x1  }
0x13: {  	[smem:$0x3F84] =	sst s0;
	s0 =	simm.s32 @!p1 $0x0  }
0x14: {  	s2 =	sld [smem:$0x3F68];
	s0 =	simm.s32 @p1 $0x1  }
0x15: {  	[smem:$0x3F85] =	sst s0;
	s0 =	simm.s32 @!p2 $0x0  }
0x16: {  	s3 =	sld [smem:$0x3FDB];
	s0 =	simm.s32 @p2 $0x1  }
0x17: {  	s4 =	simm.s32 $0x1BF5;
	[smem:$0x3F87] =	sst s0  }
0x18: {  	s0 =	sld [smem:$0x3F6A];
	_ =	swait.ge [sflag:s4], $0x0  }
0x19: {  	s7 =	sld [smem:$0x3F6B]  }
0x1a: {  	s8 =	sadd.s32 $0xFFFFE003, lr  }
0x1b: {  	s9 =	sadd.s32 $0xFFFFFEF7, lr;
	s5 =	simm.s32 $0xFFFFFFFF;
	p2 =	slt.u32 s8, $0xFFFFF086  }
0x1c: {  	p1 =	slt.u32 s9, $0xF7A;
	s5 =	simm.s32 @!p2 $0x0  }
0x1d: {  	s5 =	simm.s32 @p1 $0x1;
	p0 =	seq.s32 s7, s2  }
0x1e: {  	s7 =	smul.u32 @!p0 $0xF7A, s2;
	p2 =	seq.s32 @!p0 s5, $0x0  }
0x1f: {  	s9 =	smul.u32 $0xF7A, s1;
	s8 =	simm.s32 @!p0 $0x1BF5;
	p2 =	por !p2, p0  }
0x20: {  	[sflag:s8] =	ssyncset.s32 @!p0 $0xFFFFF086;
	s6 =	sadd.s32 @!p0 s3, s7;
	s7 =	simm.s32 @!p0 $0x108  }
0x21: {  	s3 =	sadd.s32 s3, s9;
	s6 =	sadd.s32 @!p0 $0x88, s6;
	s7 =	simm.s32 @p2 $0x1082  }
0x22: {  	[simem:s7], [sflag:s8] =	dma.local @!p0 [hbm:s6], $0xF7A  }
0x23: {  	s9 =	sor.u32 $0xD0000000, s2;
	s6 =	simm.s32 $0x108;
	_ =	swait.ge @!p0 [sflag:s8], $0x0  }
0x24: {  	s3 =	sadd.s32 $0x88, s3;
	s6 =	simm.s32 @!p1 $0x1082;
	[sflag:s4] =	ssyncset.s32 $0xFFFFF086  }
0x25: {  	[simem:s6], [sflag:s4] =	dma.local [hbm:s3], $0xF7A  }
0x26: {  	[smem:$0x3F6B] =	sst s1;
	(tag) =	ssettag s2;
	_ =	strace s9  }
0x27: {  	s1 =	sld [smem:$0x3F7B]  }
0x28: {  	s2 =	sld [smem:$0x3F7C]  }
0x29: {  	s4 =	sld [smem:$0x3F7E]  }
0x2a: {  	p0 =	seq.s32 s5, $0x0;
	s5 =	sld [smem:$0x3F7F]  }
0x2b: {  	s6 =	sld [smem:$0x3F80]  }
0x2c: {  	s7 =	sld [smem:$0x3F81]  }
0x2d: {  	s3 =	simm.s32 $0x108;
	s8 =	sld [smem:$0x3F82]  }
0x2e: {  	s3 =	simm.s32 @!p0 $0x1082;
	s9 =	sld [smem:$0x3F83]  }
0x2f: {  	lr =	sadd.s32 s0, s3;
	s0 =	sld [smem:$0x3F7A]  }
0x30: {  	s3 =	sld [smem:$0x3F7D]  }
0x31: {  	[smem:$0x3F86] =	sst s10  }
0x32: {  	s10 =	sld [smem:$0x3F84];
	_ =	sdelay $0x3  }
0x33: {  	p0 =	seq.s32 s10, $0x1;
	s10 =	sld [smem:$0x3F86];
	_ =	sdelay $0x3  }
0x34: {  	[smem:$0x3F86] =	sst s10  }
0x35: {  	s10 =	sld [smem:$0x3F85];
	_ =	sdelay $0x3  }
0x36: {  	p1 =	seq.s32 s10, $0x1;
	s10 =	sld [smem:$0x3F86];
	_ =	sdelay $0x3  }
0x37: {  	[smem:$0x3F86] =	sst s10  }
0x38: {  	s10 =	sld [smem:$0x3F87]  }
0x39: {  	_ = 	snop;
	(pc) =	sbr.ind lr, $3  }
0x3a: {  	_ = 	snop  }
0x3b: {  	_ = 	snop  }
0x3c: {  	p2 =	seq.s32 s10, $0x1;
	s10 =	sld [smem:$0x3F86]  }
0x3d: {  	_ =	shalt  }
0x3e: {  	_ =	shalt  }
0x3f: {  	_ =	shalt  }
0x40: {  	_ =	shalt  }
0x41: {  	_ =	shalt  }
0x42: {  	_ =	shalt  }
0x43: {  	_ =	shalt  }
0x44: {  	_ =	shalt  }
0x45: {  	_ =	shalt  }
0x46: {  	_ =	shalt  }
0x47: {  	_ =	shalt  }
0x48: {  	_ =	shalt  }
0x49: {  	_ =	shalt  }
0x4a: {  	_ =	shalt  }
0x4b: {  	_ =	shalt  }
0x4c: {  	_ =	shalt  }
0x4d: {  	_ =	shalt  }
0x4e: {  	_ =	shalt  }
0x4f: {  	_ =	shalt  }
0x50: {  	_ =	shalt  }
0x51: {  	_ =	shalt  }
0x52: {  	_ =	shalt  }
0x53: {  	_ =	shalt  }
0x54: {  	_ =	shalt  }
0x55: {  	_ =	shalt  }
0x56: {  	_ =	shalt  }
0x57: {  	_ =	shalt  }
0x58: {  	_ =	shalt  }
0x59: {  	_ =	shalt  }
0x5a: {  	_ =	shalt  }
0x5b: {  	_ =	shalt  }
0x5c: {  	_ =	shalt  }
0x5d: {  	_ =	shalt  }
0x5e: {  	_ =	shalt  }
0x5f: {  	_ =	shalt  }
0x60: {  	_ =	shalt  }
0x61: {  	_ =	shalt  }
0x62: {  	_ =	shalt  }
0x63: {  	_ =	shalt  }
0x64: {  	_ =	shalt  }
0x65: {  	_ =	shalt  }
0x66: {  	_ =	shalt  }
0x67: {  	_ =	shalt  }
0x68: {  	_ =	shalt  }
0x69: {  	_ =	shalt  }
0x6a: {  	_ =	shalt  }
0x6b: {  	_ =	shalt  }
0x6c: {  	_ =	shalt  }
0x6d: {  	_ =	shalt  }
0x6e: {  	_ =	shalt  }
0x6f: {  	_ =	shalt  }
0x70: {  	_ =	shalt  }
0x71: {  	_ =	shalt  }
0x72: {  	_ =	shalt  }
0x73: {  	_ =	shalt  }
0x74: {  	_ =	shalt  }
0x75: {  	_ =	shalt  }
0x76: {  	_ =	shalt  }
0x77: {  	_ =	shalt  }
0x78: {  	_ =	shalt  }
0x79: {  	_ =	shalt  }
0x7a: {  	_ =	shalt  }
0x7b: {  	_ =	shalt  }
0x7c: {  	_ =	shalt  }
0x7d: {  	_ =	shalt  }
0x7e: {  	_ =	shalt  }
0x7f: {  	_ =	shalt  }
0x80: {  	_ =	shalt  }
0x81: {  	_ =	shalt  }
0x82: {  	_ =	shalt  }
0x83: {  	_ =	shalt  }
0x84: {  	_ =	shalt  }
0x85: {  	_ =	shalt  }
0x86: {  	_ =	shalt  }
0x87: {  	_ =	shalt  }
.Lfunc_end0:
.L_simem_size_0:
called_computation.3_lowered:
.L_overlay_start_0:
0x88: {  	s2 =	sld [smem:$0x3FD9]  }
0x89: {  	s3 =	sld [smem:$0x3FFE];
	_ =	sdelay $0x1  }
0x8a: {  	s1 =	srdreg.scid  }
0x8b: {  	s0 =	sand.u32 $0x1, s1  }
0x8c: {  	s17 =	sshll.u32 s0, $0xA;
	s2 =	sadd.s32 s3, s2  }
0x8d: {  	s2 =	sadd.s32 s2, s17  }
0x8e: {  	[smem:$0x3F92] =	sst s2  }
0x8f: {  	_ = 	snop  }
0x90: {  	s2 =	sld [smem:$0x3FC6];
	(tm) =	ssettm $0x1  }
0x91: {  	s18 =	sld [smem:$0x3FFB];
	_ =	sdelay $0x3  }
0x92: {  	_ =	strace s18  }
0x93: {  	s3 =	sld [smem:$0x3FFC];
	_ =	sdelay $0x3  }
0x94: {  	_ =	strace s3  }
0x95: {  	s3 =	sld [smem:$0x3FFD];
	_ =	sdelay $0x3  }
0x96: {  	_ =	strace s3  }
0x97: {  	_ =	strace $0x8FFFFFFF  }
0x98: {  	s19 =	sld [smem:$0x3FDB];
	_ =	sdelay $0x1  }
0x99: {  	s4 =	simm.s32 $_scs_section_size  }
0x9a: {  	s5 =	simm.s32 $_size__tile_overlayer_lowered;
	s6 =	simm.s32 $_tile_overlayer_lowered  }
0x9b: {  	s22 =	simm.s32 $0x1BFF;
	s21 =	sshll.u32 s6, $0x1;
	s3 =	sadd.s32 s4, s19  }
0x9c: {  	s7 =	simm.s32 $0x0;
	s20 =	sshll.u32 s5, $0x1;
	s5 =	sadd.s32 s21, s3  }
0x9d: {  	[timem:s7], [sflag:s22] =	dma.local [hbm:s5], s20  }
0x9e: {  	_ =	swait.ge [sflag:s22], s20  }
0x9f: {  	s4 =	ssub.s32 $0x0, s20;
	[sflag:s22] =	ssyncset.done $0x0  }
0xa0: {  	[sflag:s22] =	ssyncadd.s32 s4;
	_ =	sdelay $0x1  }
0xa1: {  	s23 =	simm.s32 $0x1B8B  }
0xa2: {  	_ =	swait.ge [sflag:s23], $0x1  }
0xa3: {  	[sflag:s23] =	ssyncset.done $0x0  }
0xa4: {  	s25 =	simm.s32 $0x1B8E;
	s24 =	sld [smem:$0x3FFE];
	[sflag:s23] =	ssyncadd.s32 $0xFFFFFFFF  }
0xa5: {  	s26 =	simm.s32 $execute0_lowered;
	[smem:$0x3FD2] =	sst s25  }
0xa6: {  	s5 =	sshll.u32 s26, $0x1;
	_ =	strace $0x8000004F;
	[dreg:$0x1] =	wrdreg $0xFFFFFFFF  }
0xa7: {  	s28 =	simm.s32 $_size_execute0_lowered;
	s3 =	sadd.s32 s3, s5;
	[dreg:$0x0] =	wrdreg $0x0  }
0xa8: {  	s5 =	sshll.u32 s28, $0x1;
	[dreg:$0x2] =	wrdreg s3  }
0xa9: {  	[dreg:$0x3] =	wrdreg s5  }
0xaa: {  	[dreg:$0x4] =	wrdreg $0xC0  }
0xab: {  	_ =	task [dreg:s7], $0x5FFFF  }
0xac: {  	[dreg:$0x1] =	wrdreg $0xFFFFFFFF  }
0xad: {  	[dreg:$0x0] =	wrdreg $0x60  }
0xae: {  	[dreg:$0x2] =	wrdreg s24  }
0xaf: {  	[dreg:$0x3] =	wrdreg s2  }
0xb0: {  	[dreg:$0x4] =	wrdreg $0x9  }
0xb1: {  	_ =	task.clear_ibuf [dreg:s7], $0x5FFFF;
	_ =	strace $0x9000004F  }
0xb2: {  	s29 =	simm.s32 $0x9;
	_ =	strace $0x80000051  }
0xb3: {  	_ =	swait.ge [sflag:s29], $0x1  }
0xb4: {  	[sflag:s29] =	ssyncadd.s32 $0xFFFFFFFF  }
0xb5: {  	_ =	strace $0x90000051  }
0xb6: {  	_ =	sfence  }
0xb7: {  	s30 =	sld [smem:$0x0];
	_ =	sdelay $0x2  }
0xb8: {  	s31 =	sshll.u32 s1, $0xD;
	s1 =	sshrl.u32 s1, $0x2  }
0xb9: {  	s3 =	sand.u32 $0x4000, s31;
	s1 =	sadd.s32 s1, s30  }
0xba: {  	s0 =	sor.u32 s3, s0;
	s1 =	sshll.u32 s1, $0x11  }
0xbb: {  	s0 =	sor.u32 s1, s0  }
0xbc: {  	s0 =	sadd.s32 $0x8F2B, s0  }
0xbd: {  	[sflag:s0] =	ssyncadd.remote.s32 $0x1  }
0xbe: {  	_ =	sfence.sel $0xFFFF  }
0xbf: {  	[dreg:$0x0] =	wrdreg $0xFFFFFFFF;
	(pc) =	sbr.abs _section_cstart, $3  }
0xc0: {  	[dreg:$0x1] =	wrdreg $0xFFFFFFFF  }
0xc1: {  	_ =	task.clear_ibuf [dreg:s7], $0x2FFFF;
	_ =	strace $0x9FFFFFFF  }
0xc2: {  	(tm) =	ssettm $0x7FFFFFFF  }
0xc3: {  	_ =	shalt  }
tec
execute0_lowered:
.L_overlay_start_1:
0x0: {  	(tag) =	ssettag $0x1  }
0x1: {  	s4 =	rddreg [dreg:$0x0]  }
0x2: {  	s5 =	rddreg [dreg:$0x1]  }
0x3: {  	s0 =	rddreg [dreg:$0x2];
	s2 =	simm.s32 $0x0;
	s3 =	srdreg.scid  }
0x4: {  	s1 =	stileid.u32;
	s10 =	simm.s32 $0x1080;
	s11 =	simm.s32 $0x1880  }
0x5: {  	s12 =	simm.s32 $0x2080;
	s13 =	simm.s32 $0x2880;
	s14 =	simm.s32 $0x3080  }
0x6: {  	s15 =	simm.s32 $0x3880;
	s16 =	simm.s32 $0x1;
	s6 =	sand.u32 $0x1, s3  }
0x7: {  	[smem:$0x7FF] =	sst s2;
	s7 =	sshll.u32 s1, $0x7;
	s8 =	sshll.u32 s6, $0x6  }
0x8: {  	s3 =	sadd.s32 $0xA000, s4;
	s6 =	ssub.s32 $0x2, s6;
	s7 =	sor.u32 s8, s7  }
0x9: {  	_ =	strace $0x80000050;
	s9 =	sshrl.u32 s6, $0x1;
	s8 =	sshll.u32 s7, $0x5  }
0xa: {  	v2 =	vlaneseq.u32;
	s7 =	sshrl.u32 s7, $0x3;
	s6 =	ssub.s32 s6, s9;
	s9 =	simm.s32 $0x880  }
0xb: {  	vm0 =	vmmov $0xffff;
	v1 =	vshrl.u32 v2, $0x3;
	s8 =	sadd.s32 s8, s4;
	s4 =	sadd.s32 s5, s7;
	s6 =	smax.u32 s6, $0x1  }
0xc: {  	v0 =	vand.u32 $0x7, v2;
	v2 =	vor.u32 $0x8, v2;
	v1 =	vmul.u32 $0x8, v1;
	s7 =	simm.s32 $0x2;
	s5 =	sadd.s32 $0x58200, s8;
	s8 =	simm.s32 $0x80  }
.LBB2_1:
0xd: {  	[tilespmem:s2], [sflag:$0x2] =	stream.linear.gather [hbm4b:s4+s2], $0x40, $0x38;
	[tilespmem:$0x4080] =	vst v63  }
0xe: {  	_ =	swait.ge [sflag:s7], $0x40  }
0xf: {  	[sflag:s7] =	ssyncset.done $0x0  }
0x10: {  	[sflag:s7] =	ssyncadd.s32 $0xFFFFFFC0  }
0x11: {  	v3 =	vld [tilespmem:$0x0];
	_ =	sdelay $0x4  }
0x12: {  	v4 =	vshll.u32 v3, $0x1  }
0x13: {  	v3 =	vand.u32 $0x7, v3;
	v4 =	vand.u32 $0xFFFFFFF0, v4  }
0x14: {  	v3 =	vor.u32 v3, v4  }
0x15: {  	v4 =	vperm.xlane v3, v0;
	_ =	sdelay $0x1  }
0x16: {  	v3 =	vperm.xlane v3, v2;
	v4 =	vadd.s32 v1, v4;
	_ =	sdelay $0x1  }
0x17: {  	v3 =	vadd.s32 v1, v3;
	_ =	sdelay $0x2  }
0x18: {  	[tilespmem:s8], [sflag:$0x1] =	stream.indirect_vreg.gather [hbm4b:s3+s2], $0x80, v4, vm0, $0xb8;
	[tilespmem:$0x4080] =	vst v63  }
0x19: {  	_ = 	snop  }
0x1a: {  	[tilespmem:s9], [sflag:$0x1] =	stream.indirect_vreg.gather [hbm4b:s3+s2], $0x80, v3, vm0, $0xb8;
	[tilespmem:$0x4080] =	vst v63  }
0x1b: {  	v3 =	vld [tilespmem:$0x10];
	_ =	sdelay $0x4  }
0x1c: {  	v61 =	vshll.u32 v3, $0x1  }
0x1d: {  	v3 =	vand.u32 $0x7, v3;
	v4 =	vand.u32 $0xFFFFFFF0, v61  }
0x1e: {  	v3 =	vor.u32 v3, v4  }
0x1f: {  	v4 =	vperm.xlane v3, v0;
	_ =	sdelay $0x1  }
0x20: {  	v3 =	vperm.xlane v3, v2;
	v4 =	vadd.s32 v1, v4;
	_ =	sdelay $0x1  }
0x21: {  	v3 =	vadd.s32 v1, v3;
	_ =	sdelay $0x2  }
0x22: {  	[tilespmem:s10], [sflag:$0x1] =	stream.indirect_vreg.gather [hbm4b:s3+s2], $0x80, v4, vm0, $0xb8;
	[tilespmem:$0x4080] =	vst v63  }
0x23: {  	_ = 	snop  }
0x24: {  	[tilespmem:s11], [sflag:$0x1] =	stream.indirect_vreg.gather [hbm4b:s3+s2], $0x80, v3, vm0, $0xb8;
	[tilespmem:$0x4080] =	vst v63  }
0x25: {  	v3 =	vld [tilespmem:$0x20];
	_ =	sdelay $0x4  }
0x26: {  	v62 =	vshll.u32 v3, $0x1  }
0x27: {  	v3 =	vand.u32 $0x7, v3;
	v4 =	vand.u32 $0xFFFFFFF0, v62  }
0x28: {  	v3 =	vor.u32 v3, v4  }
0x29: {  	v4 =	vperm.xlane v3, v0;
	_ =	sdelay $0x1  }
0x2a: {  	v3 =	vperm.xlane v3, v2;
	v4 =	vadd.s32 v1, v4;
	_ =	sdelay $0x1  }
0x2b: {  	v3 =	vadd.s32 v1, v3;
	_ =	sdelay $0x2  }
0x2c: {  	[tilespmem:s12], [sflag:$0x1] =	stream.indirect_vreg.gather [hbm4b:s3+s2], $0x80, v4, vm0, $0xb8;
	[tilespmem:$0x4080] =	vst v63  }
0x2d: {  	_ = 	snop  }
0x2e: {  	[tilespmem:s13], [sflag:$0x1] =	stream.indirect_vreg.gather [hbm4b:s3+s2], $0x80, v3, vm0, $0xb8;
	[tilespmem:$0x4080] =	vst v63  }
0x2f: {  	v3 =	vld [tilespmem:$0x30];
	_ =	sdelay $0x4  }
0x30: {  	v63 =	vshll.u32 v3, $0x1  }
0x31: {  	v3 =	vand.u32 $0x7, v3;
	v4 =	vand.u32 $0xFFFFFFF0, v63  }
0x32: {  	v3 =	vor.u32 v3, v4  }
0x33: {  	v4 =	vperm.xlane v3, v0;
	_ =	sdelay $0x1  }
0x34: {  	v3 =	vperm.xlane v3, v2;
	v4 =	vadd.s32 v1, v4;
	_ =	sdelay $0x1  }
0x35: {  	v3 =	vadd.s32 v1, v3;
	_ =	sdelay $0x2  }
0x36: {  	[tilespmem:s14], [sflag:$0x1] =	stream.indirect_vreg.gather [hbm4b:s3+s2], $0x80, v4, vm0, $0xb8;
	[tilespmem:$0x4080] =	vst v63  }
0x37: {  	_ = 	snop  }
0x38: {  	[tilespmem:s15], [sflag:$0x1] =	stream.indirect_vreg.gather [hbm4b:s3+s2], $0x80, v3, vm0, $0xb8;
	[tilespmem:$0x4080] =	vst v63  }
0x39: {  	_ =	swait.ge [sflag:s16], $0x4000  }
0x3a: {  	p0 =	sne.s32 s6, $0x1;
	[sflag:s16] =	ssyncset.done $0x0  }
.Ltmp0:
0x3b: {  	[sflag:s16] =	ssyncadd.s32 $0xFFFFC000;
	(pc) =	sbr.rel @p0 .LBB2_1-.Ltmp0, $4  }
0x3c: {  	[hbm4b:s5+s2] =	stream.linear.scatter [tilespmem:s8], [sflag:$0x2], $0x4000, $0x38;
	[tilespmem:$0x4080] =	vst v63  }
0x3d: {  	_ =	swait.ge [sflag:s7], $0x4000  }
0x3e: {  	[sflag:s7] =	ssyncset.done $0x0  }
0x3f: {  	s6 =	sadd.s32 $0xFFFFFFFF, s6;
	[sflag:s7] =	ssyncadd.s32 $0xFFFFC000  }
0x40: {  	_ =	sfence.sel $0x180000  }
0x41: {  	[bflag:$0x0] =	sbarrier.arrive $0xFFFF  }
0x42: {  	p0 =	sne.s32 s1, $0x0;
	_ =	strace $0x90000050  }
0x43: {  	s0 =	sadd.s32 @!p0 $0x100000, s0;
	[bflag:$0x2] =	sbarrier.arrive $0xFFFF  }
0x44: {  	[sflag:s0] =	ssyncadd.tile.s32 @!p0 $0x1;
	_ =	shalt  }
.Lfunc_end2:
_tile_overlayer_lowered:
.L_overlay_start_2:
0x45: {  	(tag) =	ssettag $0x2  }
0x46: {  	s0 =	rddreg [dreg:$0x0];
	s2 =	stileid.u32  }
0x47: {  	s1 =	rddreg [dreg:$0x1];
	p0 =	sne.s32 s2, $0x0  }
0x48: {  	s3 =	rddreg [dreg:$0x2];
	[bflag:$0x3] =	sbarrier.arrive $0xFFFF;
	s2 =	simm.s32 @!p0 $0x1C02  }
0x49: {  	[timem:s3], [sflag:s2] =	dma.local @!p0 [hbm:s0], s1  }
0x4a: {  	s0 =	simm.s32 @!p0 $0x2  }
0x4b: {  	_ =	swait.ge @!p0 [sflag:s0], s1  }
0x4c: {  	s1 =	ssub.s32 @!p0 $0x0, s1;
	[sflag:s0] =	ssyncset.done @!p0 $0x0  }
0x4d: {  	[sflag:s0] =	ssyncadd.s32 @!p0 s1  }
0x4e: {  	[bflag:$0x3] =	sbarrier.arrive $0xFFFF  }
0x4f: {  	_ =	shalt  }

</sc_bundles>
